<compile_context>
chip_gen: v7x
topology: tpu7x:2x2x1
jax: 0.10.2.dev20260603
libtpu: 0.0.44.dev20260713+nightly
codegen_flags: <defaults>
</compile_context>

<pallas_src>
import functools

import jax
import jax.numpy as jnp
from jax import lax
from jax.experimental import pallas as pl
from jax.experimental.pallas import tpu as pltpu
from jax.experimental.pallas import tpu_sc as plsc

N = 10000
E = 320000
D = 128
NC = 2
NS = 16
NW = NC * NS
EPT = E // NW
CH = 128
EPTP = 10240
NCHUNK = EPTP // CH
EPAD = NW * EPTP - E
NP = 10240
RPT = NP // NS

_MESH = plsc.VectorSubcoreMesh(core_axis_name="c", subcore_axis_name="s")


def _sc_agg_body(compute_deg, *refs):
    if compute_deg:
        (h_hbm, pk_hbm, z2_hbm, z1_hbm, ones_hbm,
         acc_out, deg_out,
         pk_v, src_c0, dst_c0, src_c1, dst_c1, rows0, rows1, ones_v,
         acc_sh, deg_sh, sem0, sem1) = refs
    else:
        (h_hbm, pk_hbm, z2_hbm,
         acc_out,
         pk_v, src_c0, dst_c0, src_c1, dst_c1, rows0, rows1,
         acc_sh, sem0, sem1) = refs

    c = lax.axis_index("c")
    s = lax.axis_index("s")
    wid = c * NS + s

    pltpu.sync_copy(pk_hbm.at[wid], pk_v)

    def unpack(k, src_c, dst_c):
        for j in range(CH // 16):
            p = pk_v[k, pl.ds(j * 16, 16)]
            src_c[pl.ds(j * 16, 16)] = jnp.bitwise_and(p, 0xFFFF)
            dst_c[pl.ds(j * 16, 16)] = jnp.right_shift(p, 16)

    def scatter(rows, dst_c):
        pltpu.sync_copy(rows, acc_sh.at[dst_c], add=True)
        if compute_deg:
            pltpu.sync_copy(ones_v, deg_sh.at[dst_c], add=True)

    unpack(0, src_c0, dst_c0)
    unpack(1, src_c1, dst_c1)
    pltpu.async_copy(h_hbm.at[src_c0], rows0, sem0)
    pltpu.async_copy(h_hbm.at[src_c1], rows1, sem1)

    pltpu.sync_copy(z2_hbm, acc_sh.at[pl.ds(s * RPT, RPT)])
    if compute_deg:
        pltpu.sync_copy(z1_hbm, deg_sh.at[pl.ds(s * RPT, RPT)])
        pltpu.sync_copy(ones_hbm, ones_v)
    plsc.subcore_barrier()

    def step(k, src_c, dst_c, rows, sem, prefetch):
        pltpu.make_async_copy(h_hbm.at[src_c], rows, sem).wait()
        scatter(rows, dst_c)
        if prefetch:
            unpack(k + 2, src_c, dst_c)
            pltpu.async_copy(h_hbm.at[src_c], rows, sem)

    def body(i, carry):
        k = 2 * i
        step(k, src_c0, dst_c0, rows0, sem0, True)
        step(k + 1, src_c1, dst_c1, rows1, sem1, True)
        return carry

    if NCHUNK % 2 == 0:
        lax.fori_loop(0, NCHUNK // 2 - 1, body, 0)
        step(NCHUNK - 2, src_c0, dst_c0, rows0, sem0, False)
        step(NCHUNK - 1, src_c1, dst_c1, rows1, sem1, False)
    else:
        lax.fori_loop(0, (NCHUNK - 3) // 2, body, 0)
        step(NCHUNK - 3, src_c0, dst_c0, rows0, sem0, True)
        step(NCHUNK - 2, src_c1, dst_c1, rows1, sem1, False)
        step(NCHUNK - 1, src_c0, dst_c0, rows0, sem0, False)
    plsc.subcore_barrier()

    pltpu.sync_copy(acc_sh.at[pl.ds(s * RPT, RPT)],
                    acc_out.at[c, pl.ds(s * RPT, RPT)])
    if compute_deg:
        pltpu.sync_copy(deg_sh.at[pl.ds(s * RPT, RPT)],
                        deg_out.at[c, pl.ds(s * RPT, RPT)])


_sc_agg_deg = pl.kernel(
    functools.partial(_sc_agg_body, True),
    out_type=(
        jax.ShapeDtypeStruct((NC, NP, D), jnp.float32),
        jax.ShapeDtypeStruct((NC, NP), jnp.float32),
    ),
    mesh=_MESH,
    scratch_types=[
        pltpu.VMEM((NCHUNK, CH), jnp.int32),
        pltpu.VMEM((CH,), jnp.int32),
        pltpu.VMEM((CH,), jnp.int32),
        pltpu.VMEM((CH,), jnp.int32),
        pltpu.VMEM((CH,), jnp.int32),
        pltpu.VMEM((CH, D), jnp.float32),
        pltpu.VMEM((CH, D), jnp.float32),
        pltpu.VMEM((CH,), jnp.float32),
        pltpu.VMEM_SHARED((NP, D), jnp.float32),
        pltpu.VMEM_SHARED((NP,), jnp.float32),
        pltpu.SemaphoreType.DMA,
        pltpu.SemaphoreType.DMA,
    ],
    name="sc_agg_deg",
)

_sc_agg = pl.kernel(
    functools.partial(_sc_agg_body, False),
    out_type=jax.ShapeDtypeStruct((NC, NP, D), jnp.float32),
    mesh=_MESH,
    scratch_types=[
        pltpu.VMEM((NCHUNK, CH), jnp.int32),
        pltpu.VMEM((CH,), jnp.int32),
        pltpu.VMEM((CH,), jnp.int32),
        pltpu.VMEM((CH,), jnp.int32),
        pltpu.VMEM((CH,), jnp.int32),
        pltpu.VMEM((CH, D), jnp.float32),
        pltpu.VMEM((CH, D), jnp.float32),
        pltpu.VMEM_SHARED((NP, D), jnp.float32),
        pltpu.SemaphoreType.DMA,
        pltpu.SemaphoreType.DMA,
    ],
    name="sc_agg",
)

EB = E // 128


def _pack_body(ei_ref, out_ref):
    p = ei_ref[0:1, :] | (ei_ref[1:2, :] << 16)
    out_ref[...] = p.reshape(EB, 128)


_tc_pack = pl.pallas_call(
    _pack_body,
    grid=(1,),
    in_specs=[pl.BlockSpec((2, E), lambda i: (0, 0))],
    out_specs=pl.BlockSpec((EB, 128), lambda i: (0, 0)),
    out_shape=jax.ShapeDtypeStruct((EB, 128), jnp.int32),
)


BN = 1000


def _tc_lin_body(x_ref, w_ref, b_ref, out_ref):
    out_ref[...] = (jnp.dot(x_ref[...], w_ref[...],
                            preferred_element_type=jnp.float32)
                    + b_ref[...])


def _tc_comb1_body(lin_ref, a0_ref, a1_ref, deg_ref, wn_ref, h_out):
    n = (a0_ref[0] + a1_ref[0]) / deg_ref[...]
    h = lin_ref[...] + jnp.dot(n, wn_ref[...],
                               preferred_element_type=jnp.float32)
    h_out[...] = jnp.maximum(h, 0.0)


def _tc_comb2_body(lin_ref, a0_ref, a1_ref, deg_ref, wn_ref, out_ref):
    n = (a0_ref[0] + a1_ref[0]) / deg_ref[...]
    out_ref[...] = lin_ref[...] + jnp.dot(n, wn_ref[...],
                                          preferred_element_type=jnp.float32)


def _row_spec():
    return pl.BlockSpec((BN, D), lambda i: (i, 0))


def _acc_spec(c):
    return pl.BlockSpec((1, BN, D), lambda i, c=c: (c, i, 0))


def _col_spec():
    return pl.BlockSpec((BN, 1), lambda i: (i, 0))


def _full_spec():
    return pl.BlockSpec((D, D), lambda i: (0, 0))


def _bias_spec():
    return pl.BlockSpec((1, D), lambda i: (0, 0))


_tc_lin = pl.pallas_call(
    _tc_lin_body,
    grid=(N // BN,),
    in_specs=[_row_spec(), _full_spec(), _bias_spec()],
    out_specs=_row_spec(),
    out_shape=jax.ShapeDtypeStruct((N, D), jnp.float32),
)

_tc_comb1 = pl.pallas_call(
    _tc_comb1_body,
    grid=(N // BN,),
    in_specs=[_row_spec(), _acc_spec(0), _acc_spec(1), _col_spec(),
              _full_spec()],
    out_specs=_row_spec(),
    out_shape=jax.ShapeDtypeStruct((N, D), jnp.float32),
)

_tc_comb2 = pl.pallas_call(
    _tc_comb2_body,
    grid=(N // BN,),
    in_specs=[_row_spec(), _acc_spec(0), _acc_spec(1), _col_spec(),
              _full_spec()],
    out_specs=_row_spec(),
    out_shape=jax.ShapeDtypeStruct((N, D), jnp.float32),
)


def kernel(x, edge_index, W_self1, W_neigh1, b1, W_self2, W_neigh2, b2,
           W_fc, b_fc):
    ei = edge_index.astype(jnp.int32)
    ar = jnp.arange(EPAD, dtype=jnp.int32)
    pad = (ar % N) | ((N + ar % (NP - N)) << 16)
    pk = jnp.concatenate([_tc_pack(ei).reshape(E), pad])
    pk = pk.reshape(NW, NCHUNK, CH)
    z2 = jnp.zeros((RPT, D), jnp.float32)
    z1 = jnp.zeros((RPT,), jnp.float32)
    ones = jnp.ones((CH,), jnp.float32)

    lin1 = _tc_lin(x, W_self1.T, b1.reshape(1, D))
    acc1, degp = _sc_agg_deg(x, pk, z2, z1, ones)
    deg = jnp.maximum(degp[0, :N] + degp[1, :N], 1.0).reshape(N, 1)
    h1 = _tc_comb1(lin1, acc1, acc1, deg, W_neigh1.T)
    lin2 = _tc_lin(h1, (W_fc @ W_self2).T,
                   (b2 @ W_fc.T + b_fc).reshape(1, D))
    acc2 = _sc_agg(h1, pk, z2)
    out = _tc_comb2(lin2, acc2, acc2, deg, (W_fc @ W_neigh2).T)
    return out

# --- scband reference (transcript-rebuilt; emitter-appended) ---
"""Pipeline reference for scband-node-recommendation-model-91285234909247 (READ-ONLY COPY).

The authoritative reference and input builder live on the scoring server;
editing this copy changes nothing except your own understanding.
"""

import jax, jax.numpy as jnp
import numpy as np

N_NODES = 10000
N_EDGES = 320000
D_IN = 128
D_H = 128


def setup_inputs(seed: int = 0) -> dict:
    key = jax.random.key(seed)
    ks = jax.random.split(key, 12)
    x = jax.random.normal(ks[0], (N_NODES, D_IN), dtype=jnp.float32)
    edge_index = jax.random.randint(ks[1], (2, N_EDGES), 0, N_NODES, dtype=jnp.int64)
    s1 = 1.0 / np.sqrt(D_IN)
    s2 = 1.0 / np.sqrt(D_H)
    W_self1 = jax.random.uniform(ks[2], (D_H, D_IN), jnp.float32, -s1, s1)
    W_neigh1 = jax.random.uniform(ks[3], (D_H, D_IN), jnp.float32, -s1, s1)
    b1 = jax.random.uniform(ks[4], (D_H,), jnp.float32, -s1, s1)
    W_self2 = jax.random.uniform(ks[5], (D_H, D_H), jnp.float32, -s2, s2)
    W_neigh2 = jax.random.uniform(ks[6], (D_H, D_H), jnp.float32, -s2, s2)
    b2 = jax.random.uniform(ks[7], (D_H,), jnp.float32, -s2, s2)
    W_fc = jax.random.uniform(ks[8], (D_IN, D_H), jnp.float32, -s2, s2)
    b_fc = jax.random.uniform(ks[9], (D_IN,), jnp.float32, -s2, s2)
    return {"x": x, "edge_index": edge_index, "W_self1": W_self1, "W_neigh1": W_neigh1, "b1": b1, "W_self2": W_self2, "W_neigh2": W_neigh2, "b2": b2, "W_fc": W_fc, "b_fc": b_fc}


def _sage_mean(h, src, dst, W_self, W_neigh, b, n_nodes):
    # DGL SAGEConv with 'mean' aggregator:
    # h_neigh[v] = mean_{u in N(v)} h[u]; out = fc_self(h) + fc_neigh(h_neigh) + bias
    msg = jnp.take(h, src, axis=0)
    agg = jax.ops.segment_sum(msg, dst, num_segments=n_nodes)
    deg = jax.ops.segment_sum(jnp.ones((src.shape[0],), dtype=h.dtype), dst, num_segments=n_nodes)
    deg = jnp.maximum(deg, 1.0)
    h_neigh = agg / deg[:, None]
    return h @ W_self.T + h_neigh @ W_neigh.T + b


def reference(x, edge_index, W_self1, W_neigh1, b1, W_self2, W_neigh2, b2, W_fc, b_fc):
    src = edge_index[0]
    dst = edge_index[1]
    n = x.shape[0]
    h = _sage_mean(x, src, dst, W_self1, W_neigh1, b1, n)
    h = jax.nn.relu(h)
    h = _sage_mean(h, src, dst, W_self2, W_neigh2, b2, n)
    out = h @ W_fc.T + b_fc
    return out

if __name__ == "__main__":
    import jax
    _d = setup_inputs()
    print(jax.jit(kernel)(*tuple(_d.values())))

</pallas_src>

<mosaic_0001>
#map = affine_map<(d0, d1) -> (0, 0)>
#map1 = affine_map<(d0, d1) -> (0, 0, 0)>
module attributes {stable_mosaic.version = 14 : i64} {
  func.func @sc_agg(%arg0: i32, %arg1: i32, %arg2: memref<10000x128xf32, #tpu.memory_space<hbm>>, %arg3: memref<32x80x128xi32, #tpu.memory_space<hbm>>, %arg4: memref<640x128xf32, #tpu.memory_space<hbm>>, %arg5: memref<2x10240x128xf32, #tpu.memory_space<hbm>>, %arg6: memref<80x128xi32, #tpu.memory_space<vmem>>, %arg7: memref<128xi32, #tpu.memory_space<vmem>>, %arg8: memref<128xi32, #tpu.memory_space<vmem>>, %arg9: memref<128xi32, #tpu.memory_space<vmem>>, %arg10: memref<128xi32, #tpu.memory_space<vmem>>, %arg11: memref<128x128xf32, #tpu.memory_space<vmem>>, %arg12: memref<128x128xf32, #tpu.memory_space<vmem>>, %arg13: memref<10240x128xf32, #tpu.memory_space<vmem_shared>>, %arg14: memref<!tpu.dma_semaphore, #tpu.memory_space<semaphore_mem>>, %arg15: memref<!tpu.dma_semaphore, #tpu.memory_space<semaphore_mem>>) attributes {dimension_semantics = [#tpu.dimension_semantics<core_parallel>, #tpu.dimension_semantics<subcore_parallel>], iteration_bounds = array<i64: 2, 16>, scalar_prefetch = 0 : i64, scratch_operands = 10 : i64, tpu.core_type = #tpu.core_type<sc_vector_subcore>, window_params = [{transform_indices = #map}, {transform_indices = #map1}, {transform_indices = #map}, {transform_indices = #map1}]} {
    %mul3A = arith.constant 16 : i32
    %mul3A_0 = arith.muli %arg0, %mul3A : i32
    %add3A = arith.addi %mul3A_0, %arg1 : i32
    "tpu.region"() ({
      %run_scoped3A = tpu.sem_alloc : memref<!tpu.dma_semaphore, #tpu.memory_space<semaphore_mem>>
      %dma_start3A_323 = arith.constant 0 : i32
      %dma_start3A_324 = arith.constant 0 : i32
      %dma_start3A_325 = tpu.memref_slice %arg3[%add3A, %dma_start3A_323, %dma_start3A_324] : memref<32x80x128xi32, #tpu.memory_space<hbm>> -> memref<1x80x128xi32, #tpu.memory_space<hbm>>
      %dma_start3A_326 = tpu.memref_squeeze %dma_start3A_325 : memref<1x80x128xi32, #tpu.memory_space<hbm>> -> memref<80x128xi32, #tpu.memory_space<hbm>>
      %dma_start3A_327 = arith.constant 0 : i32
      %dma_start3A_328 = arith.constant 0 : i32
      %dma_start3A_329 = tpu.memref_slice %arg3[%add3A, %dma_start3A_327, %dma_start3A_328] : memref<32x80x128xi32, #tpu.memory_space<hbm>> -> memref<1x80x128xi32, #tpu.memory_space<hbm>>
      %dma_start3A_330 = tpu.memref_squeeze %dma_start3A_329 : memref<1x80x128xi32, #tpu.memory_space<hbm>> -> memref<80x128xi32, #tpu.memory_space<hbm>>
      tpu.enqueue_dma source(%dma_start3A_330 : memref<80x128xi32, #tpu.memory_space<hbm>>) target(%arg6 : memref<80x128xi32, #tpu.memory_space<vmem>>) target_semaphore(%run_scoped3A : memref<!tpu.dma_semaphore, #tpu.memory_space<semaphore_mem>>)
      %dma_wait3A_331 = arith.constant 0 : i32
      %dma_wait3A_332 = arith.constant 0 : i32
      %dma_wait3A_333 = tpu.memref_slice %arg3[%add3A, %dma_wait3A_331, %dma_wait3A_332] : memref<32x80x128xi32, #tpu.memory_space<hbm>> -> memref<1x80x128xi32, #tpu.memory_space<hbm>>
      %dma_wait3A_334 = tpu.memref_squeeze %dma_wait3A_333 : memref<1x80x128xi32, #tpu.memory_space<hbm>> -> memref<80x128xi32, #tpu.memory_space<hbm>>
      %dma_wait3A_335 = arith.constant 0 : i32
      %dma_wait3A_336 = arith.constant 0 : i32
      %dma_wait3A_337 = tpu.memref_slice %arg3[%add3A, %dma_wait3A_335, %dma_wait3A_336] : memref<32x80x128xi32, #tpu.memory_space<hbm>> -> memref<1x80x128xi32, #tpu.memory_space<hbm>>
      %dma_wait3A_338 = tpu.memref_squeeze %dma_wait3A_337 : memref<1x80x128xi32, #tpu.memory_space<hbm>> -> memref<80x128xi32, #tpu.memory_space<hbm>>
      tpu.wait_dma2 semaphore(%run_scoped3A : memref<!tpu.dma_semaphore, #tpu.memory_space<semaphore_mem>>) src(%dma_wait3A_338 : memref<80x128xi32, #tpu.memory_space<hbm>>) dst(%arg6 : memref<80x128xi32, #tpu.memory_space<vmem>>)
      tpu.yield
    }) : () -> ()
    %get3A = arith.constant 0 : i32
    %get3A_1 = arith.index_cast %get3A : i32 to index
    %get3A_2 = arith.constant 0 : index
    %get3A_3 = tpu.vector_load %arg6[%get3A_1, %get3A_2] {strides = array<i32>} : memref<80x128xi32, #tpu.memory_space<vmem>>, vector<1x16xi32>,
    %get3A_4 = vector.shape_cast %get3A_3 : vector<1x16xi32> to vector<16xi32>
    %and3A = arith.constant 65535 : i32
    %and3A_5 = vector.broadcast %and3A : i32 to vector<16xi32>
    %and3A_6 = arith.andi %get3A_4, %and3A_5 : vector<16xi32>
    %swap3A = arith.constant 0 : index
    %swap3A_7 = tpu.vector_load %arg7[%swap3A] {strides = array<i32>} : memref<128xi32, #tpu.memory_space<vmem>>, vector<16xi32>,
    %swap3A_8 = vector.shape_cast %swap3A_7 : vector<16xi32> to vector<16xi32>
    %swap3A_9 = vector.shape_cast %and3A_6 : vector<16xi32> to vector<16xi32>
    tpu.vector_store %arg7[%swap3A], %swap3A_9 {strides = array<i32>} : memref<128xi32, #tpu.memory_space<vmem>>, vector<16xi32>,
    %shift_right_arithmetic3A = arith.constant 16 : i32
    %shift_right_arithmetic3A_10 = vector.broadcast %shift_right_arithmetic3A : i32 to vector<16xi32>
    %shift_right_arithmetic3A_11 = arith.shrsi %get3A_4, %shift_right_arithmetic3A_10 : vector<16xi32>
    %swap3A_12 = arith.constant 0 : index
    %swap3A_13 = tpu.vector_load %arg8[%swap3A_12] {strides = array<i32>} : memref<128xi32, #tpu.memory_space<vmem>>, vector<16xi32>,
    %swap3A_14 = vector.shape_cast %swap3A_13 : vector<16xi32> to vector<16xi32>
    %swap3A_15 = vector.shape_cast %shift_right_arithmetic3A_11 : vector<16xi32> to vector<16xi32>
    tpu.vector_store %arg8[%swap3A_12], %swap3A_15 {strides = array<i32>} : memref<128xi32, #tpu.memory_space<vmem>>, vector<16xi32>,
    %get3A_16 = arith.constant 0 : i32
    %get3A_17 = arith.index_cast %get3A_16 : i32 to index
    %get3A_18 = arith.constant 16 : index
    %get3A_19 = tpu.vector_load %arg6[%get3A_17, %get3A_18] {strides = array<i32>} : memref<80x128xi32, #tpu.memory_space<vmem>>, vector<1x16xi32>,
    %get3A_20 = vector.shape_cast %get3A_19 : vector<1x16xi32> to vector<16xi32>
    %and3A_21 = arith.constant 65535 : i32
    %and3A_22 = vector.broadcast %and3A_21 : i32 to vector<16xi32>
    %and3A_23 = arith.andi %get3A_20, %and3A_22 : vector<16xi32>
    %swap3A_24 = arith.constant 16 : index
    %swap3A_25 = tpu.vector_load %arg7[%swap3A_24] {strides = array<i32>} : memref<128xi32, #tpu.memory_space<vmem>>, vector<16xi32>,
    %swap3A_26 = vector.shape_cast %swap3A_25 : vector<16xi32> to vector<16xi32>
    %swap3A_27 = vector.shape_cast %and3A_23 : vector<16xi32> to vector<16xi32>
    tpu.vector_store %arg7[%swap3A_24], %swap3A_27 {strides = array<i32>} : memref<128xi32, #tpu.memory_space<vmem>>, vector<16xi32>,
    %shift_right_arithmetic3A_28 = arith.constant 16 : i32
    %shift_right_arithmetic3A_29 = vector.broadcast %shift_right_arithmetic3A_28 : i32 to vector<16xi32>
    %shift_right_arithmetic3A_30 = arith.shrsi %get3A_20, %shift_right_arithmetic3A_29 : vector<16xi32>
    %swap3A_31 = arith.constant 16 : index
    %swap3A_32 = tpu.vector_load %arg8[%swap3A_31] {strides = array<i32>} : memref<128xi32, #tpu.memory_space<vmem>>, vector<16xi32>,
    %swap3A_33 = vector.shape_cast %swap3A_32 : vector<16xi32> to vector<16xi32>
    %swap3A_34 = vector.shape_cast %shift_right_arithmetic3A_30 : vector<16xi32> to vector<16xi32>
    tpu.vector_store %arg8[%swap3A_31], %swap3A_34 {strides = array<i32>} : memref<128xi32, #tpu.memory_space<vmem>>, vector<16xi32>,
    %get3A_35 = arith.constant 0 : i32
    %get3A_36 = arith.index_cast %get3A_35 : i32 to index
    %get3A_37 = arith.constant 32 : index
    %get3A_38 = tpu.vector_load %arg6[%get3A_36, %get3A_37] {strides = array<i32>} : memref<80x128xi32, #tpu.memory_space<vmem>>, vector<1x16xi32>,
    %get3A_39 = vector.shape_cast %get3A_38 : vector<1x16xi32> to vector<16xi32>
    %and3A_40 = arith.constant 65535 : i32
    %and3A_41 = vector.broadcast %and3A_40 : i32 to vector<16xi32>
    %and3A_42 = arith.andi %get3A_39, %and3A_41 : vector<16xi32>
    %swap3A_43 = arith.constant 32 : index
    %swap3A_44 = tpu.vector_load %arg7[%swap3A_43] {strides = array<i32>} : memref<128xi32, #tpu.memory_space<vmem>>, vector<16xi32>,
    %swap3A_45 = vector.shape_cast %swap3A_44 : vector<16xi32> to vector<16xi32>
    %swap3A_46 = vector.shape_cast %and3A_42 : vector<16xi32> to vector<16xi32>
    tpu.vector_store %arg7[%swap3A_43], %swap3A_46 {strides = array<i32>} : memref<128xi32, #tpu.memory_space<vmem>>, vector<16xi32>,
    %shift_right_arithmetic3A_47 = arith.constant 16 : i32
    %shift_right_arithmetic3A_48 = vector.broadcast %shift_right_arithmetic3A_47 : i32 to vector<16xi32>
    %shift_right_arithmetic3A_49 = arith.shrsi %get3A_39, %shift_right_arithmetic3A_48 : vector<16xi32>
    %swap3A_50 = arith.constant 32 : index
    %swap3A_51 = tpu.vector_load %arg8[%swap3A_50] {strides = array<i32>} : memref<128xi32, #tpu.memory_space<vmem>>, vector<16xi32>,
    %swap3A_52 = vector.shape_cast %swap3A_51 : vector<16xi32> to vector<16xi32>
    %swap3A_53 = vector.shape_cast %shift_right_arithmetic3A_49 : vector<16xi32> to vector<16xi32>
    tpu.vector_store %arg8[%swap3A_50], %swap3A_53 {strides = array<i32>} : memref<128xi32, #tpu.memory_space<vmem>>, vector<16xi32>,
    %get3A_54 = arith.constant 0 : i32
    %get3A_55 = arith.index_cast %get3A_54 : i32 to index
    %get3A_56 = arith.constant 48 : index
    %get3A_57 = tpu.vector_load %arg6[%get3A_55, %get3A_56] {strides = array<i32>} : memref<80x128xi32, #tpu.memory_space<vmem>>, vector<1x16xi32>,
    %get3A_58 = vector.shape_cast %get3A_57 : vector<1x16xi32> to vector<16xi32>
    %and3A_59 = arith.constant 65535 : i32
    %and3A_60 = vector.broadcast %and3A_59 : i32 to vector<16xi32>
    %and3A_61 = arith.andi %get3A_58, %and3A_60 : vector<16xi32>
    %swap3A_62 = arith.constant 48 : index
    %swap3A_63 = tpu.vector_load %arg7[%swap3A_62] {strides = array<i32>} : memref<128xi32, #tpu.memory_space<vmem>>, vector<16xi32>,
    %swap3A_64 = vector.shape_cast %swap3A_63 : vector<16xi32> to vector<16xi32>
    %swap3A_65 = vector.shape_cast %and3A_61 : vector<16xi32> to vector<16xi32>
    tpu.vector_store %arg7[%swap3A_62], %swap3A_65 {strides = array<i32>} : memref<128xi32, #tpu.memory_space<vmem>>, vector<16xi32>,
    %shift_right_arithmetic3A_66 = arith.constant 16 : i32
    %shift_right_arithmetic3A_67 = vector.broadcast %shift_right_arithmetic3A_66 : i32 to vector<16xi32>
    %shift_right_arithmetic3A_68 = arith.shrsi %get3A_58, %shift_right_arithmetic3A_67 : vector<16xi32>
    %swap3A_69 = arith.constant 48 : index
    %swap3A_70 = tpu.vector_load %arg8[%swap3A_69] {strides = array<i32>} : memref<128xi32, #tpu.memory_space<vmem>>, vector<16xi32>,
    %swap3A_71 = vector.shape_cast %swap3A_70 : vector<16xi32> to vector<16xi32>
    %swap3A_72 = vector.shape_cast %shift_right_arithmetic3A_68 : vector<16xi32> to vector<16xi32>
    tpu.vector_store %arg8[%swap3A_69], %swap3A_72 {strides = array<i32>} : memref<128xi32, #tpu.memory_space<vmem>>, vector<16xi32>,
    %get3A_73 = arith.constant 0 : i32
    %get3A_74 = arith.index_cast %get3A_73 : i32 to index
    %get3A_75 = arith.constant 64 : index
    %get3A_76 = tpu.vector_load %arg6[%get3A_74, %get3A_75] {strides = array<i32>} : memref<80x128xi32, #tpu.memory_space<vmem>>, vector<1x16xi32>,
    %get3A_77 = vector.shape_cast %get3A_76 : vector<1x16xi32> to vector<16xi32>
    %and3A_78 = arith.constant 65535 : i32
    %and3A_79 = vector.broadcast %and3A_78 : i32 to vector<16xi32>
    %and3A_80 = arith.andi %get3A_77, %and3A_79 : vector<16xi32>
    %swap3A_81 = arith.constant 64 : index
    %swap3A_82 = tpu.vector_load %arg7[%swap3A_81] {strides = array<i32>} : memref<128xi32, #tpu.memory_space<vmem>>, vector<16xi32>,
    %swap3A_83 = vector.shape_cast %swap3A_82 : vector<16xi32> to vector<16xi32>
    %swap3A_84 = vector.shape_cast %and3A_80 : vector<16xi32> to vector<16xi32>
    tpu.vector_store %arg7[%swap3A_81], %swap3A_84 {strides = array<i32>} : memref<128xi32, #tpu.memory_space<vmem>>, vector<16xi32>,
    %shift_right_arithmetic3A_85 = arith.constant 16 : i32
    %shift_right_arithmetic3A_86 = vector.broadcast %shift_right_arithmetic3A_85 : i32 to vector<16xi32>
    %shift_right_arithmetic3A_87 = arith.shrsi %get3A_77, %shift_right_arithmetic3A_86 : vector<16xi32>
    %swap3A_88 = arith.constant 64 : index
    %swap3A_89 = tpu.vector_load %arg8[%swap3A_88] {strides = array<i32>} : memref<128xi32, #tpu.memory_space<vmem>>, vector<16xi32>,
    %swap3A_90 = vector.shape_cast %swap3A_89 : vector<16xi32> to vector<16xi32>
    %swap3A_91 = vector.shape_cast %shift_right_arithmetic3A_87 : vector<16xi32> to vector<16xi32>
    tpu.vector_store %arg8[%swap3A_88], %swap3A_91 {strides = array<i32>} : memref<128xi32, #tpu.memory_space<vmem>>, vector<16xi32>,
    %get3A_92 = arith.constant 0 : i32
    %get3A_93 = arith.index_cast %get3A_92 : i32 to index
    %get3A_94 = arith.constant 80 : index
    %get3A_95 = tpu.vector_load %arg6[%get3A_93, %get3A_94] {strides = array<i32>} : memref<80x128xi32, #tpu.memory_space<vmem>>, vector<1x16xi32>,
    %get3A_96 = vector.shape_cast %get3A_95 : vector<1x16xi32> to vector<16xi32>
    %and3A_97 = arith.constant 65535 : i32
    %and3A_98 = vector.broadcast %and3A_97 : i32 to vector<16xi32>
    %and3A_99 = arith.andi %get3A_96, %and3A_98 : vector<16xi32>
    %swap3A_100 = arith.constant 80 : index
    %swap3A_101 = tpu.vector_load %arg7[%swap3A_100] {strides = array<i32>} : memref<128xi32, #tpu.memory_space<vmem>>, vector<16xi32>,
    %swap3A_102 = vector.shape_cast %swap3A_101 : vector<16xi32> to vector<16xi32>
    %swap3A_103 = vector.shape_cast %and3A_99 : vector<16xi32> to vector<16xi32>
    tpu.vector_store %arg7[%swap3A_100], %swap3A_103 {strides = array<i32>} : memref<128xi32, #tpu.memory_space<vmem>>, vector<16xi32>,
    %shift_right_arithmetic3A_104 = arith.constant 16 : i32
    %shift_right_arithmetic3A_105 = vector.broadcast %shift_right_arithmetic3A_104 : i32 to vector<16xi32>
    %shift_right_arithmetic3A_106 = arith.shrsi %get3A_96, %shift_right_arithmetic3A_105 : vector<16xi32>
    %swap3A_107 = arith.constant 80 : index
    %swap3A_108 = tpu.vector_load %arg8[%swap3A_107] {strides = array<i32>} : memref<128xi32, #tpu.memory_space<vmem>>, vector<16xi32>,
    %swap3A_109 = vector.shape_cast %swap3A_108 : vector<16xi32> to vector<16xi32>
    %swap3A_110 = vector.shape_cast %shift_right_arithmetic3A_106 : vector<16xi32> to vector<16xi32>
    tpu.vector_store %arg8[%swap3A_107], %swap3A_110 {strides = array<i32>} : memref<128xi32, #tpu.memory_space<vmem>>, vector<16xi32>,
    %get3A_111 = arith.constant 0 : i32
    %get3A_112 = arith.index_cast %get3A_111 : i32 to index
    %get3A_113 = arith.constant 96 : index
    %get3A_114 = tpu.vector_load %arg6[%get3A_112, %get3A_113] {strides = array<i32>} : memref<80x128xi32, #tpu.memory_space<vmem>>, vector<1x16xi32>,
    %get3A_115 = vector.shape_cast %get3A_114 : vector<1x16xi32> to vector<16xi32>
    %and3A_116 = arith.constant 65535 : i32
    %and3A_117 = vector.broadcast %and3A_116 : i32 to vector<16xi32>
    %and3A_118 = arith.andi %get3A_115, %and3A_117 : vector<16xi32>
    %swap3A_119 = arith.constant 96 : index
    %swap3A_120 = tpu.vector_load %arg7[%swap3A_119] {strides = array<i32>} : memref<128xi32, #tpu.memory_space<vmem>>, vector<16xi32>,
    %swap3A_121 = vector.shape_cast %swap3A_120 : vector<16xi32> to vector<16xi32>
    %swap3A_122 = vector.shape_cast %and3A_118 : vector<16xi32> to vector<16xi32>
    tpu.vector_store %arg7[%swap3A_119], %swap3A_122 {strides = array<i32>} : memref<128xi32, #tpu.memory_space<vmem>>, vector<16xi32>,
    %shift_right_arithmetic3A_123 = arith.constant 16 : i32
    %shift_right_arithmetic3A_124 = vector.broadcast %shift_right_arithmetic3A_123 : i32 to vector<16xi32>
    %shift_right_arithmetic3A_125 = arith.shrsi %get3A_115, %shift_right_arithmetic3A_124 : vector<16xi32>
    %swap3A_126 = arith.constant 96 : index
    %swap3A_127 = tpu.vector_load %arg8[%swap3A_126] {strides = array<i32>} : memref<128xi32, #tpu.memory_space<vmem>>, vector<16xi32>,
    %swap3A_128 = vector.shape_cast %swap3A_127 : vector<16xi32> to vector<16xi32>
    %swap3A_129 = vector.shape_cast %shift_right_arithmetic3A_125 : vector<16xi32> to vector<16xi32>
    tpu.vector_store %arg8[%swap3A_126], %swap3A_129 {strides = array<i32>} : memref<128xi32, #tpu.memory_space<vmem>>, vector<16xi32>,
    %get3A_130 = arith.constant 0 : i32
    %get3A_131 = arith.index_cast %get3A_130 : i32 to index
    %get3A_132 = arith.constant 112 : index
    %get3A_133 = tpu.vector_load %arg6[%get3A_131, %get3A_132] {strides = array<i32>} : memref<80x128xi32, #tpu.memory_space<vmem>>, vector<1x16xi32>,
    %get3A_134 = vector.shape_cast %get3A_133 : vector<1x16xi32> to vector<16xi32>
    %and3A_135 = arith.constant 65535 : i32
    %and3A_136 = vector.broadcast %and3A_135 : i32 to vector<16xi32>
    %and3A_137 = arith.andi %get3A_134, %and3A_136 : vector<16xi32>
    %swap3A_138 = arith.constant 112 : index
    %swap3A_139 = tpu.vector_load %arg7[%swap3A_138] {strides = array<i32>} : memref<128xi32, #tpu.memory_space<vmem>>, vector<16xi32>,
    %swap3A_140 = vector.shape_cast %swap3A_139 : vector<16xi32> to vector<16xi32>
    %swap3A_141 = vector.shape_cast %and3A_137 : vector<16xi32> to vector<16xi32>
    tpu.vector_store %arg7[%swap3A_138], %swap3A_141 {strides = array<i32>} : memref<128xi32, #tpu.memory_space<vmem>>, vector<16xi32>,
    %shift_right_arithmetic3A_142 = arith.constant 16 : i32
    %shift_right_arithmetic3A_143 = vector.broadcast %shift_right_arithmetic3A_142 : i32 to vector<16xi32>
    %shift_right_arithmetic3A_144 = arith.shrsi %get3A_134, %shift_right_arithmetic3A_143 : vector<16xi32>
    %swap3A_145 = arith.constant 112 : index
    %swap3A_146 = tpu.vector_load %arg8[%swap3A_145] {strides = array<i32>} : memref<128xi32, #tpu.memory_space<vmem>>, vector<16xi32>,
    %swap3A_147 = vector.shape_cast %swap3A_146 : vector<16xi32> to vector<16xi32>
    %swap3A_148 = vector.shape_cast %shift_right_arithmetic3A_144 : vector<16xi32> to vector<16xi32>
    tpu.vector_store %arg8[%swap3A_145], %swap3A_148 {strides = array<i32>} : memref<128xi32, #tpu.memory_space<vmem>>, vector<16xi32>,
    %get3A_149 = arith.constant 1 : i32
    %get3A_150 = arith.index_cast %get3A_149 : i32 to index
    %get3A_151 = arith.constant 0 : index
    %get3A_152 = tpu.vector_load %arg6[%get3A_150, %get3A_151] {strides = array<i32>} : memref<80x128xi32, #tpu.memory_space<vmem>>, vector<1x16xi32>,
    %get3A_153 = vector.shape_cast %get3A_152 : vector<1x16xi32> to vector<16xi32>
    %and3A_154 = arith.constant 65535 : i32
    %and3A_155 = vector.broadcast %and3A_154 : i32 to vector<16xi32>
    %and3A_156 = arith.andi %get3A_153, %and3A_155 : vector<16xi32>
    %swap3A_157 = arith.constant 0 : index
    %swap3A_158 = tpu.vector_load %arg9[%swap3A_157] {strides = array<i32>} : memref<128xi32, #tpu.memory_space<vmem>>, vector<16xi32>,
    %swap3A_159 = vector.shape_cast %swap3A_158 : vector<16xi32> to vector<16xi32>
    %swap3A_160 = vector.shape_cast %and3A_156 : vector<16xi32> to vector<16xi32>
    tpu.vector_store %arg9[%swap3A_157], %swap3A_160 {strides = array<i32>} : memref<128xi32, #tpu.memory_space<vmem>>, vector<16xi32>,
    %shift_right_arithmetic3A_161 = arith.constant 16 : i32
    %shift_right_arithmetic3A_162 = vector.broadcast %shift_right_arithmetic3A_161 : i32 to vector<16xi32>
    %shift_right_arithmetic3A_163 = arith.shrsi %get3A_153, %shift_right_arithmetic3A_162 : vector<16xi32>
    %swap3A_164 = arith.constant 0 : index
    %swap3A_165 = tpu.vector_load %arg10[%swap3A_164] {strides = array<i32>} : memref<128xi32, #tpu.memory_space<vmem>>, vector<16xi32>,
    %swap3A_166 = vector.shape_cast %swap3A_165 : vector<16xi32> to vector<16xi32>
    %swap3A_167 = vector.shape_cast %shift_right_arithmetic3A_163 : vector<16xi32> to vector<16xi32>
    tpu.vector_store %arg10[%swap3A_164], %swap3A_167 {strides = array<i32>} : memref<128xi32, #tpu.memory_space<vmem>>, vector<16xi32>,
    %get3A_168 = arith.constant 1 : i32
    %get3A_169 = arith.index_cast %get3A_168 : i32 to index
    %get3A_170 = arith.constant 16 : index
    %get3A_171 = tpu.vector_load %arg6[%get3A_169, %get3A_170] {strides = array<i32>} : memref<80x128xi32, #tpu.memory_space<vmem>>, vector<1x16xi32>,
    %get3A_172 = vector.shape_cast %get3A_171 : vector<1x16xi32> to vector<16xi32>
    %and3A_173 = arith.constant 65535 : i32
    %and3A_174 = vector.broadcast %and3A_173 : i32 to vector<16xi32>
    %and3A_175 = arith.andi %get3A_172, %and3A_174 : vector<16xi32>
    %swap3A_176 = arith.constant 16 : index
    %swap3A_177 = tpu.vector_load %arg9[%swap3A_176] {strides = array<i32>} : memref<128xi32, #tpu.memory_space<vmem>>, vector<16xi32>,
    %swap3A_178 = vector.shape_cast %swap3A_177 : vector<16xi32> to vector<16xi32>
    %swap3A_179 = vector.shape_cast %and3A_175 : vector<16xi32> to vector<16xi32>
    tpu.vector_store %arg9[%swap3A_176], %swap3A_179 {strides = array<i32>} : memref<128xi32, #tpu.memory_space<vmem>>, vector<16xi32>,
    %shift_right_arithmetic3A_180 = arith.constant 16 : i32
    %shift_right_arithmetic3A_181 = vector.broadcast %shift_right_arithmetic3A_180 : i32 to vector<16xi32>
    %shift_right_arithmetic3A_182 = arith.shrsi %get3A_172, %shift_right_arithmetic3A_181 : vector<16xi32>
    %swap3A_183 = arith.constant 16 : index
    %swap3A_184 = tpu.vector_load %arg10[%swap3A_183] {strides = array<i32>} : memref<128xi32, #tpu.memory_space<vmem>>, vector<16xi32>,
    %swap3A_185 = vector.shape_cast %swap3A_184 : vector<16xi32> to vector<16xi32>
    %swap3A_186 = vector.shape_cast %shift_right_arithmetic3A_182 : vector<16xi32> to vector<16xi32>
    tpu.vector_store %arg10[%swap3A_183], %swap3A_186 {strides = array<i32>} : memref<128xi32, #tpu.memory_space<vmem>>, vector<16xi32>,
    %get3A_187 = arith.constant 1 : i32
    %get3A_188 = arith.index_cast %get3A_187 : i32 to index
    %get3A_189 = arith.constant 32 : index
    %get3A_190 = tpu.vector_load %arg6[%get3A_188, %get3A_189] {strides = array<i32>} : memref<80x128xi32, #tpu.memory_space<vmem>>, vector<1x16xi32>,
    %get3A_191 = vector.shape_cast %get3A_190 : vector<1x16xi32> to vector<16xi32>
    %and3A_192 = arith.constant 65535 : i32
    %and3A_193 = vector.broadcast %and3A_192 : i32 to vector<16xi32>
    %and3A_194 = arith.andi %get3A_191, %and3A_193 : vector<16xi32>
    %swap3A_195 = arith.constant 32 : index
    %swap3A_196 = tpu.vector_load %arg9[%swap3A_195] {strides = array<i32>} : memref<128xi32, #tpu.memory_space<vmem>>, vector<16xi32>,
    %swap3A_197 = vector.shape_cast %swap3A_196 : vector<16xi32> to vector<16xi32>
    %swap3A_198 = vector.shape_cast %and3A_194 : vector<16xi32> to vector<16xi32>
    tpu.vector_store %arg9[%swap3A_195], %swap3A_198 {strides = array<i32>} : memref<128xi32, #tpu.memory_space<vmem>>, vector<16xi32>,
    %shift_right_arithmetic3A_199 = arith.constant 16 : i32
    %shift_right_arithmetic3A_200 = vector.broadcast %shift_right_arithmetic3A_199 : i32 to vector<16xi32>
    %shift_right_arithmetic3A_201 = arith.shrsi %get3A_191, %shift_right_arithmetic3A_200 : vector<16xi32>
    %swap3A_202 = arith.constant 32 : index
    %swap3A_203 = tpu.vector_load %arg10[%swap3A_202] {strides = array<i32>} : memref<128xi32, #tpu.memory_space<vmem>>, vector<16xi32>,
    %swap3A_204 = vector.shape_cast %swap3A_203 : vector<16xi32> to vector<16xi32>
    %swap3A_205 = vector.shape_cast %shift_right_arithmetic3A_201 : vector<16xi32> to vector<16xi32>
    tpu.vector_store %arg10[%swap3A_202], %swap3A_205 {strides = array<i32>} : memref<128xi32, #tpu.memory_space<vmem>>, vector<16xi32>,
    %get3A_206 = arith.constant 1 : i32
    %get3A_207 = arith.index_cast %get3A_206 : i32 to index
    %get3A_208 = arith.constant 48 : index
    %get3A_209 = tpu.vector_load %arg6[%get3A_207, %get3A_208] {strides = array<i32>} : memref<80x128xi32, #tpu.memory_space<vmem>>, vector<1x16xi32>,
    %get3A_210 = vector.shape_cast %get3A_209 : vector<1x16xi32> to vector<16xi32>
    %and3A_211 = arith.constant 65535 : i32
    %and3A_212 = vector.broadcast %and3A_211 : i32 to vector<16xi32>
    %and3A_213 = arith.andi %get3A_210, %and3A_212 : vector<16xi32>
    %swap3A_214 = arith.constant 48 : index
    %swap3A_215 = tpu.vector_load %arg9[%swap3A_214] {strides = array<i32>} : memref<128xi32, #tpu.memory_space<vmem>>, vector<16xi32>,
    %swap3A_216 = vector.shape_cast %swap3A_215 : vector<16xi32> to vector<16xi32>
    %swap3A_217 = vector.shape_cast %and3A_213 : vector<16xi32> to vector<16xi32>
    tpu.vector_store %arg9[%swap3A_214], %swap3A_217 {strides = array<i32>} : memref<128xi32, #tpu.memory_space<vmem>>, vector<16xi32>,
    %shift_right_arithmetic3A_218 = arith.constant 16 : i32
    %shift_right_arithmetic3A_219 = vector.broadcast %shift_right_arithmetic3A_218 : i32 to vector<16xi32>
    %shift_right_arithmetic3A_220 = arith.shrsi %get3A_210, %shift_right_arithmetic3A_219 : vector<16xi32>
    %swap3A_221 = arith.constant 48 : index
    %swap3A_222 = tpu.vector_load %arg10[%swap3A_221] {strides = array<i32>} : memref<128xi32, #tpu.memory_space<vmem>>, vector<16xi32>,
    %swap3A_223 = vector.shape_cast %swap3A_222 : vector<16xi32> to vector<16xi32>
    %swap3A_224 = vector.shape_cast %shift_right_arithmetic3A_220 : vector<16xi32> to vector<16xi32>
    tpu.vector_store %arg10[%swap3A_221], %swap3A_224 {strides = array<i32>} : memref<128xi32, #tpu.memory_space<vmem>>, vector<16xi32>,
    %get3A_225 = arith.constant 1 : i32
    %get3A_226 = arith.index_cast %get3A_225 : i32 to index
    %get3A_227 = arith.constant 64 : index
    %get3A_228 = tpu.vector_load %arg6[%get3A_226, %get3A_227] {strides = array<i32>} : memref<80x128xi32, #tpu.memory_space<vmem>>, vector<1x16xi32>,
    %get3A_229 = vector.shape_cast %get3A_228 : vector<1x16xi32> to vector<16xi32>
    %and3A_230 = arith.constant 65535 : i32
    %and3A_231 = vector.broadcast %and3A_230 : i32 to vector<16xi32>
    %and3A_232 = arith.andi %get3A_229, %and3A_231 : vector<16xi32>
    %swap3A_233 = arith.constant 64 : index
    %swap3A_234 = tpu.vector_load %arg9[%swap3A_233] {strides = array<i32>} : memref<128xi32, #tpu.memory_space<vmem>>, vector<16xi32>,
    %swap3A_235 = vector.shape_cast %swap3A_234 : vector<16xi32> to vector<16xi32>
    %swap3A_236 = vector.shape_cast %and3A_232 : vector<16xi32> to vector<16xi32>
    tpu.vector_store %arg9[%swap3A_233], %swap3A_236 {strides = array<i32>} : memref<128xi32, #tpu.memory_space<vmem>>, vector<16xi32>,
    %shift_right_arithmetic3A_237 = arith.constant 16 : i32
    %shift_right_arithmetic3A_238 = vector.broadcast %shift_right_arithmetic3A_237 : i32 to vector<16xi32>
    %shift_right_arithmetic3A_239 = arith.shrsi %get3A_229, %shift_right_arithmetic3A_238 : vector<16xi32>
    %swap3A_240 = arith.constant 64 : index
    %swap3A_241 = tpu.vector_load %arg10[%swap3A_240] {strides = array<i32>} : memref<128xi32, #tpu.memory_space<vmem>>, vector<16xi32>,
    %swap3A_242 = vector.shape_cast %swap3A_241 : vector<16xi32> to vector<16xi32>
    %swap3A_243 = vector.shape_cast %shift_right_arithmetic3A_239 : vector<16xi32> to vector<16xi32>
    tpu.vector_store %arg10[%swap3A_240], %swap3A_243 {strides = array<i32>} : memref<128xi32, #tpu.memory_space<vmem>>, vector<16xi32>,
    %get3A_244 = arith.constant 1 : i32
    %get3A_245 = arith.index_cast %get3A_244 : i32 to index
    %get3A_246 = arith.constant 80 : index
    %get3A_247 = tpu.vector_load %arg6[%get3A_245, %get3A_246] {strides = array<i32>} : memref<80x128xi32, #tpu.memory_space<vmem>>, vector<1x16xi32>,
    %get3A_248 = vector.shape_cast %get3A_247 : vector<1x16xi32> to vector<16xi32>
    %and3A_249 = arith.constant 65535 : i32
    %and3A_250 = vector.broadcast %and3A_249 : i32 to vector<16xi32>
    %and3A_251 = arith.andi %get3A_248, %and3A_250 : vector<16xi32>
    %swap3A_252 = arith.constant 80 : index
    %swap3A_253 = tpu.vector_load %arg9[%swap3A_252] {strides = array<i32>} : memref<128xi32, #tpu.memory_space<vmem>>, vector<16xi32>,
    %swap3A_254 = vector.shape_cast %swap3A_253 : vector<16xi32> to vector<16xi32>
    %swap3A_255 = vector.shape_cast %and3A_251 : vector<16xi32> to vector<16xi32>
    tpu.vector_store %arg9[%swap3A_252], %swap3A_255 {strides = array<i32>} : memref<128xi32, #tpu.memory_space<vmem>>, vector<16xi32>,
    %shift_right_arithmetic3A_256 = arith.constant 16 : i32
    %shift_right_arithmetic3A_257 = vector.broadcast %shift_right_arithmetic3A_256 : i32 to vector<16xi32>
    %shift_right_arithmetic3A_258 = arith.shrsi %get3A_248, %shift_right_arithmetic3A_257 : vector<16xi32>
    %swap3A_259 = arith.constant 80 : index
    %swap3A_260 = tpu.vector_load %arg10[%swap3A_259] {strides = array<i32>} : memref<128xi32, #tpu.memory_space<vmem>>, vector<16xi32>,
    %swap3A_261 = vector.shape_cast %swap3A_260 : vector<16xi32> to vector<16xi32>
    %swap3A_262 = vector.shape_cast %shift_right_arithmetic3A_258 : vector<16xi32> to vector<16xi32>
    tpu.vector_store %arg10[%swap3A_259], %swap3A_262 {strides = array<i32>} : memref<128xi32, #tpu.memory_space<vmem>>, vector<16xi32>,
    %get3A_263 = arith.constant 1 : i32
    %get3A_264 = arith.index_cast %get3A_263 : i32 to index
    %get3A_265 = arith.constant 96 : index
    %get3A_266 = tpu.vector_load %arg6[%get3A_264, %get3A_265] {strides = array<i32>} : memref<80x128xi32, #tpu.memory_space<vmem>>, vector<1x16xi32>,
    %get3A_267 = vector.shape_cast %get3A_266 : vector<1x16xi32> to vector<16xi32>
    %and3A_268 = arith.constant 65535 : i32
    %and3A_269 = vector.broadcast %and3A_268 : i32 to vector<16xi32>
    %and3A_270 = arith.andi %get3A_267, %and3A_269 : vector<16xi32>
    %swap3A_271 = arith.constant 96 : index
    %swap3A_272 = tpu.vector_load %arg9[%swap3A_271] {strides = array<i32>} : memref<128xi32, #tpu.memory_space<vmem>>, vector<16xi32>,
    %swap3A_273 = vector.shape_cast %swap3A_272 : vector<16xi32> to vector<16xi32>
    %swap3A_274 = vector.shape_cast %and3A_270 : vector<16xi32> to vector<16xi32>
    tpu.vector_store %arg9[%swap3A_271], %swap3A_274 {strides = array<i32>} : memref<128xi32, #tpu.memory_space<vmem>>, vector<16xi32>,
    %shift_right_arithmetic3A_275 = arith.constant 16 : i32
    %shift_right_arithmetic3A_276 = vector.broadcast %shift_right_arithmetic3A_275 : i32 to vector<16xi32>
    %shift_right_arithmetic3A_277 = arith.shrsi %get3A_267, %shift_right_arithmetic3A_276 : vector<16xi32>
    %swap3A_278 = arith.constant 96 : index
    %swap3A_279 = tpu.vector_load %arg10[%swap3A_278] {strides = array<i32>} : memref<128xi32, #tpu.memory_space<vmem>>, vector<16xi32>,
    %swap3A_280 = vector.shape_cast %swap3A_279 : vector<16xi32> to vector<16xi32>
    %swap3A_281 = vector.shape_cast %shift_right_arithmetic3A_277 : vector<16xi32> to vector<16xi32>
    tpu.vector_store %arg10[%swap3A_278], %swap3A_281 {strides = array<i32>} : memref<128xi32, #tpu.memory_space<vmem>>, vector<16xi32>,
    %get3A_282 = arith.constant 1 : i32
    %get3A_283 = arith.index_cast %get3A_282 : i32 to index
    %get3A_284 = arith.constant 112 : index
    %get3A_285 = tpu.vector_load %arg6[%get3A_283, %get3A_284] {strides = array<i32>} : memref<80x128xi32, #tpu.memory_space<vmem>>, vector<1x16xi32>,
    %get3A_286 = vector.shape_cast %get3A_285 : vector<1x16xi32> to vector<16xi32>
    %and3A_287 = arith.constant 65535 : i32
    %and3A_288 = vector.broadcast %and3A_287 : i32 to vector<16xi32>
    %and3A_289 = arith.andi %get3A_286, %and3A_288 : vector<16xi32>
    %swap3A_290 = arith.constant 112 : index
    %swap3A_291 = tpu.vector_load %arg9[%swap3A_290] {strides = array<i32>} : memref<128xi32, #tpu.memory_space<vmem>>, vector<16xi32>,
    %swap3A_292 = vector.shape_cast %swap3A_291 : vector<16xi32> to vector<16xi32>
    %swap3A_293 = vector.shape_cast %and3A_289 : vector<16xi32> to vector<16xi32>
    tpu.vector_store %arg9[%swap3A_290], %swap3A_293 {strides = array<i32>} : memref<128xi32, #tpu.memory_space<vmem>>, vector<16xi32>,
    %shift_right_arithmetic3A_294 = arith.constant 16 : i32
    %shift_right_arithmetic3A_295 = vector.broadcast %shift_right_arithmetic3A_294 : i32 to vector<16xi32>
    %shift_right_arithmetic3A_296 = arith.shrsi %get3A_286, %shift_right_arithmetic3A_295 : vector<16xi32>
    %swap3A_297 = arith.constant 112 : index
    %swap3A_298 = tpu.vector_load %arg10[%swap3A_297] {strides = array<i32>} : memref<128xi32, #tpu.memory_space<vmem>>, vector<16xi32>,
    %swap3A_299 = vector.shape_cast %swap3A_298 : vector<16xi32> to vector<16xi32>
    %swap3A_300 = vector.shape_cast %shift_right_arithmetic3A_296 : vector<16xi32> to vector<16xi32>
    tpu.vector_store %arg10[%swap3A_297], %swap3A_300 {strides = array<i32>} : memref<128xi32, #tpu.memory_space<vmem>>, vector<16xi32>,
    %dma_start3A = arith.constant 0 : i32
    %dma_start3A_301 = arith.constant 0 : i32
    %dma_start3A_302 = tpu.memref_slice %arg2[%dma_start3A, %dma_start3A_301] : memref<10000x128xf32, #tpu.memory_space<hbm>> -> memref<10000x128xf32, #tpu.memory_space<hbm>>
    tpu.enqueue_indirect_dma source(%dma_start3A_302 : memref<10000x128xf32, #tpu.memory_space<hbm>>) target(%arg11 : memref<128x128xf32, #tpu.memory_space<vmem>>) offsets(%arg7 : memref<128xi32, #tpu.memory_space<vmem>>) semaphore(%arg14 : memref<!tpu.dma_semaphore, #tpu.memory_space<semaphore_mem>>)
    %dma_start3A_303 = arith.constant 0 : i32
    %dma_start3A_304 = arith.constant 0 : i32
    %dma_start3A_305 = tpu.memref_slice %arg2[%dma_start3A_303, %dma_start3A_304] : memref<10000x128xf32, #tpu.memory_space<hbm>> -> memref<10000x128xf32, #tpu.memory_space<hbm>>
    tpu.enqueue_indirect_dma source(%dma_start3A_305 : memref<10000x128xf32, #tpu.memory_space<hbm>>) target(%arg12 : memref<128x128xf32, #tpu.memory_space<vmem>>) offsets(%arg9 : memref<128xi32, #tpu.memory_space<vmem>>) semaphore(%arg15 : memref<!tpu.dma_semaphore, #tpu.memory_space<semaphore_mem>>)
    %mul3A_306 = arith.constant 640 : i32
    %mul3A_307 = arith.muli %arg1, %mul3A_306 : i32
    "tpu.region"() ({
      %run_scoped3A = tpu.sem_alloc : memref<!tpu.dma_semaphore, #tpu.memory_space<semaphore_mem>>
      %dma_start3A_323 = arith.constant 0 : i32
      %dma_start3A_324 = tpu.memref_slice %arg13[%mul3A_307, %dma_start3A_323] : memref<10240x128xf32, #tpu.memory_space<vmem_shared>> -> memref<640x128xf32, #tpu.memory_space<vmem_shared>>
      tpu.enqueue_dma source(%arg4 : memref<640x128xf32, #tpu.memory_space<hbm>>) target(%dma_start3A_324 : memref<640x128xf32, #tpu.memory_space<vmem_shared>>) target_semaphore(%run_scoped3A : memref<!tpu.dma_semaphore, #tpu.memory_space<semaphore_mem>>)
      %dma_wait3A_325 = arith.constant 0 : i32
      %dma_wait3A_326 = tpu.memref_slice %arg13[%mul3A_307, %dma_wait3A_325] : memref<10240x128xf32, #tpu.memory_space<vmem_shared>> -> memref<640x128xf32, #tpu.memory_space<vmem_shared>>
      tpu.wait_dma2 semaphore(%run_scoped3A : memref<!tpu.dma_semaphore, #tpu.memory_space<semaphore_mem>>) src(%arg4 : memref<640x128xf32, #tpu.memory_space<hbm>>) dst(%dma_wait3A_326 : memref<640x128xf32, #tpu.memory_space<vmem_shared>>)
      tpu.yield
    }) : () -> ()
    %barrier3A = arith.constant 0 : index
    tpu.barrier barrier_id(%barrier3A)
    %scan3A = arith.constant 0 : i32
    %scan3A_308 = arith.constant 0 : i32
    %scan3A_309 = arith.constant 39 : i32
    %scan3A_310 = arith.addi %scan3A_308, %scan3A_309 : i32
    %scan3A_311 = arith.constant 1 : i32
    scf.for %scan3A_323 = %scan3A_308 to %scan3A_310 step %scan3A_311  : i32 {
      %mul3A_324 = arith.constant 2 : i32
      %mul3A_325 = arith.muli %mul3A_324, %scan3A_323 : i32
      %dma_wait3A_326 = arith.constant 0 : i32
      %dma_wait3A_327 = arith.constant 0 : i32
      %dma_wait3A_328 = tpu.memref_slice %arg2[%dma_wait3A_326, %dma_wait3A_327] : memref<10000x128xf32, #tpu.memory_space<hbm>> -> memref<10000x128xf32, #tpu.memory_space<hbm>>
      tpu.wait_indirect_dma semaphore(%arg14 : memref<!tpu.dma_semaphore, #tpu.memory_space<semaphore_mem>>) src(%dma_wait3A_328 : memref<10000x128xf32, #tpu.memory_space<hbm>>) dst(%arg11 : memref<128x128xf32, #tpu.memory_space<vmem>>)
      "tpu.region"() ({
        %run_scoped3A = tpu.sem_alloc : memref<!tpu.dma_semaphore, #tpu.memory_space<semaphore_mem>>
        %dma_start3A_632 = arith.constant 0 : i32
        %dma_start3A_633 = arith.constant 0 : i32
        %dma_start3A_634 = tpu.memref_slice %arg13[%dma_start3A_632, %dma_start3A_633] : memref<10240x128xf32, #tpu.memory_space<vmem_shared>> -> memref<10240x128xf32, #tpu.memory_space<vmem_shared>>
        tpu.enqueue_indirect_dma source(%arg11 : memref<128x128xf32, #tpu.memory_space<vmem>>) target(%dma_start3A_634 : memref<10240x128xf32, #tpu.memory_space<vmem_shared>>) offsets(%arg8 : memref<128xi32, #tpu.memory_space<vmem>>) semaphore(%run_scoped3A : memref<!tpu.dma_semaphore, #tpu.memory_space<semaphore_mem>>) {add = true}
        %dma_wait3A_635 = arith.constant 0 : i32
        %dma_wait3A_636 = arith.constant 0 : i32
        %dma_wait3A_637 = tpu.memref_slice %arg13[%dma_wait3A_635, %dma_wait3A_636] : memref<10240x128xf32, #tpu.memory_space<vmem_shared>> -> memref<10240x128xf32, #tpu.memory_space<vmem_shared>>
        tpu.wait_indirect_dma semaphore(%run_scoped3A : memref<!tpu.dma_semaphore, #tpu.memory_space<semaphore_mem>>) src(%arg11 : memref<128x128xf32, #tpu.memory_space<vmem>>) dst(%dma_wait3A_637 : memref<10240x128xf32, #tpu.memory_space<vmem_shared>>)
        tpu.yield
      }) : () -> ()
      %add3A_329 = arith.constant 2 : i32
      %add3A_330 = arith.addi %mul3A_325, %add3A_329 : i32
      %get3A_331 = arith.index_cast %add3A_330 : i32 to index
      %get3A_332 = arith.constant 0 : index
      %get3A_333 = tpu.vector_load %arg6[%get3A_331, %get3A_332] {strides = array<i32>} : memref<80x128xi32, #tpu.memory_space<vmem>>, vector<1x16xi32>,
      %get3A_334 = vector.shape_cast %get3A_333 : vector<1x16xi32> to vector<16xi32>
      %and3A_335 = arith.constant 65535 : i32
      %and3A_336 = vector.broadcast %and3A_335 : i32 to vector<16xi32>
      %and3A_337 = arith.andi %get3A_334, %and3A_336 : vector<16xi32>
      %swap3A_338 = arith.constant 0 : index
      %swap3A_339 = tpu.vector_load %arg7[%swap3A_338] {strides = array<i32>} : memref<128xi32, #tpu.memory_space<vmem>>, vector<16xi32>,
      %swap3A_340 = vector.shape_cast %swap3A_339 : vector<16xi32> to vector<16xi32>
      %swap3A_341 = vector.shape_cast %and3A_337 : vector<16xi32> to vector<16xi32>
      tpu.vector_store %arg7[%swap3A_338], %swap3A_341 {strides = array<i32>} : memref<128xi32, #tpu.memory_space<vmem>>, vector<16xi32>,
      %shift_right_arithmetic3A_342 = arith.constant 16 : i32
      %shift_right_arithmetic3A_343 = vector.broadcast %shift_right_arithmetic3A_342 : i32 to vector<16xi32>
      %shift_right_arithmetic3A_344 = arith.shrsi %get3A_334, %shift_right_arithmetic3A_343 : vector<16xi32>
      %swap3A_345 = arith.constant 0 : index
      %swap3A_346 = tpu.vector_load %arg8[%swap3A_345] {strides = array<i32>} : memref<128xi32, #tpu.memory_space<vmem>>, vector<16xi32>,
      %swap3A_347 = vector.shape_cast %swap3A_346 : vector<16xi32> to vector<16xi32>
      %swap3A_348 = vector.shape_cast %shift_right_arithmetic3A_344 : vector<16xi32> to vector<16xi32>
      tpu.vector_store %arg8[%swap3A_345], %swap3A_348 {strides = array<i32>} : memref<128xi32, #tpu.memory_space<vmem>>, vector<16xi32>,
      %get3A_349 = arith.index_cast %add3A_330 : i32 to index
      %get3A_350 = arith.constant 16 : index
      %get3A_351 = tpu.vector_load %arg6[%get3A_349, %get3A_350] {strides = array<i32>} : memref<80x128xi32, #tpu.memory_space<vmem>>, vector<1x16xi32>,
      %get3A_352 = vector.shape_cast %get3A_351 : vector<1x16xi32> to vector<16xi32>
      %and3A_353 = arith.constant 65535 : i32
      %and3A_354 = vector.broadcast %and3A_353 : i32 to vector<16xi32>
      %and3A_355 = arith.andi %get3A_352, %and3A_354 : vector<16xi32>
      %swap3A_356 = arith.constant 16 : index
      %swap3A_357 = tpu.vector_load %arg7[%swap3A_356] {strides = array<i32>} : memref<128xi32, #tpu.memory_space<vmem>>, vector<16xi32>,
      %swap3A_358 = vector.shape_cast %swap3A_357 : vector<16xi32> to vector<16xi32>
      %swap3A_359 = vector.shape_cast %and3A_355 : vector<16xi32> to vector<16xi32>
      tpu.vector_store %arg7[%swap3A_356], %swap3A_359 {strides = array<i32>} : memref<128xi32, #tpu.memory_space<vmem>>, vector<16xi32>,
      %shift_right_arithmetic3A_360 = arith.constant 16 : i32
      %shift_right_arithmetic3A_361 = vector.broadcast %shift_right_arithmetic3A_360 : i32 to vector<16xi32>
      %shift_right_arithmetic3A_362 = arith.shrsi %get3A_352, %shift_right_arithmetic3A_361 : vector<16xi32>
      %swap3A_363 = arith.constant 16 : index
      %swap3A_364 = tpu.vector_load %arg8[%swap3A_363] {strides = array<i32>} : memref<128xi32, #tpu.memory_space<vmem>>, vector<16xi32>,
      %swap3A_365 = vector.shape_cast %swap3A_364 : vector<16xi32> to vector<16xi32>
      %swap3A_366 = vector.shape_cast %shift_right_arithmetic3A_362 : vector<16xi32> to vector<16xi32>
      tpu.vector_store %arg8[%swap3A_363], %swap3A_366 {strides = array<i32>} : memref<128xi32, #tpu.memory_space<vmem>>, vector<16xi32>,
      %get3A_367 = arith.index_cast %add3A_330 : i32 to index
      %get3A_368 = arith.constant 32 : index
      %get3A_369 = tpu.vector_load %arg6[%get3A_367, %get3A_368] {strides = array<i32>} : memref<80x128xi32, #tpu.memory_space<vmem>>, vector<1x16xi32>,
      %get3A_370 = vector.shape_cast %get3A_369 : vector<1x16xi32> to vector<16xi32>
      %and3A_371 = arith.constant 65535 : i32
      %and3A_372 = vector.broadcast %and3A_371 : i32 to vector<16xi32>
      %and3A_373 = arith.andi %get3A_370, %and3A_372 : vector<16xi32>
      %swap3A_374 = arith.constant 32 : index
      %swap3A_375 = tpu.vector_load %arg7[%swap3A_374] {strides = array<i32>} : memref<128xi32, #tpu.memory_space<vmem>>, vector<16xi32>,
      %swap3A_376 = vector.shape_cast %swap3A_375 : vector<16xi32> to vector<16xi32>
      %swap3A_377 = vector.shape_cast %and3A_373 : vector<16xi32> to vector<16xi32>
      tpu.vector_store %arg7[%swap3A_374], %swap3A_377 {strides = array<i32>} : memref<128xi32, #tpu.memory_space<vmem>>, vector<16xi32>,
      %shift_right_arithmetic3A_378 = arith.constant 16 : i32
      %shift_right_arithmetic3A_379 = vector.broadcast %shift_right_arithmetic3A_378 : i32 to vector<16xi32>
      %shift_right_arithmetic3A_380 = arith.shrsi %get3A_370, %shift_right_arithmetic3A_379 : vector<16xi32>
      %swap3A_381 = arith.constant 32 : index
      %swap3A_382 = tpu.vector_load %arg8[%swap3A_381] {strides = array<i32>} : memref<128xi32, #tpu.memory_space<vmem>>, vector<16xi32>,
      %swap3A_383 = vector.shape_cast %swap3A_382 : vector<16xi32> to vector<16xi32>
      %swap3A_384 = vector.shape_cast %shift_right_arithmetic3A_380 : vector<16xi32> to vector<16xi32>
      tpu.vector_store %arg8[%swap3A_381], %swap3A_384 {strides = array<i32>} : memref<128xi32, #tpu.memory_space<vmem>>, vector<16xi32>,
      %get3A_385 = arith.index_cast %add3A_330 : i32 to index
      %get3A_386 = arith.constant 48 : index
      %get3A_387 = tpu.vector_load %arg6[%get3A_385, %get3A_386] {strides = array<i32>} : memref<80x128xi32, #tpu.memory_space<vmem>>, vector<1x16xi32>,
      %get3A_388 = vector.shape_cast %get3A_387 : vector<1x16xi32> to vector<16xi32>
      %and3A_389 = arith.constant 65535 : i32
      %and3A_390 = vector.broadcast %and3A_389 : i32 to vector<16xi32>
      %and3A_391 = arith.andi %get3A_388, %and3A_390 : vector<16xi32>
      %swap3A_392 = arith.constant 48 : index
      %swap3A_393 = tpu.vector_load %arg7[%swap3A_392] {strides = array<i32>} : memref<128xi32, #tpu.memory_space<vmem>>, vector<16xi32>,
      %swap3A_394 = vector.shape_cast %swap3A_393 : vector<16xi32> to vector<16xi32>
      %swap3A_395 = vector.shape_cast %and3A_391 : vector<16xi32> to vector<16xi32>
      tpu.vector_store %arg7[%swap3A_392], %swap3A_395 {strides = array<i32>} : memref<128xi32, #tpu.memory_space<vmem>>, vector<16xi32>,
      %shift_right_arithmetic3A_396 = arith.constant 16 : i32
      %shift_right_arithmetic3A_397 = vector.broadcast %shift_right_arithmetic3A_396 : i32 to vector<16xi32>
      %shift_right_arithmetic3A_398 = arith.shrsi %get3A_388, %shift_right_arithmetic3A_397 : vector<16xi32>
      %swap3A_399 = arith.constant 48 : index
      %swap3A_400 = tpu.vector_load %arg8[%swap3A_399] {strides = array<i32>} : memref<128xi32, #tpu.memory_space<vmem>>, vector<16xi32>,
      %swap3A_401 = vector.shape_cast %swap3A_400 : vector<16xi32> to vector<16xi32>
      %swap3A_402 = vector.shape_cast %shift_right_arithmetic3A_398 : vector<16xi32> to vector<16xi32>
      tpu.vector_store %arg8[%swap3A_399], %swap3A_402 {strides = array<i32>} : memref<128xi32, #tpu.memory_space<vmem>>, vector<16xi32>,
      %get3A_403 = arith.index_cast %add3A_330 : i32 to index
      %get3A_404 = arith.constant 64 : index
      %get3A_405 = tpu.vector_load %arg6[%get3A_403, %get3A_404] {strides = array<i32>} : memref<80x128xi32, #tpu.memory_space<vmem>>, vector<1x16xi32>,
      %get3A_406 = vector.shape_cast %get3A_405 : vector<1x16xi32> to vector<16xi32>
      %and3A_407 = arith.constant 65535 : i32
      %and3A_408 = vector.broadcast %and3A_407 : i32 to vector<16xi32>
      %and3A_409 = arith.andi %get3A_406, %and3A_408 : vector<16xi32>
      %swap3A_410 = arith.constant 64 : index
      %swap3A_411 = tpu.vector_load %arg7[%swap3A_410] {strides = array<i32>} : memref<128xi32, #tpu.memory_space<vmem>>, vector<16xi32>,
      %swap3A_412 = vector.shape_cast %swap3A_411 : vector<16xi32> to vector<16xi32>
      %swap3A_413 = vector.shape_cast %and3A_409 : vector<16xi32> to vector<16xi32>
      tpu.vector_store %arg7[%swap3A_410], %swap3A_413 {strides = array<i32>} : memref<128xi32, #tpu.memory_space<vmem>>, vector<16xi32>,
      %shift_right_arithmetic3A_414 = arith.constant 16 : i32
      %shift_right_arithmetic3A_415 = vector.broadcast %shift_right_arithmetic3A_414 : i32 to vector<16xi32>
      %shift_right_arithmetic3A_416 = arith.shrsi %get3A_406, %shift_right_arithmetic3A_415 : vector<16xi32>
      %swap3A_417 = arith.constant 64 : index
      %swap3A_418 = tpu.vector_load %arg8[%swap3A_417] {strides = array<i32>} : memref<128xi32, #tpu.memory_space<vmem>>, vector<16xi32>,
      %swap3A_419 = vector.shape_cast %swap3A_418 : vector<16xi32> to vector<16xi32>
      %swap3A_420 = vector.shape_cast %shift_right_arithmetic3A_416 : vector<16xi32> to vector<16xi32>
      tpu.vector_store %arg8[%swap3A_417], %swap3A_420 {strides = array<i32>} : memref<128xi32, #tpu.memory_space<vmem>>, vector<16xi32>,
      %get3A_421 = arith.index_cast %add3A_330 : i32 to index
      %get3A_422 = arith.constant 80 : index
      %get3A_423 = tpu.vector_load %arg6[%get3A_421, %get3A_422] {strides = array<i32>} : memref<80x128xi32, #tpu.memory_space<vmem>>, vector<1x16xi32>,
      %get3A_424 = vector.shape_cast %get3A_423 : vector<1x16xi32> to vector<16xi32>
      %and3A_425 = arith.constant 65535 : i32
      %and3A_426 = vector.broadcast %and3A_425 : i32 to vector<16xi32>
      %and3A_427 = arith.andi %get3A_424, %and3A_426 : vector<16xi32>
      %swap3A_428 = arith.constant 80 : index
      %swap3A_429 = tpu.vector_load %arg7[%swap3A_428] {strides = array<i32>} : memref<128xi32, #tpu.memory_space<vmem>>, vector<16xi32>,
      %swap3A_430 = vector.shape_cast %swap3A_429 : vector<16xi32> to vector<16xi32>
      %swap3A_431 = vector.shape_cast %and3A_427 : vector<16xi32> to vector<16xi32>
      tpu.vector_store %arg7[%swap3A_428], %swap3A_431 {strides = array<i32>} : memref<128xi32, #tpu.memory_space<vmem>>, vector<16xi32>,
      %shift_right_arithmetic3A_432 = arith.constant 16 : i32
      %shift_right_arithmetic3A_433 = vector.broadcast %shift_right_arithmetic3A_432 : i32 to vector<16xi32>
      %shift_right_arithmetic3A_434 = arith.shrsi %get3A_424, %shift_right_arithmetic3A_433 : vector<16xi32>
      %swap3A_435 = arith.constant 80 : index
      %swap3A_436 = tpu.vector_load %arg8[%swap3A_435] {strides = array<i32>} : memref<128xi32, #tpu.memory_space<vmem>>, vector<16xi32>,
      %swap3A_437 = vector.shape_cast %swap3A_436 : vector<16xi32> to vector<16xi32>
      %swap3A_438 = vector.shape_cast %shift_right_arithmetic3A_434 : vector<16xi32> to vector<16xi32>
      tpu.vector_store %arg8[%swap3A_435], %swap3A_438 {strides = array<i32>} : memref<128xi32, #tpu.memory_space<vmem>>, vector<16xi32>,
      %get3A_439 = arith.index_cast %add3A_330 : i32 to index
      %get3A_440 = arith.constant 96 : index
      %get3A_441 = tpu.vector_load %arg6[%get3A_439, %get3A_440] {strides = array<i32>} : memref<80x128xi32, #tpu.memory_space<vmem>>, vector<1x16xi32>,
      %get3A_442 = vector.shape_cast %get3A_441 : vector<1x16xi32> to vector<16xi32>
      %and3A_443 = arith.constant 65535 : i32
      %and3A_444 = vector.broadcast %and3A_443 : i32 to vector<16xi32>
      %and3A_445 = arith.andi %get3A_442, %and3A_444 : vector<16xi32>
      %swap3A_446 = arith.constant 96 : index
      %swap3A_447 = tpu.vector_load %arg7[%swap3A_446] {strides = array<i32>} : memref<128xi32, #tpu.memory_space<vmem>>, vector<16xi32>,
      %swap3A_448 = vector.shape_cast %swap3A_447 : vector<16xi32> to vector<16xi32>
      %swap3A_449 = vector.shape_cast %and3A_445 : vector<16xi32> to vector<16xi32>
      tpu.vector_store %arg7[%swap3A_446], %swap3A_449 {strides = array<i32>} : memref<128xi32, #tpu.memory_space<vmem>>, vector<16xi32>,
      %shift_right_arithmetic3A_450 = arith.constant 16 : i32
      %shift_right_arithmetic3A_451 = vector.broadcast %shift_right_arithmetic3A_450 : i32 to vector<16xi32>
      %shift_right_arithmetic3A_452 = arith.shrsi %get3A_442, %shift_right_arithmetic3A_451 : vector<16xi32>
      %swap3A_453 = arith.constant 96 : index
      %swap3A_454 = tpu.vector_load %arg8[%swap3A_453] {strides = array<i32>} : memref<128xi32, #tpu.memory_space<vmem>>, vector<16xi32>,
      %swap3A_455 = vector.shape_cast %swap3A_454 : vector<16xi32> to vector<16xi32>
      %swap3A_456 = vector.shape_cast %shift_right_arithmetic3A_452 : vector<16xi32> to vector<16xi32>
      tpu.vector_store %arg8[%swap3A_453], %swap3A_456 {strides = array<i32>} : memref<128xi32, #tpu.memory_space<vmem>>, vector<16xi32>,
      %get3A_457 = arith.index_cast %add3A_330 : i32 to index
      %get3A_458 = arith.constant 112 : index
      %get3A_459 = tpu.vector_load %arg6[%get3A_457, %get3A_458] {strides = array<i32>} : memref<80x128xi32, #tpu.memory_space<vmem>>, vector<1x16xi32>,
      %get3A_460 = vector.shape_cast %get3A_459 : vector<1x16xi32> to vector<16xi32>
      %and3A_461 = arith.constant 65535 : i32
      %and3A_462 = vector.broadcast %and3A_461 : i32 to vector<16xi32>
      %and3A_463 = arith.andi %get3A_460, %and3A_462 : vector<16xi32>
      %swap3A_464 = arith.constant 112 : index
      %swap3A_465 = tpu.vector_load %arg7[%swap3A_464] {strides = array<i32>} : memref<128xi32, #tpu.memory_space<vmem>>, vector<16xi32>,
      %swap3A_466 = vector.shape_cast %swap3A_465 : vector<16xi32> to vector<16xi32>
      %swap3A_467 = vector.shape_cast %and3A_463 : vector<16xi32> to vector<16xi32>
      tpu.vector_store %arg7[%swap3A_464], %swap3A_467 {strides = array<i32>} : memref<128xi32, #tpu.memory_space<vmem>>, vector<16xi32>,
      %shift_right_arithmetic3A_468 = arith.constant 16 : i32
      %shift_right_arithmetic3A_469 = vector.broadcast %shift_right_arithmetic3A_468 : i32 to vector<16xi32>
      %shift_right_arithmetic3A_470 = arith.shrsi %get3A_460, %shift_right_arithmetic3A_469 : vector<16xi32>
      %swap3A_471 = arith.constant 112 : index
      %swap3A_472 = tpu.vector_load %arg8[%swap3A_471] {strides = array<i32>} : memref<128xi32, #tpu.memory_space<vmem>>, vector<16xi32>,
      %swap3A_473 = vector.shape_cast %swap3A_472 : vector<16xi32> to vector<16xi32>
      %swap3A_474 = vector.shape_cast %shift_right_arithmetic3A_470 : vector<16xi32> to vector<16xi32>
      tpu.vector_store %arg8[%swap3A_471], %swap3A_474 {strides = array<i32>} : memref<128xi32, #tpu.memory_space<vmem>>, vector<16xi32>,
      %dma_start3A_475 = arith.constant 0 : i32
      %dma_start3A_476 = arith.constant 0 : i32
      %dma_start3A_477 = tpu.memref_slice %arg2[%dma_start3A_475, %dma_start3A_476] : memref<10000x128xf32, #tpu.memory_space<hbm>> -> memref<10000x128xf32, #tpu.memory_space<hbm>>
      tpu.enqueue_indirect_dma source(%dma_start3A_477 : memref<10000x128xf32, #tpu.memory_space<hbm>>) target(%arg11 : memref<128x128xf32, #tpu.memory_space<vmem>>) offsets(%arg7 : memref<128xi32, #tpu.memory_space<vmem>>) semaphore(%arg14 : memref<!tpu.dma_semaphore, #tpu.memory_space<semaphore_mem>>)
      %add3A_478 = arith.constant 1 : i32
      %add3A_479 = arith.addi %mul3A_325, %add3A_478 : i32
      %dma_wait3A_480 = arith.constant 0 : i32
      %dma_wait3A_481 = arith.constant 0 : i32
      %dma_wait3A_482 = tpu.memref_slice %arg2[%dma_wait3A_480, %dma_wait3A_481] : memref<10000x128xf32, #tpu.memory_space<hbm>> -> memref<10000x128xf32, #tpu.memory_space<hbm>>
      tpu.wait_indirect_dma semaphore(%arg15 : memref<!tpu.dma_semaphore, #tpu.memory_space<semaphore_mem>>) src(%dma_wait3A_482 : memref<10000x128xf32, #tpu.memory_space<hbm>>) dst(%arg12 : memref<128x128xf32, #tpu.memory_space<vmem>>)
      "tpu.region"() ({
        %run_scoped3A = tpu.sem_alloc : memref<!tpu.dma_semaphore, #tpu.memory_space<semaphore_mem>>
        %dma_start3A_632 = arith.constant 0 : i32
        %dma_start3A_633 = arith.constant 0 : i32
        %dma_start3A_634 = tpu.memref_slice %arg13[%dma_start3A_632, %dma_start3A_633] : memref<10240x128xf32, #tpu.memory_space<vmem_shared>> -> memref<10240x128xf32, #tpu.memory_space<vmem_shared>>
        tpu.enqueue_indirect_dma source(%arg12 : memref<128x128xf32, #tpu.memory_space<vmem>>) target(%dma_start3A_634 : memref<10240x128xf32, #tpu.memory_space<vmem_shared>>) offsets(%arg10 : memref<128xi32, #tpu.memory_space<vmem>>) semaphore(%run_scoped3A : memref<!tpu.dma_semaphore, #tpu.memory_space<semaphore_mem>>) {add = true}
        %dma_wait3A_635 = arith.constant 0 : i32
        %dma_wait3A_636 = arith.constant 0 : i32
        %dma_wait3A_637 = tpu.memref_slice %arg13[%dma_wait3A_635, %dma_wait3A_636] : memref<10240x128xf32, #tpu.memory_space<vmem_shared>> -> memref<10240x128xf32, #tpu.memory_space<vmem_shared>>
        tpu.wait_indirect_dma semaphore(%run_scoped3A : memref<!tpu.dma_semaphore, #tpu.memory_space<semaphore_mem>>) src(%arg12 : memref<128x128xf32, #tpu.memory_space<vmem>>) dst(%dma_wait3A_637 : memref<10240x128xf32, #tpu.memory_space<vmem_shared>>)
        tpu.yield
      }) : () -> ()
      %add3A_483 = arith.constant 2 : i32
      %add3A_484 = arith.addi %add3A_479, %add3A_483 : i32
      %get3A_485 = arith.index_cast %add3A_484 : i32 to index
      %get3A_486 = arith.constant 0 : index
      %get3A_487 = tpu.vector_load %arg6[%get3A_485, %get3A_486] {strides = array<i32>} : memref<80x128xi32, #tpu.memory_space<vmem>>, vector<1x16xi32>,
      %get3A_488 = vector.shape_cast %get3A_487 : vector<1x16xi32> to vector<16xi32>
      %and3A_489 = arith.constant 65535 : i32
      %and3A_490 = vector.broadcast %and3A_489 : i32 to vector<16xi32>
      %and3A_491 = arith.andi %get3A_488, %and3A_490 : vector<16xi32>
      %swap3A_492 = arith.constant 0 : index
      %swap3A_493 = tpu.vector_load %arg9[%swap3A_492] {strides = array<i32>} : memref<128xi32, #tpu.memory_space<vmem>>, vector<16xi32>,
      %swap3A_494 = vector.shape_cast %swap3A_493 : vector<16xi32> to vector<16xi32>
      %swap3A_495 = vector.shape_cast %and3A_491 : vector<16xi32> to vector<16xi32>
      tpu.vector_store %arg9[%swap3A_492], %swap3A_495 {strides = array<i32>} : memref<128xi32, #tpu.memory_space<vmem>>, vector<16xi32>,
      %shift_right_arithmetic3A_496 = arith.constant 16 : i32
      %shift_right_arithmetic3A_497 = vector.broadcast %shift_right_arithmetic3A_496 : i32 to vector<16xi32>
      %shift_right_arithmetic3A_498 = arith.shrsi %get3A_488, %shift_right_arithmetic3A_497 : vector<16xi32>
      %swap3A_499 = arith.constant 0 : index
      %swap3A_500 = tpu.vector_load %arg10[%swap3A_499] {strides = array<i32>} : memref<128xi32, #tpu.memory_space<vmem>>, vector<16xi32>,
      %swap3A_501 = vector.shape_cast %swap3A_500 : vector<16xi32> to vector<16xi32>
      %swap3A_502 = vector.shape_cast %shift_right_arithmetic3A_498 : vector<16xi32> to vector<16xi32>
      tpu.vector_store %arg10[%swap3A_499], %swap3A_502 {strides = array<i32>} : memref<128xi32, #tpu.memory_space<vmem>>, vector<16xi32>,
      %get3A_503 = arith.index_cast %add3A_484 : i32 to index
      %get3A_504 = arith.constant 16 : index
      %get3A_505 = tpu.vector_load %arg6[%get3A_503, %get3A_504] {strides = array<i32>} : memref<80x128xi32, #tpu.memory_space<vmem>>, vector<1x16xi32>,
      %get3A_506 = vector.shape_cast %get3A_505 : vector<1x16xi32> to vector<16xi32>
      %and3A_507 = arith.constant 65535 : i32
      %and3A_508 = vector.broadcast %and3A_507 : i32 to vector<16xi32>
      %and3A_509 = arith.andi %get3A_506, %and3A_508 : vector<16xi32>
      %swap3A_510 = arith.constant 16 : index
      %swap3A_511 = tpu.vector_load %arg9[%swap3A_510] {strides = array<i32>} : memref<128xi32, #tpu.memory_space<vmem>>, vector<16xi32>,
      %swap3A_512 = vector.shape_cast %swap3A_511 : vector<16xi32> to vector<16xi32>
      %swap3A_513 = vector.shape_cast %and3A_509 : vector<16xi32> to vector<16xi32>
      tpu.vector_store %arg9[%swap3A_510], %swap3A_513 {strides = array<i32>} : memref<128xi32, #tpu.memory_space<vmem>>, vector<16xi32>,
      %shift_right_arithmetic3A_514 = arith.constant 16 : i32
      %shift_right_arithmetic3A_515 = vector.broadcast %shift_right_arithmetic3A_514 : i32 to vector<16xi32>
      %shift_right_arithmetic3A_516 = arith.shrsi %get3A_506, %shift_right_arithmetic3A_515 : vector<16xi32>
      %swap3A_517 = arith.constant 16 : index
      %swap3A_518 = tpu.vector_load %arg10[%swap3A_517] {strides = array<i32>} : memref<128xi32, #tpu.memory_space<vmem>>, vector<16xi32>,
      %swap3A_519 = vector.shape_cast %swap3A_518 : vector<16xi32> to vector<16xi32>
      %swap3A_520 = vector.shape_cast %shift_right_arithmetic3A_516 : vector<16xi32> to vector<16xi32>
      tpu.vector_store %arg10[%swap3A_517], %swap3A_520 {strides = array<i32>} : memref<128xi32, #tpu.memory_space<vmem>>, vector<16xi32>,
      %get3A_521 = arith.index_cast %add3A_484 : i32 to index
      %get3A_522 = arith.constant 32 : index
      %get3A_523 = tpu.vector_load %arg6[%get3A_521, %get3A_522] {strides = array<i32>} : memref<80x128xi32, #tpu.memory_space<vmem>>, vector<1x16xi32>,
      %get3A_524 = vector.shape_cast %get3A_523 : vector<1x16xi32> to vector<16xi32>
      %and3A_525 = arith.constant 65535 : i32
      %and3A_526 = vector.broadcast %and3A_525 : i32 to vector<16xi32>
      %and3A_527 = arith.andi %get3A_524, %and3A_526 : vector<16xi32>
      %swap3A_528 = arith.constant 32 : index
      %swap3A_529 = tpu.vector_load %arg9[%swap3A_528] {strides = array<i32>} : memref<128xi32, #tpu.memory_space<vmem>>, vector<16xi32>,
      %swap3A_530 = vector.shape_cast %swap3A_529 : vector<16xi32> to vector<16xi32>
      %swap3A_531 = vector.shape_cast %and3A_527 : vector<16xi32> to vector<16xi32>
      tpu.vector_store %arg9[%swap3A_528], %swap3A_531 {strides = array<i32>} : memref<128xi32, #tpu.memory_space<vmem>>, vector<16xi32>,
      %shift_right_arithmetic3A_532 = arith.constant 16 : i32
      %shift_right_arithmetic3A_533 = vector.broadcast %shift_right_arithmetic3A_532 : i32 to vector<16xi32>
      %shift_right_arithmetic3A_534 = arith.shrsi %get3A_524, %shift_right_arithmetic3A_533 : vector<16xi32>
      %swap3A_535 = arith.constant 32 : index
      %swap3A_536 = tpu.vector_load %arg10[%swap3A_535] {strides = array<i32>} : memref<128xi32, #tpu.memory_space<vmem>>, vector<16xi32>,
      %swap3A_537 = vector.shape_cast %swap3A_536 : vector<16xi32> to vector<16xi32>
      %swap3A_538 = vector.shape_cast %shift_right_arithmetic3A_534 : vector<16xi32> to vector<16xi32>
      tpu.vector_store %arg10[%swap3A_535], %swap3A_538 {strides = array<i32>} : memref<128xi32, #tpu.memory_space<vmem>>, vector<16xi32>,
      %get3A_539 = arith.index_cast %add3A_484 : i32 to index
      %get3A_540 = arith.constant 48 : index
      %get3A_541 = tpu.vector_load %arg6[%get3A_539, %get3A_540] {strides = array<i32>} : memref<80x128xi32, #tpu.memory_space<vmem>>, vector<1x16xi32>,
      %get3A_542 = vector.shape_cast %get3A_541 : vector<1x16xi32> to vector<16xi32>
      %and3A_543 = arith.constant 65535 : i32
      %and3A_544 = vector.broadcast %and3A_543 : i32 to vector<16xi32>
      %and3A_545 = arith.andi %get3A_542, %and3A_544 : vector<16xi32>
      %swap3A_546 = arith.constant 48 : index
      %swap3A_547 = tpu.vector_load %arg9[%swap3A_546] {strides = array<i32>} : memref<128xi32, #tpu.memory_space<vmem>>, vector<16xi32>,
      %swap3A_548 = vector.shape_cast %swap3A_547 : vector<16xi32> to vector<16xi32>
      %swap3A_549 = vector.shape_cast %and3A_545 : vector<16xi32> to vector<16xi32>
      tpu.vector_store %arg9[%swap3A_546], %swap3A_549 {strides = array<i32>} : memref<128xi32, #tpu.memory_space<vmem>>, vector<16xi32>,
      %shift_right_arithmetic3A_550 = arith.constant 16 : i32
      %shift_right_arithmetic3A_551 = vector.broadcast %shift_right_arithmetic3A_550 : i32 to vector<16xi32>
      %shift_right_arithmetic3A_552 = arith.shrsi %get3A_542, %shift_right_arithmetic3A_551 : vector<16xi32>
      %swap3A_553 = arith.constant 48 : index
      %swap3A_554 = tpu.vector_load %arg10[%swap3A_553] {strides = array<i32>} : memref<128xi32, #tpu.memory_space<vmem>>, vector<16xi32>,
      %swap3A_555 = vector.shape_cast %swap3A_554 : vector<16xi32> to vector<16xi32>
      %swap3A_556 = vector.shape_cast %shift_right_arithmetic3A_552 : vector<16xi32> to vector<16xi32>
      tpu.vector_store %arg10[%swap3A_553], %swap3A_556 {strides = array<i32>} : memref<128xi32, #tpu.memory_space<vmem>>, vector<16xi32>,
      %get3A_557 = arith.index_cast %add3A_484 : i32 to index
      %get3A_558 = arith.constant 64 : index
      %get3A_559 = tpu.vector_load %arg6[%get3A_557, %get3A_558] {strides = array<i32>} : memref<80x128xi32, #tpu.memory_space<vmem>>, vector<1x16xi32>,
      %get3A_560 = vector.shape_cast %get3A_559 : vector<1x16xi32> to vector<16xi32>
      %and3A_561 = arith.constant 65535 : i32
      %and3A_562 = vector.broadcast %and3A_561 : i32 to vector<16xi32>
      %and3A_563 = arith.andi %get3A_560, %and3A_562 : vector<16xi32>
      %swap3A_564 = arith.constant 64 : index
      %swap3A_565 = tpu.vector_load %arg9[%swap3A_564] {strides = array<i32>} : memref<128xi32, #tpu.memory_space<vmem>>, vector<16xi32>,
      %swap3A_566 = vector.shape_cast %swap3A_565 : vector<16xi32> to vector<16xi32>
      %swap3A_567 = vector.shape_cast %and3A_563 : vector<16xi32> to vector<16xi32>
      tpu.vector_store %arg9[%swap3A_564], %swap3A_567 {strides = array<i32>} : memref<128xi32, #tpu.memory_space<vmem>>, vector<16xi32>,
      %shift_right_arithmetic3A_568 = arith.constant 16 : i32
      %shift_right_arithmetic3A_569 = vector.broadcast %shift_right_arithmetic3A_568 : i32 to vector<16xi32>
      %shift_right_arithmetic3A_570 = arith.shrsi %get3A_560, %shift_right_arithmetic3A_569 : vector<16xi32>
      %swap3A_571 = arith.constant 64 : index
      %swap3A_572 = tpu.vector_load %arg10[%swap3A_571] {strides = array<i32>} : memref<128xi32, #tpu.memory_space<vmem>>, vector<16xi32>,
      %swap3A_573 = vector.shape_cast %swap3A_572 : vector<16xi32> to vector<16xi32>
      %swap3A_574 = vector.shape_cast %shift_right_arithmetic3A_570 : vector<16xi32> to vector<16xi32>
      tpu.vector_store %arg10[%swap3A_571], %swap3A_574 {strides = array<i32>} : memref<128xi32, #tpu.memory_space<vmem>>, vector<16xi32>,
      %get3A_575 = arith.index_cast %add3A_484 : i32 to index
      %get3A_576 = arith.constant 80 : index
      %get3A_577 = tpu.vector_load %arg6[%get3A_575, %get3A_576] {strides = array<i32>} : memref<80x128xi32, #tpu.memory_space<vmem>>, vector<1x16xi32>,
      %get3A_578 = vector.shape_cast %get3A_577 : vector<1x16xi32> to vector<16xi32>
      %and3A_579 = arith.constant 65535 : i32
      %and3A_580 = vector.broadcast %and3A_579 : i32 to vector<16xi32>
      %and3A_581 = arith.andi %get3A_578, %and3A_580 : vector<16xi32>
      %swap3A_582 = arith.constant 80 : index
      %swap3A_583 = tpu.vector_load %arg9[%swap3A_582] {strides = array<i32>} : memref<128xi32, #tpu.memory_space<vmem>>, vector<16xi32>,
      %swap3A_584 = vector.shape_cast %swap3A_583 : vector<16xi32> to vector<16xi32>
      %swap3A_585 = vector.shape_cast %and3A_581 : vector<16xi32> to vector<16xi32>
      tpu.vector_store %arg9[%swap3A_582], %swap3A_585 {strides = array<i32>} : memref<128xi32, #tpu.memory_space<vmem>>, vector<16xi32>,
      %shift_right_arithmetic3A_586 = arith.constant 16 : i32
      %shift_right_arithmetic3A_587 = vector.broadcast %shift_right_arithmetic3A_586 : i32 to vector<16xi32>
      %shift_right_arithmetic3A_588 = arith.shrsi %get3A_578, %shift_right_arithmetic3A_587 : vector<16xi32>
      %swap3A_589 = arith.constant 80 : index
      %swap3A_590 = tpu.vector_load %arg10[%swap3A_589] {strides = array<i32>} : memref<128xi32, #tpu.memory_space<vmem>>, vector<16xi32>,
      %swap3A_591 = vector.shape_cast %swap3A_590 : vector<16xi32> to vector<16xi32>
      %swap3A_592 = vector.shape_cast %shift_right_arithmetic3A_588 : vector<16xi32> to vector<16xi32>
      tpu.vector_store %arg10[%swap3A_589], %swap3A_592 {strides = array<i32>} : memref<128xi32, #tpu.memory_space<vmem>>, vector<16xi32>,
      %get3A_593 = arith.index_cast %add3A_484 : i32 to index
      %get3A_594 = arith.constant 96 : index
      %get3A_595 = tpu.vector_load %arg6[%get3A_593, %get3A_594] {strides = array<i32>} : memref<80x128xi32, #tpu.memory_space<vmem>>, vector<1x16xi32>,
      %get3A_596 = vector.shape_cast %get3A_595 : vector<1x16xi32> to vector<16xi32>
      %and3A_597 = arith.constant 65535 : i32
      %and3A_598 = vector.broadcast %and3A_597 : i32 to vector<16xi32>
      %and3A_599 = arith.andi %get3A_596, %and3A_598 : vector<16xi32>
      %swap3A_600 = arith.constant 96 : index
      %swap3A_601 = tpu.vector_load %arg9[%swap3A_600] {strides = array<i32>} : memref<128xi32, #tpu.memory_space<vmem>>, vector<16xi32>,
      %swap3A_602 = vector.shape_cast %swap3A_601 : vector<16xi32> to vector<16xi32>
      %swap3A_603 = vector.shape_cast %and3A_599 : vector<16xi32> to vector<16xi32>
      tpu.vector_store %arg9[%swap3A_600], %swap3A_603 {strides = array<i32>} : memref<128xi32, #tpu.memory_space<vmem>>, vector<16xi32>,
      %shift_right_arithmetic3A_604 = arith.constant 16 : i32
      %shift_right_arithmetic3A_605 = vector.broadcast %shift_right_arithmetic3A_604 : i32 to vector<16xi32>
      %shift_right_arithmetic3A_606 = arith.shrsi %get3A_596, %shift_right_arithmetic3A_605 : vector<16xi32>
      %swap3A_607 = arith.constant 96 : index
      %swap3A_608 = tpu.vector_load %arg10[%swap3A_607] {strides = array<i32>} : memref<128xi32, #tpu.memory_space<vmem>>, vector<16xi32>,
      %swap3A_609 = vector.shape_cast %swap3A_608 : vector<16xi32> to vector<16xi32>
      %swap3A_610 = vector.shape_cast %shift_right_arithmetic3A_606 : vector<16xi32> to vector<16xi32>
      tpu.vector_store %arg10[%swap3A_607], %swap3A_610 {strides = array<i32>} : memref<128xi32, #tpu.memory_space<vmem>>, vector<16xi32>,
      %get3A_611 = arith.index_cast %add3A_484 : i32 to index
      %get3A_612 = arith.constant 112 : index
      %get3A_613 = tpu.vector_load %arg6[%get3A_611, %get3A_612] {strides = array<i32>} : memref<80x128xi32, #tpu.memory_space<vmem>>, vector<1x16xi32>,
      %get3A_614 = vector.shape_cast %get3A_613 : vector<1x16xi32> to vector<16xi32>
      %and3A_615 = arith.constant 65535 : i32
      %and3A_616 = vector.broadcast %and3A_615 : i32 to vector<16xi32>
      %and3A_617 = arith.andi %get3A_614, %and3A_616 : vector<16xi32>
      %swap3A_618 = arith.constant 112 : index
      %swap3A_619 = tpu.vector_load %arg9[%swap3A_618] {strides = array<i32>} : memref<128xi32, #tpu.memory_space<vmem>>, vector<16xi32>,
      %swap3A_620 = vector.shape_cast %swap3A_619 : vector<16xi32> to vector<16xi32>
      %swap3A_621 = vector.shape_cast %and3A_617 : vector<16xi32> to vector<16xi32>
      tpu.vector_store %arg9[%swap3A_618], %swap3A_621 {strides = array<i32>} : memref<128xi32, #tpu.memory_space<vmem>>, vector<16xi32>,
      %shift_right_arithmetic3A_622 = arith.constant 16 : i32
      %shift_right_arithmetic3A_623 = vector.broadcast %shift_right_arithmetic3A_622 : i32 to vector<16xi32>
      %shift_right_arithmetic3A_624 = arith.shrsi %get3A_614, %shift_right_arithmetic3A_623 : vector<16xi32>
      %swap3A_625 = arith.constant 112 : index
      %swap3A_626 = tpu.vector_load %arg10[%swap3A_625] {strides = array<i32>} : memref<128xi32, #tpu.memory_space<vmem>>, vector<16xi32>,
      %swap3A_627 = vector.shape_cast %swap3A_626 : vector<16xi32> to vector<16xi32>
      %swap3A_628 = vector.shape_cast %shift_right_arithmetic3A_624 : vector<16xi32> to vector<16xi32>
      tpu.vector_store %arg10[%swap3A_625], %swap3A_628 {strides = array<i32>} : memref<128xi32, #tpu.memory_space<vmem>>, vector<16xi32>,
      %dma_start3A_629 = arith.constant 0 : i32
      %dma_start3A_630 = arith.constant 0 : i32
      %dma_start3A_631 = tpu.memref_slice %arg2[%dma_start3A_629, %dma_start3A_630] : memref<10000x128xf32, #tpu.memory_space<hbm>> -> memref<10000x128xf32, #tpu.memory_space<hbm>>
      tpu.enqueue_indirect_dma source(%dma_start3A_631 : memref<10000x128xf32, #tpu.memory_space<hbm>>) target(%arg12 : memref<128x128xf32, #tpu.memory_space<vmem>>) offsets(%arg9 : memref<128xi32, #tpu.memory_space<vmem>>) semaphore(%arg15 : memref<!tpu.dma_semaphore, #tpu.memory_space<semaphore_mem>>)
    }
    %scan3A_312 = arith.constant 39 : i32
    %dma_wait3A = arith.constant 0 : i32
    %dma_wait3A_313 = arith.constant 0 : i32
    %dma_wait3A_314 = tpu.memref_slice %arg2[%dma_wait3A, %dma_wait3A_313] : memref<10000x128xf32, #tpu.memory_space<hbm>> -> memref<10000x128xf32, #tpu.memory_space<hbm>>
    tpu.wait_indirect_dma semaphore(%arg14 : memref<!tpu.dma_semaphore, #tpu.memory_space<semaphore_mem>>) src(%dma_wait3A_314 : memref<10000x128xf32, #tpu.memory_space<hbm>>) dst(%arg11 : memref<128x128xf32, #tpu.memory_space<vmem>>)
    "tpu.region"() ({
      %run_scoped3A = tpu.sem_alloc : memref<!tpu.dma_semaphore, #tpu.memory_space<semaphore_mem>>
      %dma_start3A_323 = arith.constant 0 : i32
      %dma_start3A_324 = arith.constant 0 : i32
      %dma_start3A_325 = tpu.memref_slice %arg13[%dma_start3A_323, %dma_start3A_324] : memref<10240x128xf32, #tpu.memory_space<vmem_shared>> -> memref<10240x128xf32, #tpu.memory_space<vmem_shared>>
      tpu.enqueue_indirect_dma source(%arg11 : memref<128x128xf32, #tpu.memory_space<vmem>>) target(%dma_start3A_325 : memref<10240x128xf32, #tpu.memory_space<vmem_shared>>) offsets(%arg8 : memref<128xi32, #tpu.memory_space<vmem>>) semaphore(%run_scoped3A : memref<!tpu.dma_semaphore, #tpu.memory_space<semaphore_mem>>) {add = true}
      %dma_wait3A_326 = arith.constant 0 : i32
      %dma_wait3A_327 = arith.constant 0 : i32
      %dma_wait3A_328 = tpu.memref_slice %arg13[%dma_wait3A_326, %dma_wait3A_327] : memref<10240x128xf32, #tpu.memory_space<vmem_shared>> -> memref<10240x128xf32, #tpu.memory_space<vmem_shared>>
      tpu.wait_indirect_dma semaphore(%run_scoped3A : memref<!tpu.dma_semaphore, #tpu.memory_space<semaphore_mem>>) src(%arg11 : memref<128x128xf32, #tpu.memory_space<vmem>>) dst(%dma_wait3A_328 : memref<10240x128xf32, #tpu.memory_space<vmem_shared>>)
      tpu.yield
    }) : () -> ()
    %dma_wait3A_315 = arith.constant 0 : i32
    %dma_wait3A_316 = arith.constant 0 : i32
    %dma_wait3A_317 = tpu.memref_slice %arg2[%dma_wait3A_315, %dma_wait3A_316] : memref<10000x128xf32, #tpu.memory_space<hbm>> -> memref<10000x128xf32, #tpu.memory_space<hbm>>
    tpu.wait_indirect_dma semaphore(%arg15 : memref<!tpu.dma_semaphore, #tpu.memory_space<semaphore_mem>>) src(%dma_wait3A_317 : memref<10000x128xf32, #tpu.memory_space<hbm>>) dst(%arg12 : memref<128x128xf32, #tpu.memory_space<vmem>>)
    "tpu.region"() ({
      %run_scoped3A = tpu.sem_alloc : memref<!tpu.dma_semaphore, #tpu.memory_space<semaphore_mem>>
      %dma_start3A_323 = arith.constant 0 : i32
      %dma_start3A_324 = arith.constant 0 : i32
      %dma_start3A_325 = tpu.memref_slice %arg13[%dma_start3A_323, %dma_start3A_324] : memref<10240x128xf32, #tpu.memory_space<vmem_shared>> -> memref<10240x128xf32, #tpu.memory_space<vmem_shared>>
      tpu.enqueue_indirect_dma source(%arg12 : memref<128x128xf32, #tpu.memory_space<vmem>>) target(%dma_start3A_325 : memref<10240x128xf32, #tpu.memory_space<vmem_shared>>) offsets(%arg10 : memref<128xi32, #tpu.memory_space<vmem>>) semaphore(%run_scoped3A : memref<!tpu.dma_semaphore, #tpu.memory_space<semaphore_mem>>) {add = true}
      %dma_wait3A_326 = arith.constant 0 : i32
      %dma_wait3A_327 = arith.constant 0 : i32
      %dma_wait3A_328 = tpu.memref_slice %arg13[%dma_wait3A_326, %dma_wait3A_327] : memref<10240x128xf32, #tpu.memory_space<vmem_shared>> -> memref<10240x128xf32, #tpu.memory_space<vmem_shared>>
      tpu.wait_indirect_dma semaphore(%run_scoped3A : memref<!tpu.dma_semaphore, #tpu.memory_space<semaphore_mem>>) src(%arg12 : memref<128x128xf32, #tpu.memory_space<vmem>>) dst(%dma_wait3A_328 : memref<10240x128xf32, #tpu.memory_space<vmem_shared>>)
      tpu.yield
    }) : () -> ()
    %barrier3A_318 = arith.constant 0 : index
    tpu.barrier barrier_id(%barrier3A_318)
    %mul3A_319 = arith.constant 640 : i32
    %mul3A_320 = arith.muli %arg1, %mul3A_319 : i32
    %mul3A_321 = arith.constant 640 : i32
    %mul3A_322 = arith.muli %arg1, %mul3A_321 : i32
    "tpu.region"() ({
      %run_scoped3A = tpu.sem_alloc : memref<!tpu.dma_semaphore, #tpu.memory_space<semaphore_mem>>
      %dma_start3A_323 = arith.constant 0 : i32
      %dma_start3A_324 = tpu.memref_slice %arg5[%arg0, %mul3A_322, %dma_start3A_323] : memref<2x10240x128xf32, #tpu.memory_space<hbm>> -> memref<1x640x128xf32, #tpu.memory_space<hbm>>
      %dma_start3A_325 = tpu.memref_squeeze %dma_start3A_324 : memref<1x640x128xf32, #tpu.memory_space<hbm>> -> memref<640x128xf32, #tpu.memory_space<hbm>>
      %dma_start3A_326 = arith.constant 0 : i32
      %dma_start3A_327 = tpu.memref_slice %arg13[%mul3A_320, %dma_start3A_326] : memref<10240x128xf32, #tpu.memory_space<vmem_shared>> -> memref<640x128xf32, #tpu.memory_space<vmem_shared>>
      tpu.enqueue_dma source(%dma_start3A_327 : memref<640x128xf32, #tpu.memory_space<vmem_shared>>) target(%dma_start3A_325 : memref<640x128xf32, #tpu.memory_space<hbm>>) target_semaphore(%run_scoped3A : memref<!tpu.dma_semaphore, #tpu.memory_space<semaphore_mem>>)
      %dma_wait3A_328 = arith.constant 0 : i32
      %dma_wait3A_329 = tpu.memref_slice %arg5[%arg0, %mul3A_322, %dma_wait3A_328] : memref<2x10240x128xf32, #tpu.memory_space<hbm>> -> memref<1x640x128xf32, #tpu.memory_space<hbm>>
      %dma_wait3A_330 = tpu.memref_squeeze %dma_wait3A_329 : memref<1x640x128xf32, #tpu.memory_space<hbm>> -> memref<640x128xf32, #tpu.memory_space<hbm>>
      %dma_wait3A_331 = arith.constant 0 : i32
      %dma_wait3A_332 = tpu.memref_slice %arg13[%mul3A_320, %dma_wait3A_331] : memref<10240x128xf32, #tpu.memory_space<vmem_shared>> -> memref<640x128xf32, #tpu.memory_space<vmem_shared>>
      tpu.wait_dma2 semaphore(%run_scoped3A : memref<!tpu.dma_semaphore, #tpu.memory_space<semaphore_mem>>) src(%dma_wait3A_332 : memref<640x128xf32, #tpu.memory_space<vmem_shared>>) dst(%dma_wait3A_330 : memref<640x128xf32, #tpu.memory_space<hbm>>)
      tpu.yield
    }) : () -> ()
    return
  }
}

#map = affine_map<(d0, d1) -> (0, 0)>
#map1 = affine_map<(d0, d1) -> (0, 0, 0)>
#map2 = affine_map<(d0, d1) -> (0)>
module attributes {stable_mosaic.version = 14 : i64} {
  func.func @sc_agg_deg(%arg0: i32, %arg1: i32, %arg2: memref<10000x128xf32, #tpu.memory_space<hbm>>, %arg3: memref<32x80x128xi32, #tpu.memory_space<hbm>>, %arg4: memref<640x128xf32, #tpu.memory_space<hbm>>, %arg5: memref<640xf32, #tpu.memory_space<hbm>>, %arg6: memref<128xf32, #tpu.memory_space<hbm>>, %arg7: memref<2x10240x128xf32, #tpu.memory_space<hbm>>, %arg8: memref<2x10240xf32, #tpu.memory_space<hbm>>, %arg9: memref<80x128xi32, #tpu.memory_space<vmem>>, %arg10: memref<128xi32, #tpu.memory_space<vmem>>, %arg11: memref<128xi32, #tpu.memory_space<vmem>>, %arg12: memref<128xi32, #tpu.memory_space<vmem>>, %arg13: memref<128xi32, #tpu.memory_space<vmem>>, %arg14: memref<128x128xf32, #tpu.memory_space<vmem>>, %arg15: memref<128x128xf32, #tpu.memory_space<vmem>>, %arg16: memref<128xf32, #tpu.memory_space<vmem>>, %arg17: memref<10240x128xf32, #tpu.memory_space<vmem_shared>>, %arg18: memref<10240xf32, #tpu.memory_space<vmem_shared>>, %arg19: memref<!tpu.dma_semaphore, #tpu.memory_space<semaphore_mem>>, %arg20: memref<!tpu.dma_semaphore, #tpu.memory_space<semaphore_mem>>) attributes {dimension_semantics = [#tpu.dimension_semantics<core_parallel>, #tpu.dimension_semantics<subcore_parallel>], iteration_bounds = array<i64: 2, 16>, scalar_prefetch = 0 : i64, scratch_operands = 12 : i64, tpu.core_type = #tpu.core_type<sc_vector_subcore>, window_params = [{transform_indices = #map}, {transform_indices = #map1}, {transform_indices = #map}, {transform_indices = #map2}, {transform_indices = #map2}, {transform_indices = #map1}, {transform_indices = #map}]} {
    %mul3A = arith.constant 16 : i32
    %mul3A_0 = arith.muli %arg0, %mul3A : i32
    %add3A = arith.addi %mul3A_0, %arg1 : i32
    "tpu.region"() ({
      %run_scoped3A = tpu.sem_alloc : memref<!tpu.dma_semaphore, #tpu.memory_space<semaphore_mem>>
      %dma_start3A_329 = arith.constant 0 : i32
      %dma_start3A_330 = arith.constant 0 : i32
      %dma_start3A_331 = tpu.memref_slice %arg3[%add3A, %dma_start3A_329, %dma_start3A_330] : memref<32x80x128xi32, #tpu.memory_space<hbm>> -> memref<1x80x128xi32, #tpu.memory_space<hbm>>
      %dma_start3A_332 = tpu.memref_squeeze %dma_start3A_331 : memref<1x80x128xi32, #tpu.memory_space<hbm>> -> memref<80x128xi32, #tpu.memory_space<hbm>>
      %dma_start3A_333 = arith.constant 0 : i32
      %dma_start3A_334 = arith.constant 0 : i32
      %dma_start3A_335 = tpu.memref_slice %arg3[%add3A, %dma_start3A_333, %dma_start3A_334] : memref<32x80x128xi32, #tpu.memory_space<hbm>> -> memref<1x80x128xi32, #tpu.memory_space<hbm>>
      %dma_start3A_336 = tpu.memref_squeeze %dma_start3A_335 : memref<1x80x128xi32, #tpu.memory_space<hbm>> -> memref<80x128xi32, #tpu.memory_space<hbm>>
      tpu.enqueue_dma source(%dma_start3A_336 : memref<80x128xi32, #tpu.memory_space<hbm>>) target(%arg9 : memref<80x128xi32, #tpu.memory_space<vmem>>) target_semaphore(%run_scoped3A : memref<!tpu.dma_semaphore, #tpu.memory_space<semaphore_mem>>)
      %dma_wait3A_337 = arith.constant 0 : i32
      %dma_wait3A_338 = arith.constant 0 : i32
      %dma_wait3A_339 = tpu.memref_slice %arg3[%add3A, %dma_wait3A_337, %dma_wait3A_338] : memref<32x80x128xi32, #tpu.memory_space<hbm>> -> memref<1x80x128xi32, #tpu.memory_space<hbm>>
      %dma_wait3A_340 = tpu.memref_squeeze %dma_wait3A_339 : memref<1x80x128xi32, #tpu.memory_space<hbm>> -> memref<80x128xi32, #tpu.memory_space<hbm>>
      %dma_wait3A_341 = arith.constant 0 : i32
      %dma_wait3A_342 = arith.constant 0 : i32
      %dma_wait3A_343 = tpu.memref_slice %arg3[%add3A, %dma_wait3A_341, %dma_wait3A_342] : memref<32x80x128xi32, #tpu.memory_space<hbm>> -> memref<1x80x128xi32, #tpu.memory_space<hbm>>
      %dma_wait3A_344 = tpu.memref_squeeze %dma_wait3A_343 : memref<1x80x128xi32, #tpu.memory_space<hbm>> -> memref<80x128xi32, #tpu.memory_space<hbm>>
      tpu.wait_dma2 semaphore(%run_scoped3A : memref<!tpu.dma_semaphore, #tpu.memory_space<semaphore_mem>>) src(%dma_wait3A_344 : memref<80x128xi32, #tpu.memory_space<hbm>>) dst(%arg9 : memref<80x128xi32, #tpu.memory_space<vmem>>)
      tpu.yield
    }) : () -> ()
    %get3A = arith.constant 0 : i32
    %get3A_1 = arith.index_cast %get3A : i32 to index
    %get3A_2 = arith.constant 0 : index
    %get3A_3 = tpu.vector_load %arg9[%get3A_1, %get3A_2] {strides = array<i32>} : memref<80x128xi32, #tpu.memory_space<vmem>>, vector<1x16xi32>,
    %get3A_4 = vector.shape_cast %get3A_3 : vector<1x16xi32> to vector<16xi32>
    %and3A = arith.constant 65535 : i32
    %and3A_5 = vector.broadcast %and3A : i32 to vector<16xi32>
    %and3A_6 = arith.andi %get3A_4, %and3A_5 : vector<16xi32>
    %swap3A = arith.constant 0 : index
    %swap3A_7 = tpu.vector_load %arg10[%swap3A] {strides = array<i32>} : memref<128xi32, #tpu.memory_space<vmem>>, vector<16xi32>,
    %swap3A_8 = vector.shape_cast %swap3A_7 : vector<16xi32> to vector<16xi32>
    %swap3A_9 = vector.shape_cast %and3A_6 : vector<16xi32> to vector<16xi32>
    tpu.vector_store %arg10[%swap3A], %swap3A_9 {strides = array<i32>} : memref<128xi32, #tpu.memory_space<vmem>>, vector<16xi32>,
    %shift_right_arithmetic3A = arith.constant 16 : i32
    %shift_right_arithmetic3A_10 = vector.broadcast %shift_right_arithmetic3A : i32 to vector<16xi32>
    %shift_right_arithmetic3A_11 = arith.shrsi %get3A_4, %shift_right_arithmetic3A_10 : vector<16xi32>
    %swap3A_12 = arith.constant 0 : index
    %swap3A_13 = tpu.vector_load %arg11[%swap3A_12] {strides = array<i32>} : memref<128xi32, #tpu.memory_space<vmem>>, vector<16xi32>,
    %swap3A_14 = vector.shape_cast %swap3A_13 : vector<16xi32> to vector<16xi32>
    %swap3A_15 = vector.shape_cast %shift_right_arithmetic3A_11 : vector<16xi32> to vector<16xi32>
    tpu.vector_store %arg11[%swap3A_12], %swap3A_15 {strides = array<i32>} : memref<128xi32, #tpu.memory_space<vmem>>, vector<16xi32>,
    %get3A_16 = arith.constant 0 : i32
    %get3A_17 = arith.index_cast %get3A_16 : i32 to index
    %get3A_18 = arith.constant 16 : index
    %get3A_19 = tpu.vector_load %arg9[%get3A_17, %get3A_18] {strides = array<i32>} : memref<80x128xi32, #tpu.memory_space<vmem>>, vector<1x16xi32>,
    %get3A_20 = vector.shape_cast %get3A_19 : vector<1x16xi32> to vector<16xi32>
    %and3A_21 = arith.constant 65535 : i32
    %and3A_22 = vector.broadcast %and3A_21 : i32 to vector<16xi32>
    %and3A_23 = arith.andi %get3A_20, %and3A_22 : vector<16xi32>
    %swap3A_24 = arith.constant 16 : index
    %swap3A_25 = tpu.vector_load %arg10[%swap3A_24] {strides = array<i32>} : memref<128xi32, #tpu.memory_space<vmem>>, vector<16xi32>,
    %swap3A_26 = vector.shape_cast %swap3A_25 : vector<16xi32> to vector<16xi32>
    %swap3A_27 = vector.shape_cast %and3A_23 : vector<16xi32> to vector<16xi32>
    tpu.vector_store %arg10[%swap3A_24], %swap3A_27 {strides = array<i32>} : memref<128xi32, #tpu.memory_space<vmem>>, vector<16xi32>,
    %shift_right_arithmetic3A_28 = arith.constant 16 : i32
    %shift_right_arithmetic3A_29 = vector.broadcast %shift_right_arithmetic3A_28 : i32 to vector<16xi32>
    %shift_right_arithmetic3A_30 = arith.shrsi %get3A_20, %shift_right_arithmetic3A_29 : vector<16xi32>
    %swap3A_31 = arith.constant 16 : index
    %swap3A_32 = tpu.vector_load %arg11[%swap3A_31] {strides = array<i32>} : memref<128xi32, #tpu.memory_space<vmem>>, vector<16xi32>,
    %swap3A_33 = vector.shape_cast %swap3A_32 : vector<16xi32> to vector<16xi32>
    %swap3A_34 = vector.shape_cast %shift_right_arithmetic3A_30 : vector<16xi32> to vector<16xi32>
    tpu.vector_store %arg11[%swap3A_31], %swap3A_34 {strides = array<i32>} : memref<128xi32, #tpu.memory_space<vmem>>, vector<16xi32>,
    %get3A_35 = arith.constant 0 : i32
    %get3A_36 = arith.index_cast %get3A_35 : i32 to index
    %get3A_37 = arith.constant 32 : index
    %get3A_38 = tpu.vector_load %arg9[%get3A_36, %get3A_37] {strides = array<i32>} : memref<80x128xi32, #tpu.memory_space<vmem>>, vector<1x16xi32>,
    %get3A_39 = vector.shape_cast %get3A_38 : vector<1x16xi32> to vector<16xi32>
    %and3A_40 = arith.constant 65535 : i32
    %and3A_41 = vector.broadcast %and3A_40 : i32 to vector<16xi32>
    %and3A_42 = arith.andi %get3A_39, %and3A_41 : vector<16xi32>
    %swap3A_43 = arith.constant 32 : index
    %swap3A_44 = tpu.vector_load %arg10[%swap3A_43] {strides = array<i32>} : memref<128xi32, #tpu.memory_space<vmem>>, vector<16xi32>,
    %swap3A_45 = vector.shape_cast %swap3A_44 : vector<16xi32> to vector<16xi32>
    %swap3A_46 = vector.shape_cast %and3A_42 : vector<16xi32> to vector<16xi32>
    tpu.vector_store %arg10[%swap3A_43], %swap3A_46 {strides = array<i32>} : memref<128xi32, #tpu.memory_space<vmem>>, vector<16xi32>,
    %shift_right_arithmetic3A_47 = arith.constant 16 : i32
    %shift_right_arithmetic3A_48 = vector.broadcast %shift_right_arithmetic3A_47 : i32 to vector<16xi32>
    %shift_right_arithmetic3A_49 = arith.shrsi %get3A_39, %shift_right_arithmetic3A_48 : vector<16xi32>
    %swap3A_50 = arith.constant 32 : index
    %swap3A_51 = tpu.vector_load %arg11[%swap3A_50] {strides = array<i32>} : memref<128xi32, #tpu.memory_space<vmem>>, vector<16xi32>,
    %swap3A_52 = vector.shape_cast %swap3A_51 : vector<16xi32> to vector<16xi32>
    %swap3A_53 = vector.shape_cast %shift_right_arithmetic3A_49 : vector<16xi32> to vector<16xi32>
    tpu.vector_store %arg11[%swap3A_50], %swap3A_53 {strides = array<i32>} : memref<128xi32, #tpu.memory_space<vmem>>, vector<16xi32>,
    %get3A_54 = arith.constant 0 : i32
    %get3A_55 = arith.index_cast %get3A_54 : i32 to index
    %get3A_56 = arith.constant 48 : index
    %get3A_57 = tpu.vector_load %arg9[%get3A_55, %get3A_56] {strides = array<i32>} : memref<80x128xi32, #tpu.memory_space<vmem>>, vector<1x16xi32>,
    %get3A_58 = vector.shape_cast %get3A_57 : vector<1x16xi32> to vector<16xi32>
    %and3A_59 = arith.constant 65535 : i32
    %and3A_60 = vector.broadcast %and3A_59 : i32 to vector<16xi32>
    %and3A_61 = arith.andi %get3A_58, %and3A_60 : vector<16xi32>
    %swap3A_62 = arith.constant 48 : index
    %swap3A_63 = tpu.vector_load %arg10[%swap3A_62] {strides = array<i32>} : memref<128xi32, #tpu.memory_space<vmem>>, vector<16xi32>,
    %swap3A_64 = vector.shape_cast %swap3A_63 : vector<16xi32> to vector<16xi32>
    %swap3A_65 = vector.shape_cast %and3A_61 : vector<16xi32> to vector<16xi32>
    tpu.vector_store %arg10[%swap3A_62], %swap3A_65 {strides = array<i32>} : memref<128xi32, #tpu.memory_space<vmem>>, vector<16xi32>,
    %shift_right_arithmetic3A_66 = arith.constant 16 : i32
    %shift_right_arithmetic3A_67 = vector.broadcast %shift_right_arithmetic3A_66 : i32 to vector<16xi32>
    %shift_right_arithmetic3A_68 = arith.shrsi %get3A_58, %shift_right_arithmetic3A_67 : vector<16xi32>
    %swap3A_69 = arith.constant 48 : index
    %swap3A_70 = tpu.vector_load %arg11[%swap3A_69] {strides = array<i32>} : memref<128xi32, #tpu.memory_space<vmem>>, vector<16xi32>,
    %swap3A_71 = vector.shape_cast %swap3A_70 : vector<16xi32> to vector<16xi32>
    %swap3A_72 = vector.shape_cast %shift_right_arithmetic3A_68 : vector<16xi32> to vector<16xi32>
    tpu.vector_store %arg11[%swap3A_69], %swap3A_72 {strides = array<i32>} : memref<128xi32, #tpu.memory_space<vmem>>, vector<16xi32>,
    %get3A_73 = arith.constant 0 : i32
    %get3A_74 = arith.index_cast %get3A_73 : i32 to index
    %get3A_75 = arith.constant 64 : index
    %get3A_76 = tpu.vector_load %arg9[%get3A_74, %get3A_75] {strides = array<i32>} : memref<80x128xi32, #tpu.memory_space<vmem>>, vector<1x16xi32>,
    %get3A_77 = vector.shape_cast %get3A_76 : vector<1x16xi32> to vector<16xi32>
    %and3A_78 = arith.constant 65535 : i32
    %and3A_79 = vector.broadcast %and3A_78 : i32 to vector<16xi32>
    %and3A_80 = arith.andi %get3A_77, %and3A_79 : vector<16xi32>
    %swap3A_81 = arith.constant 64 : index
    %swap3A_82 = tpu.vector_load %arg10[%swap3A_81] {strides = array<i32>} : memref<128xi32, #tpu.memory_space<vmem>>, vector<16xi32>,
    %swap3A_83 = vector.shape_cast %swap3A_82 : vector<16xi32> to vector<16xi32>
    %swap3A_84 = vector.shape_cast %and3A_80 : vector<16xi32> to vector<16xi32>
    tpu.vector_store %arg10[%swap3A_81], %swap3A_84 {strides = array<i32>} : memref<128xi32, #tpu.memory_space<vmem>>, vector<16xi32>,
    %shift_right_arithmetic3A_85 = arith.constant 16 : i32
    %shift_right_arithmetic3A_86 = vector.broadcast %shift_right_arithmetic3A_85 : i32 to vector<16xi32>
    %shift_right_arithmetic3A_87 = arith.shrsi %get3A_77, %shift_right_arithmetic3A_86 : vector<16xi32>
    %swap3A_88 = arith.constant 64 : index
    %swap3A_89 = tpu.vector_load %arg11[%swap3A_88] {strides = array<i32>} : memref<128xi32, #tpu.memory_space<vmem>>, vector<16xi32>,
    %swap3A_90 = vector.shape_cast %swap3A_89 : vector<16xi32> to vector<16xi32>
    %swap3A_91 = vector.shape_cast %shift_right_arithmetic3A_87 : vector<16xi32> to vector<16xi32>
    tpu.vector_store %arg11[%swap3A_88], %swap3A_91 {strides = array<i32>} : memref<128xi32, #tpu.memory_space<vmem>>, vector<16xi32>,
    %get3A_92 = arith.constant 0 : i32
    %get3A_93 = arith.index_cast %get3A_92 : i32 to index
    %get3A_94 = arith.constant 80 : index
    %get3A_95 = tpu.vector_load %arg9[%get3A_93, %get3A_94] {strides = array<i32>} : memref<80x128xi32, #tpu.memory_space<vmem>>, vector<1x16xi32>,
    %get3A_96 = vector.shape_cast %get3A_95 : vector<1x16xi32> to vector<16xi32>
    %and3A_97 = arith.constant 65535 : i32
    %and3A_98 = vector.broadcast %and3A_97 : i32 to vector<16xi32>
    %and3A_99 = arith.andi %get3A_96, %and3A_98 : vector<16xi32>
    %swap3A_100 = arith.constant 80 : index
    %swap3A_101 = tpu.vector_load %arg10[%swap3A_100] {strides = array<i32>} : memref<128xi32, #tpu.memory_space<vmem>>, vector<16xi32>,
    %swap3A_102 = vector.shape_cast %swap3A_101 : vector<16xi32> to vector<16xi32>
    %swap3A_103 = vector.shape_cast %and3A_99 : vector<16xi32> to vector<16xi32>
    tpu.vector_store %arg10[%swap3A_100], %swap3A_103 {strides = array<i32>} : memref<128xi32, #tpu.memory_space<vmem>>, vector<16xi32>,
    %shift_right_arithmetic3A_104 = arith.constant 16 : i32
    %shift_right_arithmetic3A_105 = vector.broadcast %shift_right_arithmetic3A_104 : i32 to vector<16xi32>
    %shift_right_arithmetic3A_106 = arith.shrsi %get3A_96, %shift_right_arithmetic3A_105 : vector<16xi32>
    %swap3A_107 = arith.constant 80 : index
    %swap3A_108 = tpu.vector_load %arg11[%swap3A_107] {strides = array<i32>} : memref<128xi32, #tpu.memory_space<vmem>>, vector<16xi32>,
    %swap3A_109 = vector.shape_cast %swap3A_108 : vector<16xi32> to vector<16xi32>
    %swap3A_110 = vector.shape_cast %shift_right_arithmetic3A_106 : vector<16xi32> to vector<16xi32>
    tpu.vector_store %arg11[%swap3A_107], %swap3A_110 {strides = array<i32>} : memref<128xi32, #tpu.memory_space<vmem>>, vector<16xi32>,
    %get3A_111 = arith.constant 0 : i32
    %get3A_112 = arith.index_cast %get3A_111 : i32 to index
    %get3A_113 = arith.constant 96 : index
    %get3A_114 = tpu.vector_load %arg9[%get3A_112, %get3A_113] {strides = array<i32>} : memref<80x128xi32, #tpu.memory_space<vmem>>, vector<1x16xi32>,
    %get3A_115 = vector.shape_cast %get3A_114 : vector<1x16xi32> to vector<16xi32>
    %and3A_116 = arith.constant 65535 : i32
    %and3A_117 = vector.broadcast %and3A_116 : i32 to vector<16xi32>
    %and3A_118 = arith.andi %get3A_115, %and3A_117 : vector<16xi32>
    %swap3A_119 = arith.constant 96 : index
    %swap3A_120 = tpu.vector_load %arg10[%swap3A_119] {strides = array<i32>} : memref<128xi32, #tpu.memory_space<vmem>>, vector<16xi32>,
    %swap3A_121 = vector.shape_cast %swap3A_120 : vector<16xi32> to vector<16xi32>
    %swap3A_122 = vector.shape_cast %and3A_118 : vector<16xi32> to vector<16xi32>
    tpu.vector_store %arg10[%swap3A_119], %swap3A_122 {strides = array<i32>} : memref<128xi32, #tpu.memory_space<vmem>>, vector<16xi32>,
    %shift_right_arithmetic3A_123 = arith.constant 16 : i32
    %shift_right_arithmetic3A_124 = vector.broadcast %shift_right_arithmetic3A_123 : i32 to vector<16xi32>
    %shift_right_arithmetic3A_125 = arith.shrsi %get3A_115, %shift_right_arithmetic3A_124 : vector<16xi32>
    %swap3A_126 = arith.constant 96 : index
    %swap3A_127 = tpu.vector_load %arg11[%swap3A_126] {strides = array<i32>} : memref<128xi32, #tpu.memory_space<vmem>>, vector<16xi32>,
    %swap3A_128 = vector.shape_cast %swap3A_127 : vector<16xi32> to vector<16xi32>
    %swap3A_129 = vector.shape_cast %shift_right_arithmetic3A_125 : vector<16xi32> to vector<16xi32>
    tpu.vector_store %arg11[%swap3A_126], %swap3A_129 {strides = array<i32>} : memref<128xi32, #tpu.memory_space<vmem>>, vector<16xi32>,
    %get3A_130 = arith.constant 0 : i32
    %get3A_131 = arith.index_cast %get3A_130 : i32 to index
    %get3A_132 = arith.constant 112 : index
    %get3A_133 = tpu.vector_load %arg9[%get3A_131, %get3A_132] {strides = array<i32>} : memref<80x128xi32, #tpu.memory_space<vmem>>, vector<1x16xi32>,
    %get3A_134 = vector.shape_cast %get3A_133 : vector<1x16xi32> to vector<16xi32>
    %and3A_135 = arith.constant 65535 : i32
    %and3A_136 = vector.broadcast %and3A_135 : i32 to vector<16xi32>
    %and3A_137 = arith.andi %get3A_134, %and3A_136 : vector<16xi32>
    %swap3A_138 = arith.constant 112 : index
    %swap3A_139 = tpu.vector_load %arg10[%swap3A_138] {strides = array<i32>} : memref<128xi32, #tpu.memory_space<vmem>>, vector<16xi32>,
    %swap3A_140 = vector.shape_cast %swap3A_139 : vector<16xi32> to vector<16xi32>
    %swap3A_141 = vector.shape_cast %and3A_137 : vector<16xi32> to vector<16xi32>
    tpu.vector_store %arg10[%swap3A_138], %swap3A_141 {strides = array<i32>} : memref<128xi32, #tpu.memory_space<vmem>>, vector<16xi32>,
    %shift_right_arithmetic3A_142 = arith.constant 16 : i32
    %shift_right_arithmetic3A_143 = vector.broadcast %shift_right_arithmetic3A_142 : i32 to vector<16xi32>
    %shift_right_arithmetic3A_144 = arith.shrsi %get3A_134, %shift_right_arithmetic3A_143 : vector<16xi32>
    %swap3A_145 = arith.constant 112 : index
    %swap3A_146 = tpu.vector_load %arg11[%swap3A_145] {strides = array<i32>} : memref<128xi32, #tpu.memory_space<vmem>>, vector<16xi32>,
    %swap3A_147 = vector.shape_cast %swap3A_146 : vector<16xi32> to vector<16xi32>
    %swap3A_148 = vector.shape_cast %shift_right_arithmetic3A_144 : vector<16xi32> to vector<16xi32>
    tpu.vector_store %arg11[%swap3A_145], %swap3A_148 {strides = array<i32>} : memref<128xi32, #tpu.memory_space<vmem>>, vector<16xi32>,
    %get3A_149 = arith.constant 1 : i32
    %get3A_150 = arith.index_cast %get3A_149 : i32 to index
    %get3A_151 = arith.constant 0 : index
    %get3A_152 = tpu.vector_load %arg9[%get3A_150, %get3A_151] {strides = array<i32>} : memref<80x128xi32, #tpu.memory_space<vmem>>, vector<1x16xi32>,
    %get3A_153 = vector.shape_cast %get3A_152 : vector<1x16xi32> to vector<16xi32>
    %and3A_154 = arith.constant 65535 : i32
    %and3A_155 = vector.broadcast %and3A_154 : i32 to vector<16xi32>
    %and3A_156 = arith.andi %get3A_153, %and3A_155 : vector<16xi32>
    %swap3A_157 = arith.constant 0 : index
    %swap3A_158 = tpu.vector_load %arg12[%swap3A_157] {strides = array<i32>} : memref<128xi32, #tpu.memory_space<vmem>>, vector<16xi32>,
    %swap3A_159 = vector.shape_cast %swap3A_158 : vector<16xi32> to vector<16xi32>
    %swap3A_160 = vector.shape_cast %and3A_156 : vector<16xi32> to vector<16xi32>
    tpu.vector_store %arg12[%swap3A_157], %swap3A_160 {strides = array<i32>} : memref<128xi32, #tpu.memory_space<vmem>>, vector<16xi32>,
    %shift_right_arithmetic3A_161 = arith.constant 16 : i32
    %shift_right_arithmetic3A_162 = vector.broadcast %shift_right_arithmetic3A_161 : i32 to vector<16xi32>
    %shift_right_arithmetic3A_163 = arith.shrsi %get3A_153, %shift_right_arithmetic3A_162 : vector<16xi32>
    %swap3A_164 = arith.constant 0 : index
    %swap3A_165 = tpu.vector_load %arg13[%swap3A_164] {strides = array<i32>} : memref<128xi32, #tpu.memory_space<vmem>>, vector<16xi32>,
    %swap3A_166 = vector.shape_cast %swap3A_165 : vector<16xi32> to vector<16xi32>
    %swap3A_167 = vector.shape_cast %shift_right_arithmetic3A_163 : vector<16xi32> to vector<16xi32>
    tpu.vector_store %arg13[%swap3A_164], %swap3A_167 {strides = array<i32>} : memref<128xi32, #tpu.memory_space<vmem>>, vector<16xi32>,
    %get3A_168 = arith.constant 1 : i32
    %get3A_169 = arith.index_cast %get3A_168 : i32 to index
    %get3A_170 = arith.constant 16 : index
    %get3A_171 = tpu.vector_load %arg9[%get3A_169, %get3A_170] {strides = array<i32>} : memref<80x128xi32, #tpu.memory_space<vmem>>, vector<1x16xi32>,
    %get3A_172 = vector.shape_cast %get3A_171 : vector<1x16xi32> to vector<16xi32>
    %and3A_173 = arith.constant 65535 : i32
    %and3A_174 = vector.broadcast %and3A_173 : i32 to vector<16xi32>
    %and3A_175 = arith.andi %get3A_172, %and3A_174 : vector<16xi32>
    %swap3A_176 = arith.constant 16 : index
    %swap3A_177 = tpu.vector_load %arg12[%swap3A_176] {strides = array<i32>} : memref<128xi32, #tpu.memory_space<vmem>>, vector<16xi32>,
    %swap3A_178 = vector.shape_cast %swap3A_177 : vector<16xi32> to vector<16xi32>
    %swap3A_179 = vector.shape_cast %and3A_175 : vector<16xi32> to vector<16xi32>
    tpu.vector_store %arg12[%swap3A_176], %swap3A_179 {strides = array<i32>} : memref<128xi32, #tpu.memory_space<vmem>>, vector<16xi32>,
    %shift_right_arithmetic3A_180 = arith.constant 16 : i32
    %shift_right_arithmetic3A_181 = vector.broadcast %shift_right_arithmetic3A_180 : i32 to vector<16xi32>
    %shift_right_arithmetic3A_182 = arith.shrsi %get3A_172, %shift_right_arithmetic3A_181 : vector<16xi32>
    %swap3A_183 = arith.constant 16 : index
    %swap3A_184 = tpu.vector_load %arg13[%swap3A_183] {strides = array<i32>} : memref<128xi32, #tpu.memory_space<vmem>>, vector<16xi32>,
    %swap3A_185 = vector.shape_cast %swap3A_184 : vector<16xi32> to vector<16xi32>
    %swap3A_186 = vector.shape_cast %shift_right_arithmetic3A_182 : vector<16xi32> to vector<16xi32>
    tpu.vector_store %arg13[%swap3A_183], %swap3A_186 {strides = array<i32>} : memref<128xi32, #tpu.memory_space<vmem>>, vector<16xi32>,
    %get3A_187 = arith.constant 1 : i32
    %get3A_188 = arith.index_cast %get3A_187 : i32 to index
    %get3A_189 = arith.constant 32 : index
    %get3A_190 = tpu.vector_load %arg9[%get3A_188, %get3A_189] {strides = array<i32>} : memref<80x128xi32, #tpu.memory_space<vmem>>, vector<1x16xi32>,
    %get3A_191 = vector.shape_cast %get3A_190 : vector<1x16xi32> to vector<16xi32>
    %and3A_192 = arith.constant 65535 : i32
    %and3A_193 = vector.broadcast %and3A_192 : i32 to vector<16xi32>
    %and3A_194 = arith.andi %get3A_191, %and3A_193 : vector<16xi32>
    %swap3A_195 = arith.constant 32 : index
    %swap3A_196 = tpu.vector_load %arg12[%swap3A_195] {strides = array<i32>} : memref<128xi32, #tpu.memory_space<vmem>>, vector<16xi32>,
    %swap3A_197 = vector.shape_cast %swap3A_196 : vector<16xi32> to vector<16xi32>
    %swap3A_198 = vector.shape_cast %and3A_194 : vector<16xi32> to vector<16xi32>
    tpu.vector_store %arg12[%swap3A_195], %swap3A_198 {strides = array<i32>} : memref<128xi32, #tpu.memory_space<vmem>>, vector<16xi32>,
    %shift_right_arithmetic3A_199 = arith.constant 16 : i32
    %shift_right_arithmetic3A_200 = vector.broadcast %shift_right_arithmetic3A_199 : i32 to vector<16xi32>
    %shift_right_arithmetic3A_201 = arith.shrsi %get3A_191, %shift_right_arithmetic3A_200 : vector<16xi32>
    %swap3A_202 = arith.constant 32 : index
    %swap3A_203 = tpu.vector_load %arg13[%swap3A_202] {strides = array<i32>} : memref<128xi32, #tpu.memory_space<vmem>>, vector<16xi32>,
    %swap3A_204 = vector.shape_cast %swap3A_203 : vector<16xi32> to vector<16xi32>
    %swap3A_205 = vector.shape_cast %shift_right_arithmetic3A_201 : vector<16xi32> to vector<16xi32>
    tpu.vector_store %arg13[%swap3A_202], %swap3A_205 {strides = array<i32>} : memref<128xi32, #tpu.memory_space<vmem>>, vector<16xi32>,
    %get3A_206 = arith.constant 1 : i32
    %get3A_207 = arith.index_cast %get3A_206 : i32 to index
    %get3A_208 = arith.constant 48 : index
    %get3A_209 = tpu.vector_load %arg9[%get3A_207, %get3A_208] {strides = array<i32>} : memref<80x128xi32, #tpu.memory_space<vmem>>, vector<1x16xi32>,
    %get3A_210 = vector.shape_cast %get3A_209 : vector<1x16xi32> to vector<16xi32>
    %and3A_211 = arith.constant 65535 : i32
    %and3A_212 = vector.broadcast %and3A_211 : i32 to vector<16xi32>
    %and3A_213 = arith.andi %get3A_210, %and3A_212 : vector<16xi32>
    %swap3A_214 = arith.constant 48 : index
    %swap3A_215 = tpu.vector_load %arg12[%swap3A_214] {strides = array<i32>} : memref<128xi32, #tpu.memory_space<vmem>>, vector<16xi32>,
    %swap3A_216 = vector.shape_cast %swap3A_215 : vector<16xi32> to vector<16xi32>
    %swap3A_217 = vector.shape_cast %and3A_213 : vector<16xi32> to vector<16xi32>
    tpu.vector_store %arg12[%swap3A_214], %swap3A_217 {strides = array<i32>} : memref<128xi32, #tpu.memory_space<vmem>>, vector<16xi32>,
    %shift_right_arithmetic3A_218 = arith.constant 16 : i32
    %shift_right_arithmetic3A_219 = vector.broadcast %shift_right_arithmetic3A_218 : i32 to vector<16xi32>
    %shift_right_arithmetic3A_220 = arith.shrsi %get3A_210, %shift_right_arithmetic3A_219 : vector<16xi32>
    %swap3A_221 = arith.constant 48 : index
    %swap3A_222 = tpu.vector_load %arg13[%swap3A_221] {strides = array<i32>} : memref<128xi32, #tpu.memory_space<vmem>>, vector<16xi32>,
    %swap3A_223 = vector.shape_cast %swap3A_222 : vector<16xi32> to vector<16xi32>
    %swap3A_224 = vector.shape_cast %shift_right_arithmetic3A_220 : vector<16xi32> to vector<16xi32>
    tpu.vector_store %arg13[%swap3A_221], %swap3A_224 {strides = array<i32>} : memref<128xi32, #tpu.memory_space<vmem>>, vector<16xi32>,
    %get3A_225 = arith.constant 1 : i32
    %get3A_226 = arith.index_cast %get3A_225 : i32 to index
    %get3A_227 = arith.constant 64 : index
    %get3A_228 = tpu.vector_load %arg9[%get3A_226, %get3A_227] {strides = array<i32>} : memref<80x128xi32, #tpu.memory_space<vmem>>, vector<1x16xi32>,
    %get3A_229 = vector.shape_cast %get3A_228 : vector<1x16xi32> to vector<16xi32>
    %and3A_230 = arith.constant 65535 : i32
    %and3A_231 = vector.broadcast %and3A_230 : i32 to vector<16xi32>
    %and3A_232 = arith.andi %get3A_229, %and3A_231 : vector<16xi32>
    %swap3A_233 = arith.constant 64 : index
    %swap3A_234 = tpu.vector_load %arg12[%swap3A_233] {strides = array<i32>} : memref<128xi32, #tpu.memory_space<vmem>>, vector<16xi32>,
    %swap3A_235 = vector.shape_cast %swap3A_234 : vector<16xi32> to vector<16xi32>
    %swap3A_236 = vector.shape_cast %and3A_232 : vector<16xi32> to vector<16xi32>
    tpu.vector_store %arg12[%swap3A_233], %swap3A_236 {strides = array<i32>} : memref<128xi32, #tpu.memory_space<vmem>>, vector<16xi32>,
    %shift_right_arithmetic3A_237 = arith.constant 16 : i32
    %shift_right_arithmetic3A_238 = vector.broadcast %shift_right_arithmetic3A_237 : i32 to vector<16xi32>
    %shift_right_arithmetic3A_239 = arith.shrsi %get3A_229, %shift_right_arithmetic3A_238 : vector<16xi32>
    %swap3A_240 = arith.constant 64 : index
    %swap3A_241 = tpu.vector_load %arg13[%swap3A_240] {strides = array<i32>} : memref<128xi32, #tpu.memory_space<vmem>>, vector<16xi32>,
    %swap3A_242 = vector.shape_cast %swap3A_241 : vector<16xi32> to vector<16xi32>
    %swap3A_243 = vector.shape_cast %shift_right_arithmetic3A_239 : vector<16xi32> to vector<16xi32>
    tpu.vector_store %arg13[%swap3A_240], %swap3A_243 {strides = array<i32>} : memref<128xi32, #tpu.memory_space<vmem>>, vector<16xi32>,
    %get3A_244 = arith.constant 1 : i32
    %get3A_245 = arith.index_cast %get3A_244 : i32 to index
    %get3A_246 = arith.constant 80 : index
    %get3A_247 = tpu.vector_load %arg9[%get3A_245, %get3A_246] {strides = array<i32>} : memref<80x128xi32, #tpu.memory_space<vmem>>, vector<1x16xi32>,
    %get3A_248 = vector.shape_cast %get3A_247 : vector<1x16xi32> to vector<16xi32>
    %and3A_249 = arith.constant 65535 : i32
    %and3A_250 = vector.broadcast %and3A_249 : i32 to vector<16xi32>
    %and3A_251 = arith.andi %get3A_248, %and3A_250 : vector<16xi32>
    %swap3A_252 = arith.constant 80 : index
    %swap3A_253 = tpu.vector_load %arg12[%swap3A_252] {strides = array<i32>} : memref<128xi32, #tpu.memory_space<vmem>>, vector<16xi32>,
    %swap3A_254 = vector.shape_cast %swap3A_253 : vector<16xi32> to vector<16xi32>
    %swap3A_255 = vector.shape_cast %and3A_251 : vector<16xi32> to vector<16xi32>
    tpu.vector_store %arg12[%swap3A_252], %swap3A_255 {strides = array<i32>} : memref<128xi32, #tpu.memory_space<vmem>>, vector<16xi32>,
    %shift_right_arithmetic3A_256 = arith.constant 16 : i32
    %shift_right_arithmetic3A_257 = vector.broadcast %shift_right_arithmetic3A_256 : i32 to vector<16xi32>
    %shift_right_arithmetic3A_258 = arith.shrsi %get3A_248, %shift_right_arithmetic3A_257 : vector<16xi32>
    %swap3A_259 = arith.constant 80 : index
    %swap3A_260 = tpu.vector_load %arg13[%swap3A_259] {strides = array<i32>} : memref<128xi32, #tpu.memory_space<vmem>>, vector<16xi32>,
    %swap3A_261 = vector.shape_cast %swap3A_260 : vector<16xi32> to vector<16xi32>
    %swap3A_262 = vector.shape_cast %shift_right_arithmetic3A_258 : vector<16xi32> to vector<16xi32>
    tpu.vector_store %arg13[%swap3A_259], %swap3A_262 {strides = array<i32>} : memref<128xi32, #tpu.memory_space<vmem>>, vector<16xi32>,
    %get3A_263 = arith.constant 1 : i32
    %get3A_264 = arith.index_cast %get3A_263 : i32 to index
    %get3A_265 = arith.constant 96 : index
    %get3A_266 = tpu.vector_load %arg9[%get3A_264, %get3A_265] {strides = array<i32>} : memref<80x128xi32, #tpu.memory_space<vmem>>, vector<1x16xi32>,
    %get3A_267 = vector.shape_cast %get3A_266 : vector<1x16xi32> to vector<16xi32>
    %and3A_268 = arith.constant 65535 : i32
    %and3A_269 = vector.broadcast %and3A_268 : i32 to vector<16xi32>
    %and3A_270 = arith.andi %get3A_267, %and3A_269 : vector<16xi32>
    %swap3A_271 = arith.constant 96 : index
    %swap3A_272 = tpu.vector_load %arg12[%swap3A_271] {strides = array<i32>} : memref<128xi32, #tpu.memory_space<vmem>>, vector<16xi32>,
    %swap3A_273 = vector.shape_cast %swap3A_272 : vector<16xi32> to vector<16xi32>
    %swap3A_274 = vector.shape_cast %and3A_270 : vector<16xi32> to vector<16xi32>
    tpu.vector_store %arg12[%swap3A_271], %swap3A_274 {strides = array<i32>} : memref<128xi32, #tpu.memory_space<vmem>>, vector<16xi32>,
    %shift_right_arithmetic3A_275 = arith.constant 16 : i32
    %shift_right_arithmetic3A_276 = vector.broadcast %shift_right_arithmetic3A_275 : i32 to vector<16xi32>
    %shift_right_arithmetic3A_277 = arith.shrsi %get3A_267, %shift_right_arithmetic3A_276 : vector<16xi32>
    %swap3A_278 = arith.constant 96 : index
    %swap3A_279 = tpu.vector_load %arg13[%swap3A_278] {strides = array<i32>} : memref<128xi32, #tpu.memory_space<vmem>>, vector<16xi32>,
    %swap3A_280 = vector.shape_cast %swap3A_279 : vector<16xi32> to vector<16xi32>
    %swap3A_281 = vector.shape_cast %shift_right_arithmetic3A_277 : vector<16xi32> to vector<16xi32>
    tpu.vector_store %arg13[%swap3A_278], %swap3A_281 {strides = array<i32>} : memref<128xi32, #tpu.memory_space<vmem>>, vector<16xi32>,
    %get3A_282 = arith.constant 1 : i32
    %get3A_283 = arith.index_cast %get3A_282 : i32 to index
    %get3A_284 = arith.constant 112 : index
    %get3A_285 = tpu.vector_load %arg9[%get3A_283, %get3A_284] {strides = array<i32>} : memref<80x128xi32, #tpu.memory_space<vmem>>, vector<1x16xi32>,
    %get3A_286 = vector.shape_cast %get3A_285 : vector<1x16xi32> to vector<16xi32>
    %and3A_287 = arith.constant 65535 : i32
    %and3A_288 = vector.broadcast %and3A_287 : i32 to vector<16xi32>
    %and3A_289 = arith.andi %get3A_286, %and3A_288 : vector<16xi32>
    %swap3A_290 = arith.constant 112 : index
    %swap3A_291 = tpu.vector_load %arg12[%swap3A_290] {strides = array<i32>} : memref<128xi32, #tpu.memory_space<vmem>>, vector<16xi32>,
    %swap3A_292 = vector.shape_cast %swap3A_291 : vector<16xi32> to vector<16xi32>
    %swap3A_293 = vector.shape_cast %and3A_289 : vector<16xi32> to vector<16xi32>
    tpu.vector_store %arg12[%swap3A_290], %swap3A_293 {strides = array<i32>} : memref<128xi32, #tpu.memory_space<vmem>>, vector<16xi32>,
    %shift_right_arithmetic3A_294 = arith.constant 16 : i32
    %shift_right_arithmetic3A_295 = vector.broadcast %shift_right_arithmetic3A_294 : i32 to vector<16xi32>
    %shift_right_arithmetic3A_296 = arith.shrsi %get3A_286, %shift_right_arithmetic3A_295 : vector<16xi32>
    %swap3A_297 = arith.constant 112 : index
    %swap3A_298 = tpu.vector_load %arg13[%swap3A_297] {strides = array<i32>} : memref<128xi32, #tpu.memory_space<vmem>>, vector<16xi32>,
    %swap3A_299 = vector.shape_cast %swap3A_298 : vector<16xi32> to vector<16xi32>
    %swap3A_300 = vector.shape_cast %shift_right_arithmetic3A_296 : vector<16xi32> to vector<16xi32>
    tpu.vector_store %arg13[%swap3A_297], %swap3A_300 {strides = array<i32>} : memref<128xi32, #tpu.memory_space<vmem>>, vector<16xi32>,
    %dma_start3A = arith.constant 0 : i32
    %dma_start3A_301 = arith.constant 0 : i32
    %dma_start3A_302 = tpu.memref_slice %arg2[%dma_start3A, %dma_start3A_301] : memref<10000x128xf32, #tpu.memory_space<hbm>> -> memref<10000x128xf32, #tpu.memory_space<hbm>>
    tpu.enqueue_indirect_dma source(%dma_start3A_302 : memref<10000x128xf32, #tpu.memory_space<hbm>>) target(%arg14 : memref<128x128xf32, #tpu.memory_space<vmem>>) offsets(%arg10 : memref<128xi32, #tpu.memory_space<vmem>>) semaphore(%arg19 : memref<!tpu.dma_semaphore, #tpu.memory_space<semaphore_mem>>)
    %dma_start3A_303 = arith.constant 0 : i32
    %dma_start3A_304 = arith.constant 0 : i32
    %dma_start3A_305 = tpu.memref_slice %arg2[%dma_start3A_303, %dma_start3A_304] : memref<10000x128xf32, #tpu.memory_space<hbm>> -> memref<10000x128xf32, #tpu.memory_space<hbm>>
    tpu.enqueue_indirect_dma source(%dma_start3A_305 : memref<10000x128xf32, #tpu.memory_space<hbm>>) target(%arg15 : memref<128x128xf32, #tpu.memory_space<vmem>>) offsets(%arg12 : memref<128xi32, #tpu.memory_space<vmem>>) semaphore(%arg20 : memref<!tpu.dma_semaphore, #tpu.memory_space<semaphore_mem>>)
    %mul3A_306 = arith.constant 640 : i32
    %mul3A_307 = arith.muli %arg1, %mul3A_306 : i32
    "tpu.region"() ({
      %run_scoped3A = tpu.sem_alloc : memref<!tpu.dma_semaphore, #tpu.memory_space<semaphore_mem>>
      %dma_start3A_329 = arith.constant 0 : i32
      %dma_start3A_330 = tpu.memref_slice %arg17[%mul3A_307, %dma_start3A_329] : memref<10240x128xf32, #tpu.memory_space<vmem_shared>> -> memref<640x128xf32, #tpu.memory_space<vmem_shared>>
      tpu.enqueue_dma source(%arg4 : memref<640x128xf32, #tpu.memory_space<hbm>>) target(%dma_start3A_330 : memref<640x128xf32, #tpu.memory_space<vmem_shared>>) target_semaphore(%run_scoped3A : memref<!tpu.dma_semaphore, #tpu.memory_space<semaphore_mem>>)
      %dma_wait3A_331 = arith.constant 0 : i32
      %dma_wait3A_332 = tpu.memref_slice %arg17[%mul3A_307, %dma_wait3A_331] : memref<10240x128xf32, #tpu.memory_space<vmem_shared>> -> memref<640x128xf32, #tpu.memory_space<vmem_shared>>
      tpu.wait_dma2 semaphore(%run_scoped3A : memref<!tpu.dma_semaphore, #tpu.memory_space<semaphore_mem>>) src(%arg4 : memref<640x128xf32, #tpu.memory_space<hbm>>) dst(%dma_wait3A_332 : memref<640x128xf32, #tpu.memory_space<vmem_shared>>)
      tpu.yield
    }) : () -> ()
    %mul3A_308 = arith.constant 640 : i32
    %mul3A_309 = arith.muli %arg1, %mul3A_308 : i32
    "tpu.region"() ({
      %run_scoped3A = tpu.sem_alloc : memref<!tpu.dma_semaphore, #tpu.memory_space<semaphore_mem>>
      %dma_start3A_329 = tpu.memref_slice %arg18[%mul3A_309] : memref<10240xf32, #tpu.memory_space<vmem_shared>> -> memref<640xf32, #tpu.memory_space<vmem_shared>>
      tpu.enqueue_dma source(%arg5 : memref<640xf32, #tpu.memory_space<hbm>>) target(%dma_start3A_329 : memref<640xf32, #tpu.memory_space<vmem_shared>>) target_semaphore(%run_scoped3A : memref<!tpu.dma_semaphore, #tpu.memory_space<semaphore_mem>>)
      %dma_wait3A_330 = tpu.memref_slice %arg18[%mul3A_309] : memref<10240xf32, #tpu.memory_space<vmem_shared>> -> memref<640xf32, #tpu.memory_space<vmem_shared>>
      tpu.wait_dma2 semaphore(%run_scoped3A : memref<!tpu.dma_semaphore, #tpu.memory_space<semaphore_mem>>) src(%arg5 : memref<640xf32, #tpu.memory_space<hbm>>) dst(%dma_wait3A_330 : memref<640xf32, #tpu.memory_space<vmem_shared>>)
      tpu.yield
    }) : () -> ()
    "tpu.region"() ({
      %run_scoped3A = tpu.sem_alloc : memref<!tpu.dma_semaphore, #tpu.memory_space<semaphore_mem>>
      tpu.enqueue_dma source(%arg6 : memref<128xf32, #tpu.memory_space<hbm>>) target(%arg16 : memref<128xf32, #tpu.memory_space<vmem>>) target_semaphore(%run_scoped3A : memref<!tpu.dma_semaphore, #tpu.memory_space<semaphore_mem>>)
      tpu.wait_dma2 semaphore(%run_scoped3A : memref<!tpu.dma_semaphore, #tpu.memory_space<semaphore_mem>>) src(%arg6 : memref<128xf32, #tpu.memory_space<hbm>>) dst(%arg16 : memref<128xf32, #tpu.memory_space<vmem>>)
      tpu.yield
    }) : () -> ()
    %barrier3A = arith.constant 0 : index
    tpu.barrier barrier_id(%barrier3A)
    %scan3A = arith.constant 0 : i32
    %scan3A_310 = arith.constant 0 : i32
    %scan3A_311 = arith.constant 39 : i32
    %scan3A_312 = arith.addi %scan3A_310, %scan3A_311 : i32
    %scan3A_313 = arith.constant 1 : i32
    scf.for %scan3A_329 = %scan3A_310 to %scan3A_312 step %scan3A_313  : i32 {
      %mul3A_330 = arith.constant 2 : i32
      %mul3A_331 = arith.muli %mul3A_330, %scan3A_329 : i32
      %dma_wait3A_332 = arith.constant 0 : i32
      %dma_wait3A_333 = arith.constant 0 : i32
      %dma_wait3A_334 = tpu.memref_slice %arg2[%dma_wait3A_332, %dma_wait3A_333] : memref<10000x128xf32, #tpu.memory_space<hbm>> -> memref<10000x128xf32, #tpu.memory_space<hbm>>
      tpu.wait_indirect_dma semaphore(%arg19 : memref<!tpu.dma_semaphore, #tpu.memory_space<semaphore_mem>>) src(%dma_wait3A_334 : memref<10000x128xf32, #tpu.memory_space<hbm>>) dst(%arg14 : memref<128x128xf32, #tpu.memory_space<vmem>>)
      "tpu.region"() ({
        %run_scoped3A = tpu.sem_alloc : memref<!tpu.dma_semaphore, #tpu.memory_space<semaphore_mem>>
        %dma_start3A_638 = arith.constant 0 : i32
        %dma_start3A_639 = arith.constant 0 : i32
        %dma_start3A_640 = tpu.memref_slice %arg17[%dma_start3A_638, %dma_start3A_639] : memref<10240x128xf32, #tpu.memory_space<vmem_shared>> -> memref<10240x128xf32, #tpu.memory_space<vmem_shared>>
        tpu.enqueue_indirect_dma source(%arg14 : memref<128x128xf32, #tpu.memory_space<vmem>>) target(%dma_start3A_640 : memref<10240x128xf32, #tpu.memory_space<vmem_shared>>) offsets(%arg11 : memref<128xi32, #tpu.memory_space<vmem>>) semaphore(%run_scoped3A : memref<!tpu.dma_semaphore, #tpu.memory_space<semaphore_mem>>) {add = true}
        %dma_wait3A_641 = arith.constant 0 : i32
        %dma_wait3A_642 = arith.constant 0 : i32
        %dma_wait3A_643 = tpu.memref_slice %arg17[%dma_wait3A_641, %dma_wait3A_642] : memref<10240x128xf32, #tpu.memory_space<vmem_shared>> -> memref<10240x128xf32, #tpu.memory_space<vmem_shared>>
        tpu.wait_indirect_dma semaphore(%run_scoped3A : memref<!tpu.dma_semaphore, #tpu.memory_space<semaphore_mem>>) src(%arg14 : memref<128x128xf32, #tpu.memory_space<vmem>>) dst(%dma_wait3A_643 : memref<10240x128xf32, #tpu.memory_space<vmem_shared>>)
        tpu.yield
      }) : () -> ()
      "tpu.region"() ({
        %run_scoped3A = tpu.sem_alloc : memref<!tpu.dma_semaphore, #tpu.memory_space<semaphore_mem>>
        %dma_start3A_638 = arith.constant 0 : i32
        %dma_start3A_639 = tpu.memref_slice %arg18[%dma_start3A_638] : memref<10240xf32, #tpu.memory_space<vmem_shared>> -> memref<10240xf32, #tpu.memory_space<vmem_shared>>
        tpu.enqueue_indirect_dma source(%arg16 : memref<128xf32, #tpu.memory_space<vmem>>) target(%dma_start3A_639 : memref<10240xf32, #tpu.memory_space<vmem_shared>>) offsets(%arg11 : memref<128xi32, #tpu.memory_space<vmem>>) semaphore(%run_scoped3A : memref<!tpu.dma_semaphore, #tpu.memory_space<semaphore_mem>>) {add = true}
        %dma_wait3A_640 = arith.constant 0 : i32
        %dma_wait3A_641 = tpu.memref_slice %arg18[%dma_wait3A_640] : memref<10240xf32, #tpu.memory_space<vmem_shared>> -> memref<10240xf32, #tpu.memory_space<vmem_shared>>
        tpu.wait_indirect_dma semaphore(%run_scoped3A : memref<!tpu.dma_semaphore, #tpu.memory_space<semaphore_mem>>) src(%arg16 : memref<128xf32, #tpu.memory_space<vmem>>) dst(%dma_wait3A_641 : memref<10240xf32, #tpu.memory_space<vmem_shared>>)
        tpu.yield
      }) : () -> ()
      %add3A_335 = arith.constant 2 : i32
      %add3A_336 = arith.addi %mul3A_331, %add3A_335 : i32
      %get3A_337 = arith.index_cast %add3A_336 : i32 to index
      %get3A_338 = arith.constant 0 : index
      %get3A_339 = tpu.vector_load %arg9[%get3A_337, %get3A_338] {strides = array<i32>} : memref<80x128xi32, #tpu.memory_space<vmem>>, vector<1x16xi32>,
      %get3A_340 = vector.shape_cast %get3A_339 : vector<1x16xi32> to vector<16xi32>
      %and3A_341 = arith.constant 65535 : i32
      %and3A_342 = vector.broadcast %and3A_341 : i32 to vector<16xi32>
      %and3A_343 = arith.andi %get3A_340, %and3A_342 : vector<16xi32>
      %swap3A_344 = arith.constant 0 : index
      %swap3A_345 = tpu.vector_load %arg10[%swap3A_344] {strides = array<i32>} : memref<128xi32, #tpu.memory_space<vmem>>, vector<16xi32>,
      %swap3A_346 = vector.shape_cast %swap3A_345 : vector<16xi32> to vector<16xi32>
      %swap3A_347 = vector.shape_cast %and3A_343 : vector<16xi32> to vector<16xi32>
      tpu.vector_store %arg10[%swap3A_344], %swap3A_347 {strides = array<i32>} : memref<128xi32, #tpu.memory_space<vmem>>, vector<16xi32>,
      %shift_right_arithmetic3A_348 = arith.constant 16 : i32
      %shift_right_arithmetic3A_349 = vector.broadcast %shift_right_arithmetic3A_348 : i32 to vector<16xi32>
      %shift_right_arithmetic3A_350 = arith.shrsi %get3A_340, %shift_right_arithmetic3A_349 : vector<16xi32>
      %swap3A_351 = arith.constant 0 : index
      %swap3A_352 = tpu.vector_load %arg11[%swap3A_351] {strides = array<i32>} : memref<128xi32, #tpu.memory_space<vmem>>, vector<16xi32>,
      %swap3A_353 = vector.shape_cast %swap3A_352 : vector<16xi32> to vector<16xi32>
      %swap3A_354 = vector.shape_cast %shift_right_arithmetic3A_350 : vector<16xi32> to vector<16xi32>
      tpu.vector_store %arg11[%swap3A_351], %swap3A_354 {strides = array<i32>} : memref<128xi32, #tpu.memory_space<vmem>>, vector<16xi32>,
      %get3A_355 = arith.index_cast %add3A_336 : i32 to index
      %get3A_356 = arith.constant 16 : index
      %get3A_357 = tpu.vector_load %arg9[%get3A_355, %get3A_356] {strides = array<i32>} : memref<80x128xi32, #tpu.memory_space<vmem>>, vector<1x16xi32>,
      %get3A_358 = vector.shape_cast %get3A_357 : vector<1x16xi32> to vector<16xi32>
      %and3A_359 = arith.constant 65535 : i32
      %and3A_360 = vector.broadcast %and3A_359 : i32 to vector<16xi32>
      %and3A_361 = arith.andi %get3A_358, %and3A_360 : vector<16xi32>
      %swap3A_362 = arith.constant 16 : index
      %swap3A_363 = tpu.vector_load %arg10[%swap3A_362] {strides = array<i32>} : memref<128xi32, #tpu.memory_space<vmem>>, vector<16xi32>,
      %swap3A_364 = vector.shape_cast %swap3A_363 : vector<16xi32> to vector<16xi32>
      %swap3A_365 = vector.shape_cast %and3A_361 : vector<16xi32> to vector<16xi32>
      tpu.vector_store %arg10[%swap3A_362], %swap3A_365 {strides = array<i32>} : memref<128xi32, #tpu.memory_space<vmem>>, vector<16xi32>,
      %shift_right_arithmetic3A_366 = arith.constant 16 : i32
      %shift_right_arithmetic3A_367 = vector.broadcast %shift_right_arithmetic3A_366 : i32 to vector<16xi32>
      %shift_right_arithmetic3A_368 = arith.shrsi %get3A_358, %shift_right_arithmetic3A_367 : vector<16xi32>
      %swap3A_369 = arith.constant 16 : index
      %swap3A_370 = tpu.vector_load %arg11[%swap3A_369] {strides = array<i32>} : memref<128xi32, #tpu.memory_space<vmem>>, vector<16xi32>,
      %swap3A_371 = vector.shape_cast %swap3A_370 : vector<16xi32> to vector<16xi32>
      %swap3A_372 = vector.shape_cast %shift_right_arithmetic3A_368 : vector<16xi32> to vector<16xi32>
      tpu.vector_store %arg11[%swap3A_369], %swap3A_372 {strides = array<i32>} : memref<128xi32, #tpu.memory_space<vmem>>, vector<16xi32>,
      %get3A_373 = arith.index_cast %add3A_336 : i32 to index
      %get3A_374 = arith.constant 32 : index
      %get3A_375 = tpu.vector_load %arg9[%get3A_373, %get3A_374] {strides = array<i32>} : memref<80x128xi32, #tpu.memory_space<vmem>>, vector<1x16xi32>,
      %get3A_376 = vector.shape_cast %get3A_375 : vector<1x16xi32> to vector<16xi32>
      %and3A_377 = arith.constant 65535 : i32
      %and3A_378 = vector.broadcast %and3A_377 : i32 to vector<16xi32>
      %and3A_379 = arith.andi %get3A_376, %and3A_378 : vector<16xi32>
      %swap3A_380 = arith.constant 32 : index
      %swap3A_381 = tpu.vector_load %arg10[%swap3A_380] {strides = array<i32>} : memref<128xi32, #tpu.memory_space<vmem>>, vector<16xi32>,
      %swap3A_382 = vector.shape_cast %swap3A_381 : vector<16xi32> to vector<16xi32>
      %swap3A_383 = vector.shape_cast %and3A_379 : vector<16xi32> to vector<16xi32>
      tpu.vector_store %arg10[%swap3A_380], %swap3A_383 {strides = array<i32>} : memref<128xi32, #tpu.memory_space<vmem>>, vector<16xi32>,
      %shift_right_arithmetic3A_384 = arith.constant 16 : i32
      %shift_right_arithmetic3A_385 = vector.broadcast %shift_right_arithmetic3A_384 : i32 to vector<16xi32>
      %shift_right_arithmetic3A_386 = arith.shrsi %get3A_376, %shift_right_arithmetic3A_385 : vector<16xi32>
      %swap3A_387 = arith.constant 32 : index
      %swap3A_388 = tpu.vector_load %arg11[%swap3A_387] {strides = array<i32>} : memref<128xi32, #tpu.memory_space<vmem>>, vector<16xi32>,
      %swap3A_389 = vector.shape_cast %swap3A_388 : vector<16xi32> to vector<16xi32>
      %swap3A_390 = vector.shape_cast %shift_right_arithmetic3A_386 : vector<16xi32> to vector<16xi32>
      tpu.vector_store %arg11[%swap3A_387], %swap3A_390 {strides = array<i32>} : memref<128xi32, #tpu.memory_space<vmem>>, vector<16xi32>,
      %get3A_391 = arith.index_cast %add3A_336 : i32 to index
      %get3A_392 = arith.constant 48 : index
      %get3A_393 = tpu.vector_load %arg9[%get3A_391, %get3A_392] {strides = array<i32>} : memref<80x128xi32, #tpu.memory_space<vmem>>, vector<1x16xi32>,
      %get3A_394 = vector.shape_cast %get3A_393 : vector<1x16xi32> to vector<16xi32>
      %and3A_395 = arith.constant 65535 : i32
      %and3A_396 = vector.broadcast %and3A_395 : i32 to vector<16xi32>
      %and3A_397 = arith.andi %get3A_394, %and3A_396 : vector<16xi32>
      %swap3A_398 = arith.constant 48 : index
      %swap3A_399 = tpu.vector_load %arg10[%swap3A_398] {strides = array<i32>} : memref<128xi32, #tpu.memory_space<vmem>>, vector<16xi32>,
      %swap3A_400 = vector.shape_cast %swap3A_399 : vector<16xi32> to vector<16xi32>
      %swap3A_401 = vector.shape_cast %and3A_397 : vector<16xi32> to vector<16xi32>
      tpu.vector_store %arg10[%swap3A_398], %swap3A_401 {strides = array<i32>} : memref<128xi32, #tpu.memory_space<vmem>>, vector<16xi32>,
      %shift_right_arithmetic3A_402 = arith.constant 16 : i32
      %shift_right_arithmetic3A_403 = vector.broadcast %shift_right_arithmetic3A_402 : i32 to vector<16xi32>
      %shift_right_arithmetic3A_404 = arith.shrsi %get3A_394, %shift_right_arithmetic3A_403 : vector<16xi32>
      %swap3A_405 = arith.constant 48 : index
      %swap3A_406 = tpu.vector_load %arg11[%swap3A_405] {strides = array<i32>} : memref<128xi32, #tpu.memory_space<vmem>>, vector<16xi32>,
      %swap3A_407 = vector.shape_cast %swap3A_406 : vector<16xi32> to vector<16xi32>
      %swap3A_408 = vector.shape_cast %shift_right_arithmetic3A_404 : vector<16xi32> to vector<16xi32>
      tpu.vector_store %arg11[%swap3A_405], %swap3A_408 {strides = array<i32>} : memref<128xi32, #tpu.memory_space<vmem>>, vector<16xi32>,
      %get3A_409 = arith.index_cast %add3A_336 : i32 to index
      %get3A_410 = arith.constant 64 : index
      %get3A_411 = tpu.vector_load %arg9[%get3A_409, %get3A_410] {strides = array<i32>} : memref<80x128xi32, #tpu.memory_space<vmem>>, vector<1x16xi32>,
      %get3A_412 = vector.shape_cast %get3A_411 : vector<1x16xi32> to vector<16xi32>
      %and3A_413 = arith.constant 65535 : i32
      %and3A_414 = vector.broadcast %and3A_413 : i32 to vector<16xi32>
      %and3A_415 = arith.andi %get3A_412, %and3A_414 : vector<16xi32>
      %swap3A_416 = arith.constant 64 : index
      %swap3A_417 = tpu.vector_load %arg10[%swap3A_416] {strides = array<i32>} : memref<128xi32, #tpu.memory_space<vmem>>, vector<16xi32>,
      %swap3A_418 = vector.shape_cast %swap3A_417 : vector<16xi32> to vector<16xi32>
      %swap3A_419 = vector.shape_cast %and3A_415 : vector<16xi32> to vector<16xi32>
      tpu.vector_store %arg10[%swap3A_416], %swap3A_419 {strides = array<i32>} : memref<128xi32, #tpu.memory_space<vmem>>, vector<16xi32>,
      %shift_right_arithmetic3A_420 = arith.constant 16 : i32
      %shift_right_arithmetic3A_421 = vector.broadcast %shift_right_arithmetic3A_420 : i32 to vector<16xi32>
      %shift_right_arithmetic3A_422 = arith.shrsi %get3A_412, %shift_right_arithmetic3A_421 : vector<16xi32>
      %swap3A_423 = arith.constant 64 : index
      %swap3A_424 = tpu.vector_load %arg11[%swap3A_423] {strides = array<i32>} : memref<128xi32, #tpu.memory_space<vmem>>, vector<16xi32>,
      %swap3A_425 = vector.shape_cast %swap3A_424 : vector<16xi32> to vector<16xi32>
      %swap3A_426 = vector.shape_cast %shift_right_arithmetic3A_422 : vector<16xi32> to vector<16xi32>
      tpu.vector_store %arg11[%swap3A_423], %swap3A_426 {strides = array<i32>} : memref<128xi32, #tpu.memory_space<vmem>>, vector<16xi32>,
      %get3A_427 = arith.index_cast %add3A_336 : i32 to index
      %get3A_428 = arith.constant 80 : index
      %get3A_429 = tpu.vector_load %arg9[%get3A_427, %get3A_428] {strides = array<i32>} : memref<80x128xi32, #tpu.memory_space<vmem>>, vector<1x16xi32>,
      %get3A_430 = vector.shape_cast %get3A_429 : vector<1x16xi32> to vector<16xi32>
      %and3A_431 = arith.constant 65535 : i32
      %and3A_432 = vector.broadcast %and3A_431 : i32 to vector<16xi32>
      %and3A_433 = arith.andi %get3A_430, %and3A_432 : vector<16xi32>
      %swap3A_434 = arith.constant 80 : index
      %swap3A_435 = tpu.vector_load %arg10[%swap3A_434] {strides = array<i32>} : memref<128xi32, #tpu.memory_space<vmem>>, vector<16xi32>,
      %swap3A_436 = vector.shape_cast %swap3A_435 : vector<16xi32> to vector<16xi32>
      %swap3A_437 = vector.shape_cast %and3A_433 : vector<16xi32> to vector<16xi32>
      tpu.vector_store %arg10[%swap3A_434], %swap3A_437 {strides = array<i32>} : memref<128xi32, #tpu.memory_space<vmem>>, vector<16xi32>,
      %shift_right_arithmetic3A_438 = arith.constant 16 : i32
      %shift_right_arithmetic3A_439 = vector.broadcast %shift_right_arithmetic3A_438 : i32 to vector<16xi32>
      %shift_right_arithmetic3A_440 = arith.shrsi %get3A_430, %shift_right_arithmetic3A_439 : vector<16xi32>
      %swap3A_441 = arith.constant 80 : index
      %swap3A_442 = tpu.vector_load %arg11[%swap3A_441] {strides = array<i32>} : memref<128xi32, #tpu.memory_space<vmem>>, vector<16xi32>,
      %swap3A_443 = vector.shape_cast %swap3A_442 : vector<16xi32> to vector<16xi32>
      %swap3A_444 = vector.shape_cast %shift_right_arithmetic3A_440 : vector<16xi32> to vector<16xi32>
      tpu.vector_store %arg11[%swap3A_441], %swap3A_444 {strides = array<i32>} : memref<128xi32, #tpu.memory_space<vmem>>, vector<16xi32>,
      %get3A_445 = arith.index_cast %add3A_336 : i32 to index
      %get3A_446 = arith.constant 96 : index
      %get3A_447 = tpu.vector_load %arg9[%get3A_445, %get3A_446] {strides = array<i32>} : memref<80x128xi32, #tpu.memory_space<vmem>>, vector<1x16xi32>,
      %get3A_448 = vector.shape_cast %get3A_447 : vector<1x16xi32> to vector<16xi32>
      %and3A_449 = arith.constant 65535 : i32
      %and3A_450 = vector.broadcast %and3A_449 : i32 to vector<16xi32>
      %and3A_451 = arith.andi %get3A_448, %and3A_450 : vector<16xi32>
      %swap3A_452 = arith.constant 96 : index
      %swap3A_453 = tpu.vector_load %arg10[%swap3A_452] {strides = array<i32>} : memref<128xi32, #tpu.memory_space<vmem>>, vector<16xi32>,
      %swap3A_454 = vector.shape_cast %swap3A_453 : vector<16xi32> to vector<16xi32>
      %swap3A_455 = vector.shape_cast %and3A_451 : vector<16xi32> to vector<16xi32>
      tpu.vector_store %arg10[%swap3A_452], %swap3A_455 {strides = array<i32>} : memref<128xi32, #tpu.memory_space<vmem>>, vector<16xi32>,
      %shift_right_arithmetic3A_456 = arith.constant 16 : i32
      %shift_right_arithmetic3A_457 = vector.broadcast %shift_right_arithmetic3A_456 : i32 to vector<16xi32>
      %shift_right_arithmetic3A_458 = arith.shrsi %get3A_448, %shift_right_arithmetic3A_457 : vector<16xi32>
      %swap3A_459 = arith.constant 96 : index
      %swap3A_460 = tpu.vector_load %arg11[%swap3A_459] {strides = array<i32>} : memref<128xi32, #tpu.memory_space<vmem>>, vector<16xi32>,
      %swap3A_461 = vector.shape_cast %swap3A_460 : vector<16xi32> to vector<16xi32>
      %swap3A_462 = vector.shape_cast %shift_right_arithmetic3A_458 : vector<16xi32> to vector<16xi32>
      tpu.vector_store %arg11[%swap3A_459], %swap3A_462 {strides = array<i32>} : memref<128xi32, #tpu.memory_space<vmem>>, vector<16xi32>,
      %get3A_463 = arith.index_cast %add3A_336 : i32 to index
      %get3A_464 = arith.constant 112 : index
      %get3A_465 = tpu.vector_load %arg9[%get3A_463, %get3A_464] {strides = array<i32>} : memref<80x128xi32, #tpu.memory_space<vmem>>, vector<1x16xi32>,
      %get3A_466 = vector.shape_cast %get3A_465 : vector<1x16xi32> to vector<16xi32>
      %and3A_467 = arith.constant 65535 : i32
      %and3A_468 = vector.broadcast %and3A_467 : i32 to vector<16xi32>
      %and3A_469 = arith.andi %get3A_466, %and3A_468 : vector<16xi32>
      %swap3A_470 = arith.constant 112 : index
      %swap3A_471 = tpu.vector_load %arg10[%swap3A_470] {strides = array<i32>} : memref<128xi32, #tpu.memory_space<vmem>>, vector<16xi32>,
      %swap3A_472 = vector.shape_cast %swap3A_471 : vector<16xi32> to vector<16xi32>
      %swap3A_473 = vector.shape_cast %and3A_469 : vector<16xi32> to vector<16xi32>
      tpu.vector_store %arg10[%swap3A_470], %swap3A_473 {strides = array<i32>} : memref<128xi32, #tpu.memory_space<vmem>>, vector<16xi32>,
      %shift_right_arithmetic3A_474 = arith.constant 16 : i32
      %shift_right_arithmetic3A_475 = vector.broadcast %shift_right_arithmetic3A_474 : i32 to vector<16xi32>
      %shift_right_arithmetic3A_476 = arith.shrsi %get3A_466, %shift_right_arithmetic3A_475 : vector<16xi32>
      %swap3A_477 = arith.constant 112 : index
      %swap3A_478 = tpu.vector_load %arg11[%swap3A_477] {strides = array<i32>} : memref<128xi32, #tpu.memory_space<vmem>>, vector<16xi32>,
      %swap3A_479 = vector.shape_cast %swap3A_478 : vector<16xi32> to vector<16xi32>
      %swap3A_480 = vector.shape_cast %shift_right_arithmetic3A_476 : vector<16xi32> to vector<16xi32>
      tpu.vector_store %arg11[%swap3A_477], %swap3A_480 {strides = array<i32>} : memref<128xi32, #tpu.memory_space<vmem>>, vector<16xi32>,
      %dma_start3A_481 = arith.constant 0 : i32
      %dma_start3A_482 = arith.constant 0 : i32
      %dma_start3A_483 = tpu.memref_slice %arg2[%dma_start3A_481, %dma_start3A_482] : memref<10000x128xf32, #tpu.memory_space<hbm>> -> memref<10000x128xf32, #tpu.memory_space<hbm>>
      tpu.enqueue_indirect_dma source(%dma_start3A_483 : memref<10000x128xf32, #tpu.memory_space<hbm>>) target(%arg14 : memref<128x128xf32, #tpu.memory_space<vmem>>) offsets(%arg10 : memref<128xi32, #tpu.memory_space<vmem>>) semaphore(%arg19 : memref<!tpu.dma_semaphore, #tpu.memory_space<semaphore_mem>>)
      %add3A_484 = arith.constant 1 : i32
      %add3A_485 = arith.addi %mul3A_331, %add3A_484 : i32
      %dma_wait3A_486 = arith.constant 0 : i32
      %dma_wait3A_487 = arith.constant 0 : i32
      %dma_wait3A_488 = tpu.memref_slice %arg2[%dma_wait3A_486, %dma_wait3A_487] : memref<10000x128xf32, #tpu.memory_space<hbm>> -> memref<10000x128xf32, #tpu.memory_space<hbm>>
      tpu.wait_indirect_dma semaphore(%arg20 : memref<!tpu.dma_semaphore, #tpu.memory_space<semaphore_mem>>) src(%dma_wait3A_488 : memref<10000x128xf32, #tpu.memory_space<hbm>>) dst(%arg15 : memref<128x128xf32, #tpu.memory_space<vmem>>)
      "tpu.region"() ({
        %run_scoped3A = tpu.sem_alloc : memref<!tpu.dma_semaphore, #tpu.memory_space<semaphore_mem>>
        %dma_start3A_638 = arith.constant 0 : i32
        %dma_start3A_639 = arith.constant 0 : i32
        %dma_start3A_640 = tpu.memref_slice %arg17[%dma_start3A_638, %dma_start3A_639] : memref<10240x128xf32, #tpu.memory_space<vmem_shared>> -> memref<10240x128xf32, #tpu.memory_space<vmem_shared>>
        tpu.enqueue_indirect_dma source(%arg15 : memref<128x128xf32, #tpu.memory_space<vmem>>) target(%dma_start3A_640 : memref<10240x128xf32, #tpu.memory_space<vmem_shared>>) offsets(%arg13 : memref<128xi32, #tpu.memory_space<vmem>>) semaphore(%run_scoped3A : memref<!tpu.dma_semaphore, #tpu.memory_space<semaphore_mem>>) {add = true}
        %dma_wait3A_641 = arith.constant 0 : i32
        %dma_wait3A_642 = arith.constant 0 : i32
        %dma_wait3A_643 = tpu.memref_slice %arg17[%dma_wait3A_641, %dma_wait3A_642] : memref<10240x128xf32, #tpu.memory_space<vmem_shared>> -> memref<10240x128xf32, #tpu.memory_space<vmem_shared>>
        tpu.wait_indirect_dma semaphore(%run_scoped3A : memref<!tpu.dma_semaphore, #tpu.memory_space<semaphore_mem>>) src(%arg15 : memref<128x128xf32, #tpu.memory_space<vmem>>) dst(%dma_wait3A_643 : memref<10240x128xf32, #tpu.memory_space<vmem_shared>>)
        tpu.yield
      }) : () -> ()
      "tpu.region"() ({
        %run_scoped3A = tpu.sem_alloc : memref<!tpu.dma_semaphore, #tpu.memory_space<semaphore_mem>>
        %dma_start3A_638 = arith.constant 0 : i32
        %dma_start3A_639 = tpu.memref_slice %arg18[%dma_start3A_638] : memref<10240xf32, #tpu.memory_space<vmem_shared>> -> memref<10240xf32, #tpu.memory_space<vmem_shared>>
        tpu.enqueue_indirect_dma source(%arg16 : memref<128xf32, #tpu.memory_space<vmem>>) target(%dma_start3A_639 : memref<10240xf32, #tpu.memory_space<vmem_shared>>) offsets(%arg13 : memref<128xi32, #tpu.memory_space<vmem>>) semaphore(%run_scoped3A : memref<!tpu.dma_semaphore, #tpu.memory_space<semaphore_mem>>) {add = true}
        %dma_wait3A_640 = arith.constant 0 : i32
        %dma_wait3A_641 = tpu.memref_slice %arg18[%dma_wait3A_640] : memref<10240xf32, #tpu.memory_space<vmem_shared>> -> memref<10240xf32, #tpu.memory_space<vmem_shared>>
        tpu.wait_indirect_dma semaphore(%run_scoped3A : memref<!tpu.dma_semaphore, #tpu.memory_space<semaphore_mem>>) src(%arg16 : memref<128xf32, #tpu.memory_space<vmem>>) dst(%dma_wait3A_641 : memref<10240xf32, #tpu.memory_space<vmem_shared>>)
        tpu.yield
      }) : () -> ()
      %add3A_489 = arith.constant 2 : i32
      %add3A_490 = arith.addi %add3A_485, %add3A_489 : i32
      %get3A_491 = arith.index_cast %add3A_490 : i32 to index
      %get3A_492 = arith.constant 0 : index
      %get3A_493 = tpu.vector_load %arg9[%get3A_491, %get3A_492] {strides = array<i32>} : memref<80x128xi32, #tpu.memory_space<vmem>>, vector<1x16xi32>,
      %get3A_494 = vector.shape_cast %get3A_493 : vector<1x16xi32> to vector<16xi32>
      %and3A_495 = arith.constant 65535 : i32
      %and3A_496 = vector.broadcast %and3A_495 : i32 to vector<16xi32>
      %and3A_497 = arith.andi %get3A_494, %and3A_496 : vector<16xi32>
      %swap3A_498 = arith.constant 0 : index
      %swap3A_499 = tpu.vector_load %arg12[%swap3A_498] {strides = array<i32>} : memref<128xi32, #tpu.memory_space<vmem>>, vector<16xi32>,
      %swap3A_500 = vector.shape_cast %swap3A_499 : vector<16xi32> to vector<16xi32>
      %swap3A_501 = vector.shape_cast %and3A_497 : vector<16xi32> to vector<16xi32>
      tpu.vector_store %arg12[%swap3A_498], %swap3A_501 {strides = array<i32>} : memref<128xi32, #tpu.memory_space<vmem>>, vector<16xi32>,
      %shift_right_arithmetic3A_502 = arith.constant 16 : i32
      %shift_right_arithmetic3A_503 = vector.broadcast %shift_right_arithmetic3A_502 : i32 to vector<16xi32>
      %shift_right_arithmetic3A_504 = arith.shrsi %get3A_494, %shift_right_arithmetic3A_503 : vector<16xi32>
      %swap3A_505 = arith.constant 0 : index
      %swap3A_506 = tpu.vector_load %arg13[%swap3A_505] {strides = array<i32>} : memref<128xi32, #tpu.memory_space<vmem>>, vector<16xi32>,
      %swap3A_507 = vector.shape_cast %swap3A_506 : vector<16xi32> to vector<16xi32>
      %swap3A_508 = vector.shape_cast %shift_right_arithmetic3A_504 : vector<16xi32> to vector<16xi32>
      tpu.vector_store %arg13[%swap3A_505], %swap3A_508 {strides = array<i32>} : memref<128xi32, #tpu.memory_space<vmem>>, vector<16xi32>,
      %get3A_509 = arith.index_cast %add3A_490 : i32 to index
      %get3A_510 = arith.constant 16 : index
      %get3A_511 = tpu.vector_load %arg9[%get3A_509, %get3A_510] {strides = array<i32>} : memref<80x128xi32, #tpu.memory_space<vmem>>, vector<1x16xi32>,
      %get3A_512 = vector.shape_cast %get3A_511 : vector<1x16xi32> to vector<16xi32>
      %and3A_513 = arith.constant 65535 : i32
      %and3A_514 = vector.broadcast %and3A_513 : i32 to vector<16xi32>
      %and3A_515 = arith.andi %get3A_512, %and3A_514 : vector<16xi32>
      %swap3A_516 = arith.constant 16 : index
      %swap3A_517 = tpu.vector_load %arg12[%swap3A_516] {strides = array<i32>} : memref<128xi32, #tpu.memory_space<vmem>>, vector<16xi32>,
      %swap3A_518 = vector.shape_cast %swap3A_517 : vector<16xi32> to vector<16xi32>
      %swap3A_519 = vector.shape_cast %and3A_515 : vector<16xi32> to vector<16xi32>
      tpu.vector_store %arg12[%swap3A_516], %swap3A_519 {strides = array<i32>} : memref<128xi32, #tpu.memory_space<vmem>>, vector<16xi32>,
      %shift_right_arithmetic3A_520 = arith.constant 16 : i32
      %shift_right_arithmetic3A_521 = vector.broadcast %shift_right_arithmetic3A_520 : i32 to vector<16xi32>
      %shift_right_arithmetic3A_522 = arith.shrsi %get3A_512, %shift_right_arithmetic3A_521 : vector<16xi32>
      %swap3A_523 = arith.constant 16 : index
      %swap3A_524 = tpu.vector_load %arg13[%swap3A_523] {strides = array<i32>} : memref<128xi32, #tpu.memory_space<vmem>>, vector<16xi32>,
      %swap3A_525 = vector.shape_cast %swap3A_524 : vector<16xi32> to vector<16xi32>
      %swap3A_526 = vector.shape_cast %shift_right_arithmetic3A_522 : vector<16xi32> to vector<16xi32>
      tpu.vector_store %arg13[%swap3A_523], %swap3A_526 {strides = array<i32>} : memref<128xi32, #tpu.memory_space<vmem>>, vector<16xi32>,
      %get3A_527 = arith.index_cast %add3A_490 : i32 to index
      %get3A_528 = arith.constant 32 : index
      %get3A_529 = tpu.vector_load %arg9[%get3A_527, %get3A_528] {strides = array<i32>} : memref<80x128xi32, #tpu.memory_space<vmem>>, vector<1x16xi32>,
      %get3A_530 = vector.shape_cast %get3A_529 : vector<1x16xi32> to vector<16xi32>
      %and3A_531 = arith.constant 65535 : i32
      %and3A_532 = vector.broadcast %and3A_531 : i32 to vector<16xi32>
      %and3A_533 = arith.andi %get3A_530, %and3A_532 : vector<16xi32>
      %swap3A_534 = arith.constant 32 : index
      %swap3A_535 = tpu.vector_load %arg12[%swap3A_534] {strides = array<i32>} : memref<128xi32, #tpu.memory_space<vmem>>, vector<16xi32>,
      %swap3A_536 = vector.shape_cast %swap3A_535 : vector<16xi32> to vector<16xi32>
      %swap3A_537 = vector.shape_cast %and3A_533 : vector<16xi32> to vector<16xi32>
      tpu.vector_store %arg12[%swap3A_534], %swap3A_537 {strides = array<i32>} : memref<128xi32, #tpu.memory_space<vmem>>, vector<16xi32>,
      %shift_right_arithmetic3A_538 = arith.constant 16 : i32
      %shift_right_arithmetic3A_539 = vector.broadcast %shift_right_arithmetic3A_538 : i32 to vector<16xi32>
      %shift_right_arithmetic3A_540 = arith.shrsi %get3A_530, %shift_right_arithmetic3A_539 : vector<16xi32>
      %swap3A_541 = arith.constant 32 : index
      %swap3A_542 = tpu.vector_load %arg13[%swap3A_541] {strides = array<i32>} : memref<128xi32, #tpu.memory_space<vmem>>, vector<16xi32>,
      %swap3A_543 = vector.shape_cast %swap3A_542 : vector<16xi32> to vector<16xi32>
      %swap3A_544 = vector.shape_cast %shift_right_arithmetic3A_540 : vector<16xi32> to vector<16xi32>
      tpu.vector_store %arg13[%swap3A_541], %swap3A_544 {strides = array<i32>} : memref<128xi32, #tpu.memory_space<vmem>>, vector<16xi32>,
      %get3A_545 = arith.index_cast %add3A_490 : i32 to index
      %get3A_546 = arith.constant 48 : index
      %get3A_547 = tpu.vector_load %arg9[%get3A_545, %get3A_546] {strides = array<i32>} : memref<80x128xi32, #tpu.memory_space<vmem>>, vector<1x16xi32>,
      %get3A_548 = vector.shape_cast %get3A_547 : vector<1x16xi32> to vector<16xi32>
      %and3A_549 = arith.constant 65535 : i32
      %and3A_550 = vector.broadcast %and3A_549 : i32 to vector<16xi32>
      %and3A_551 = arith.andi %get3A_548, %and3A_550 : vector<16xi32>
      %swap3A_552 = arith.constant 48 : index
      %swap3A_553 = tpu.vector_load %arg12[%swap3A_552] {strides = array<i32>} : memref<128xi32, #tpu.memory_space<vmem>>, vector<16xi32>,
      %swap3A_554 = vector.shape_cast %swap3A_553 : vector<16xi32> to vector<16xi32>
      %swap3A_555 = vector.shape_cast %and3A_551 : vector<16xi32> to vector<16xi32>
      tpu.vector_store %arg12[%swap3A_552], %swap3A_555 {strides = array<i32>} : memref<128xi32, #tpu.memory_space<vmem>>, vector<16xi32>,
      %shift_right_arithmetic3A_556 = arith.constant 16 : i32
      %shift_right_arithmetic3A_557 = vector.broadcast %shift_right_arithmetic3A_556 : i32 to vector<16xi32>
      %shift_right_arithmetic3A_558 = arith.shrsi %get3A_548, %shift_right_arithmetic3A_557 : vector<16xi32>
      %swap3A_559 = arith.constant 48 : index
      %swap3A_560 = tpu.vector_load %arg13[%swap3A_559] {strides = array<i32>} : memref<128xi32, #tpu.memory_space<vmem>>, vector<16xi32>,
      %swap3A_561 = vector.shape_cast %swap3A_560 : vector<16xi32> to vector<16xi32>
      %swap3A_562 = vector.shape_cast %shift_right_arithmetic3A_558 : vector<16xi32> to vector<16xi32>
      tpu.vector_store %arg13[%swap3A_559], %swap3A_562 {strides = array<i32>} : memref<128xi32, #tpu.memory_space<vmem>>, vector<16xi32>,
      %get3A_563 = arith.index_cast %add3A_490 : i32 to index
      %get3A_564 = arith.constant 64 : index
      %get3A_565 = tpu.vector_load %arg9[%get3A_563, %get3A_564] {strides = array<i32>} : memref<80x128xi32, #tpu.memory_space<vmem>>, vector<1x16xi32>,
      %get3A_566 = vector.shape_cast %get3A_565 : vector<1x16xi32> to vector<16xi32>
      %and3A_567 = arith.constant 65535 : i32
      %and3A_568 = vector.broadcast %and3A_567 : i32 to vector<16xi32>
      %and3A_569 = arith.andi %get3A_566, %and3A_568 : vector<16xi32>
      %swap3A_570 = arith.constant 64 : index
      %swap3A_571 = tpu.vector_load %arg12[%swap3A_570] {strides = array<i32>} : memref<128xi32, #tpu.memory_space<vmem>>, vector<16xi32>,
      %swap3A_572 = vector.shape_cast %swap3A_571 : vector<16xi32> to vector<16xi32>
      %swap3A_573 = vector.shape_cast %and3A_569 : vector<16xi32> to vector<16xi32>
      tpu.vector_store %arg12[%swap3A_570], %swap3A_573 {strides = array<i32>} : memref<128xi32, #tpu.memory_space<vmem>>, vector<16xi32>,
      %shift_right_arithmetic3A_574 = arith.constant 16 : i32
      %shift_right_arithmetic3A_575 = vector.broadcast %shift_right_arithmetic3A_574 : i32 to vector<16xi32>
      %shift_right_arithmetic3A_576 = arith.shrsi %get3A_566, %shift_right_arithmetic3A_575 : vector<16xi32>
      %swap3A_577 = arith.constant 64 : index
      %swap3A_578 = tpu.vector_load %arg13[%swap3A_577] {strides = array<i32>} : memref<128xi32, #tpu.memory_space<vmem>>, vector<16xi32>,
      %swap3A_579 = vector.shape_cast %swap3A_578 : vector<16xi32> to vector<16xi32>
      %swap3A_580 = vector.shape_cast %shift_right_arithmetic3A_576 : vector<16xi32> to vector<16xi32>
      tpu.vector_store %arg13[%swap3A_577], %swap3A_580 {strides = array<i32>} : memref<128xi32, #tpu.memory_space<vmem>>, vector<16xi32>,
      %get3A_581 = arith.index_cast %add3A_490 : i32 to index
      %get3A_582 = arith.constant 80 : index
      %get3A_583 = tpu.vector_load %arg9[%get3A_581, %get3A_582] {strides = array<i32>} : memref<80x128xi32, #tpu.memory_space<vmem>>, vector<1x16xi32>,
      %get3A_584 = vector.shape_cast %get3A_583 : vector<1x16xi32> to vector<16xi32>
      %and3A_585 = arith.constant 65535 : i32
      %and3A_586 = vector.broadcast %and3A_585 : i32 to vector<16xi32>
      %and3A_587 = arith.andi %get3A_584, %and3A_586 : vector<16xi32>
      %swap3A_588 = arith.constant 80 : index
      %swap3A_589 = tpu.vector_load %arg12[%swap3A_588] {strides = array<i32>} : memref<128xi32, #tpu.memory_space<vmem>>, vector<16xi32>,
      %swap3A_590 = vector.shape_cast %swap3A_589 : vector<16xi32> to vector<16xi32>
      %swap3A_591 = vector.shape_cast %and3A_587 : vector<16xi32> to vector<16xi32>
      tpu.vector_store %arg12[%swap3A_588], %swap3A_591 {strides = array<i32>} : memref<128xi32, #tpu.memory_space<vmem>>, vector<16xi32>,
      %shift_right_arithmetic3A_592 = arith.constant 16 : i32
      %shift_right_arithmetic3A_593 = vector.broadcast %shift_right_arithmetic3A_592 : i32 to vector<16xi32>
      %shift_right_arithmetic3A_594 = arith.shrsi %get3A_584, %shift_right_arithmetic3A_593 : vector<16xi32>
      %swap3A_595 = arith.constant 80 : index
      %swap3A_596 = tpu.vector_load %arg13[%swap3A_595] {strides = array<i32>} : memref<128xi32, #tpu.memory_space<vmem>>, vector<16xi32>,
      %swap3A_597 = vector.shape_cast %swap3A_596 : vector<16xi32> to vector<16xi32>
      %swap3A_598 = vector.shape_cast %shift_right_arithmetic3A_594 : vector<16xi32> to vector<16xi32>
      tpu.vector_store %arg13[%swap3A_595], %swap3A_598 {strides = array<i32>} : memref<128xi32, #tpu.memory_space<vmem>>, vector<16xi32>,
      %get3A_599 = arith.index_cast %add3A_490 : i32 to index
      %get3A_600 = arith.constant 96 : index
      %get3A_601 = tpu.vector_load %arg9[%get3A_599, %get3A_600] {strides = array<i32>} : memref<80x128xi32, #tpu.memory_space<vmem>>, vector<1x16xi32>,
      %get3A_602 = vector.shape_cast %get3A_601 : vector<1x16xi32> to vector<16xi32>
      %and3A_603 = arith.constant 65535 : i32
      %and3A_604 = vector.broadcast %and3A_603 : i32 to vector<16xi32>
      %and3A_605 = arith.andi %get3A_602, %and3A_604 : vector<16xi32>
      %swap3A_606 = arith.constant 96 : index
      %swap3A_607 = tpu.vector_load %arg12[%swap3A_606] {strides = array<i32>} : memref<128xi32, #tpu.memory_space<vmem>>, vector<16xi32>,
      %swap3A_608 = vector.shape_cast %swap3A_607 : vector<16xi32> to vector<16xi32>
      %swap3A_609 = vector.shape_cast %and3A_605 : vector<16xi32> to vector<16xi32>
      tpu.vector_store %arg12[%swap3A_606], %swap3A_609 {strides = array<i32>} : memref<128xi32, #tpu.memory_space<vmem>>, vector<16xi32>,
      %shift_right_arithmetic3A_610 = arith.constant 16 : i32
      %shift_right_arithmetic3A_611 = vector.broadcast %shift_right_arithmetic3A_610 : i32 to vector<16xi32>
      %shift_right_arithmetic3A_612 = arith.shrsi %get3A_602, %shift_right_arithmetic3A_611 : vector<16xi32>
      %swap3A_613 = arith.constant 96 : index
      %swap3A_614 = tpu.vector_load %arg13[%swap3A_613] {strides = array<i32>} : memref<128xi32, #tpu.memory_space<vmem>>, vector<16xi32>,
      %swap3A_615 = vector.shape_cast %swap3A_614 : vector<16xi32> to vector<16xi32>
      %swap3A_616 = vector.shape_cast %shift_right_arithmetic3A_612 : vector<16xi32> to vector<16xi32>
      tpu.vector_store %arg13[%swap3A_613], %swap3A_616 {strides = array<i32>} : memref<128xi32, #tpu.memory_space<vmem>>, vector<16xi32>,
      %get3A_617 = arith.index_cast %add3A_490 : i32 to index
      %get3A_618 = arith.constant 112 : index
      %get3A_619 = tpu.vector_load %arg9[%get3A_617, %get3A_618] {strides = array<i32>} : memref<80x128xi32, #tpu.memory_space<vmem>>, vector<1x16xi32>,
      %get3A_620 = vector.shape_cast %get3A_619 : vector<1x16xi32> to vector<16xi32>
      %and3A_621 = arith.constant 65535 : i32
      %and3A_622 = vector.broadcast %and3A_621 : i32 to vector<16xi32>
      %and3A_623 = arith.andi %get3A_620, %and3A_622 : vector<16xi32>
      %swap3A_624 = arith.constant 112 : index
      %swap3A_625 = tpu.vector_load %arg12[%swap3A_624] {strides = array<i32>} : memref<128xi32, #tpu.memory_space<vmem>>, vector<16xi32>,
      %swap3A_626 = vector.shape_cast %swap3A_625 : vector<16xi32> to vector<16xi32>
      %swap3A_627 = vector.shape_cast %and3A_623 : vector<16xi32> to vector<16xi32>
      tpu.vector_store %arg12[%swap3A_624], %swap3A_627 {strides = array<i32>} : memref<128xi32, #tpu.memory_space<vmem>>, vector<16xi32>,
      %shift_right_arithmetic3A_628 = arith.constant 16 : i32
      %shift_right_arithmetic3A_629 = vector.broadcast %shift_right_arithmetic3A_628 : i32 to vector<16xi32>
      %shift_right_arithmetic3A_630 = arith.shrsi %get3A_620, %shift_right_arithmetic3A_629 : vector<16xi32>
      %swap3A_631 = arith.constant 112 : index
      %swap3A_632 = tpu.vector_load %arg13[%swap3A_631] {strides = array<i32>} : memref<128xi32, #tpu.memory_space<vmem>>, vector<16xi32>,
      %swap3A_633 = vector.shape_cast %swap3A_632 : vector<16xi32> to vector<16xi32>
      %swap3A_634 = vector.shape_cast %shift_right_arithmetic3A_630 : vector<16xi32> to vector<16xi32>
      tpu.vector_store %arg13[%swap3A_631], %swap3A_634 {strides = array<i32>} : memref<128xi32, #tpu.memory_space<vmem>>, vector<16xi32>,
      %dma_start3A_635 = arith.constant 0 : i32
      %dma_start3A_636 = arith.constant 0 : i32
      %dma_start3A_637 = tpu.memref_slice %arg2[%dma_start3A_635, %dma_start3A_636] : memref<10000x128xf32, #tpu.memory_space<hbm>> -> memref<10000x128xf32, #tpu.memory_space<hbm>>
      tpu.enqueue_indirect_dma source(%dma_start3A_637 : memref<10000x128xf32, #tpu.memory_space<hbm>>) target(%arg15 : memref<128x128xf32, #tpu.memory_space<vmem>>) offsets(%arg12 : memref<128xi32, #tpu.memory_space<vmem>>) semaphore(%arg20 : memref<!tpu.dma_semaphore, #tpu.memory_space<semaphore_mem>>)
    }
    %scan3A_314 = arith.constant 39 : i32
    %dma_wait3A = arith.constant 0 : i32
    %dma_wait3A_315 = arith.constant 0 : i32
    %dma_wait3A_316 = tpu.memref_slice %arg2[%dma_wait3A, %dma_wait3A_315] : memref<10000x128xf32, #tpu.memory_space<hbm>> -> memref<10000x128xf32, #tpu.memory_space<hbm>>
    tpu.wait_indirect_dma semaphore(%arg19 : memref<!tpu.dma_semaphore, #tpu.memory_space<semaphore_mem>>) src(%dma_wait3A_316 : memref<10000x128xf32, #tpu.memory_space<hbm>>) dst(%arg14 : memref<128x128xf32, #tpu.memory_space<vmem>>)
    "tpu.region"() ({
      %run_scoped3A = tpu.sem_alloc : memref<!tpu.dma_semaphore, #tpu.memory_space<semaphore_mem>>
      %dma_start3A_329 = arith.constant 0 : i32
      %dma_start3A_330 = arith.constant 0 : i32
      %dma_start3A_331 = tpu.memref_slice %arg17[%dma_start3A_329, %dma_start3A_330] : memref<10240x128xf32, #tpu.memory_space<vmem_shared>> -> memref<10240x128xf32, #tpu.memory_space<vmem_shared>>
      tpu.enqueue_indirect_dma source(%arg14 : memref<128x128xf32, #tpu.memory_space<vmem>>) target(%dma_start3A_331 : memref<10240x128xf32, #tpu.memory_space<vmem_shared>>) offsets(%arg11 : memref<128xi32, #tpu.memory_space<vmem>>) semaphore(%run_scoped3A : memref<!tpu.dma_semaphore, #tpu.memory_space<semaphore_mem>>) {add = true}
      %dma_wait3A_332 = arith.constant 0 : i32
      %dma_wait3A_333 = arith.constant 0 : i32
      %dma_wait3A_334 = tpu.memref_slice %arg17[%dma_wait3A_332, %dma_wait3A_333] : memref<10240x128xf32, #tpu.memory_space<vmem_shared>> -> memref<10240x128xf32, #tpu.memory_space<vmem_shared>>
      tpu.wait_indirect_dma semaphore(%run_scoped3A : memref<!tpu.dma_semaphore, #tpu.memory_space<semaphore_mem>>) src(%arg14 : memref<128x128xf32, #tpu.memory_space<vmem>>) dst(%dma_wait3A_334 : memref<10240x128xf32, #tpu.memory_space<vmem_shared>>)
      tpu.yield
    }) : () -> ()
    "tpu.region"() ({
      %run_scoped3A = tpu.sem_alloc : memref<!tpu.dma_semaphore, #tpu.memory_space<semaphore_mem>>
      %dma_start3A_329 = arith.constant 0 : i32
      %dma_start3A_330 = tpu.memref_slice %arg18[%dma_start3A_329] : memref<10240xf32, #tpu.memory_space<vmem_shared>> -> memref<10240xf32, #tpu.memory_space<vmem_shared>>
      tpu.enqueue_indirect_dma source(%arg16 : memref<128xf32, #tpu.memory_space<vmem>>) target(%dma_start3A_330 : memref<10240xf32, #tpu.memory_space<vmem_shared>>) offsets(%arg11 : memref<128xi32, #tpu.memory_space<vmem>>) semaphore(%run_scoped3A : memref<!tpu.dma_semaphore, #tpu.memory_space<semaphore_mem>>) {add = true}
      %dma_wait3A_331 = arith.constant 0 : i32
      %dma_wait3A_332 = tpu.memref_slice %arg18[%dma_wait3A_331] : memref<10240xf32, #tpu.memory_space<vmem_shared>> -> memref<10240xf32, #tpu.memory_space<vmem_shared>>
      tpu.wait_indirect_dma semaphore(%run_scoped3A : memref<!tpu.dma_semaphore, #tpu.memory_space<semaphore_mem>>) src(%arg16 : memref<128xf32, #tpu.memory_space<vmem>>) dst(%dma_wait3A_332 : memref<10240xf32, #tpu.memory_space<vmem_shared>>)
      tpu.yield
    }) : () -> ()
    %dma_wait3A_317 = arith.constant 0 : i32
    %dma_wait3A_318 = arith.constant 0 : i32
    %dma_wait3A_319 = tpu.memref_slice %arg2[%dma_wait3A_317, %dma_wait3A_318] : memref<10000x128xf32, #tpu.memory_space<hbm>> -> memref<10000x128xf32, #tpu.memory_space<hbm>>
    tpu.wait_indirect_dma semaphore(%arg20 : memref<!tpu.dma_semaphore, #tpu.memory_space<semaphore_mem>>) src(%dma_wait3A_319 : memref<10000x128xf32, #tpu.memory_space<hbm>>) dst(%arg15 : memref<128x128xf32, #tpu.memory_space<vmem>>)
    "tpu.region"() ({
      %run_scoped3A = tpu.sem_alloc : memref<!tpu.dma_semaphore, #tpu.memory_space<semaphore_mem>>
      %dma_start3A_329 = arith.constant 0 : i32
      %dma_start3A_330 = arith.constant 0 : i32
      %dma_start3A_331 = tpu.memref_slice %arg17[%dma_start3A_329, %dma_start3A_330] : memref<10240x128xf32, #tpu.memory_space<vmem_shared>> -> memref<10240x128xf32, #tpu.memory_space<vmem_shared>>
      tpu.enqueue_indirect_dma source(%arg15 : memref<128x128xf32, #tpu.memory_space<vmem>>) target(%dma_start3A_331 : memref<10240x128xf32, #tpu.memory_space<vmem_shared>>) offsets(%arg13 : memref<128xi32, #tpu.memory_space<vmem>>) semaphore(%run_scoped3A : memref<!tpu.dma_semaphore, #tpu.memory_space<semaphore_mem>>) {add = true}
      %dma_wait3A_332 = arith.constant 0 : i32
      %dma_wait3A_333 = arith.constant 0 : i32
      %dma_wait3A_334 = tpu.memref_slice %arg17[%dma_wait3A_332, %dma_wait3A_333] : memref<10240x128xf32, #tpu.memory_space<vmem_shared>> -> memref<10240x128xf32, #tpu.memory_space<vmem_shared>>
      tpu.wait_indirect_dma semaphore(%run_scoped3A : memref<!tpu.dma_semaphore, #tpu.memory_space<semaphore_mem>>) src(%arg15 : memref<128x128xf32, #tpu.memory_space<vmem>>) dst(%dma_wait3A_334 : memref<10240x128xf32, #tpu.memory_space<vmem_shared>>)
      tpu.yield
    }) : () -> ()
    "tpu.region"() ({
      %run_scoped3A = tpu.sem_alloc : memref<!tpu.dma_semaphore, #tpu.memory_space<semaphore_mem>>
      %dma_start3A_329 = arith.constant 0 : i32
      %dma_start3A_330 = tpu.memref_slice %arg18[%dma_start3A_329] : memref<10240xf32, #tpu.memory_space<vmem_shared>> -> memref<10240xf32, #tpu.memory_space<vmem_shared>>
      tpu.enqueue_indirect_dma source(%arg16 : memref<128xf32, #tpu.memory_space<vmem>>) target(%dma_start3A_330 : memref<10240xf32, #tpu.memory_space<vmem_shared>>) offsets(%arg13 : memref<128xi32, #tpu.memory_space<vmem>>) semaphore(%run_scoped3A : memref<!tpu.dma_semaphore, #tpu.memory_space<semaphore_mem>>) {add = true}
      %dma_wait3A_331 = arith.constant 0 : i32
      %dma_wait3A_332 = tpu.memref_slice %arg18[%dma_wait3A_331] : memref<10240xf32, #tpu.memory_space<vmem_shared>> -> memref<10240xf32, #tpu.memory_space<vmem_shared>>
      tpu.wait_indirect_dma semaphore(%run_scoped3A : memref<!tpu.dma_semaphore, #tpu.memory_space<semaphore_mem>>) src(%arg16 : memref<128xf32, #tpu.memory_space<vmem>>) dst(%dma_wait3A_332 : memref<10240xf32, #tpu.memory_space<vmem_shared>>)
      tpu.yield
    }) : () -> ()
    %barrier3A_320 = arith.constant 0 : index
    tpu.barrier barrier_id(%barrier3A_320)
    %mul3A_321 = arith.constant 640 : i32
    %mul3A_322 = arith.muli %arg1, %mul3A_321 : i32
    %mul3A_323 = arith.constant 640 : i32
    %mul3A_324 = arith.muli %arg1, %mul3A_323 : i32
    "tpu.region"() ({
      %run_scoped3A = tpu.sem_alloc : memref<!tpu.dma_semaphore, #tpu.memory_space<semaphore_mem>>
      %dma_start3A_329 = arith.constant 0 : i32
      %dma_start3A_330 = tpu.memref_slice %arg7[%arg0, %mul3A_324, %dma_start3A_329] : memref<2x10240x128xf32, #tpu.memory_space<hbm>> -> memref<1x640x128xf32, #tpu.memory_space<hbm>>
      %dma_start3A_331 = tpu.memref_squeeze %dma_start3A_330 : memref<1x640x128xf32, #tpu.memory_space<hbm>> -> memref<640x128xf32, #tpu.memory_space<hbm>>
      %dma_start3A_332 = arith.constant 0 : i32
      %dma_start3A_333 = tpu.memref_slice %arg17[%mul3A_322, %dma_start3A_332] : memref<10240x128xf32, #tpu.memory_space<vmem_shared>> -> memref<640x128xf32, #tpu.memory_space<vmem_shared>>
      tpu.enqueue_dma source(%dma_start3A_333 : memref<640x128xf32, #tpu.memory_space<vmem_shared>>) target(%dma_start3A_331 : memref<640x128xf32, #tpu.memory_space<hbm>>) target_semaphore(%run_scoped3A : memref<!tpu.dma_semaphore, #tpu.memory_space<semaphore_mem>>)
      %dma_wait3A_334 = arith.constant 0 : i32
      %dma_wait3A_335 = tpu.memref_slice %arg7[%arg0, %mul3A_324, %dma_wait3A_334] : memref<2x10240x128xf32, #tpu.memory_space<hbm>> -> memref<1x640x128xf32, #tpu.memory_space<hbm>>
      %dma_wait3A_336 = tpu.memref_squeeze %dma_wait3A_335 : memref<1x640x128xf32, #tpu.memory_space<hbm>> -> memref<640x128xf32, #tpu.memory_space<hbm>>
      %dma_wait3A_337 = arith.constant 0 : i32
      %dma_wait3A_338 = tpu.memref_slice %arg17[%mul3A_322, %dma_wait3A_337] : memref<10240x128xf32, #tpu.memory_space<vmem_shared>> -> memref<640x128xf32, #tpu.memory_space<vmem_shared>>
      tpu.wait_dma2 semaphore(%run_scoped3A : memref<!tpu.dma_semaphore, #tpu.memory_space<semaphore_mem>>) src(%dma_wait3A_338 : memref<640x128xf32, #tpu.memory_space<vmem_shared>>) dst(%dma_wait3A_336 : memref<640x128xf32, #tpu.memory_space<hbm>>)
      tpu.yield
    }) : () -> ()
    %mul3A_325 = arith.constant 640 : i32
    %mul3A_326 = arith.muli %arg1, %mul3A_325 : i32
    %mul3A_327 = arith.constant 640 : i32
    %mul3A_328 = arith.muli %arg1, %mul3A_327 : i32
    "tpu.region"() ({
      %run_scoped3A = tpu.sem_alloc : memref<!tpu.dma_semaphore, #tpu.memory_space<semaphore_mem>>
      %dma_start3A_329 = tpu.memref_slice %arg8[%arg0, %mul3A_328] : memref<2x10240xf32, #tpu.memory_space<hbm>> -> memref<1x640xf32, #tpu.memory_space<hbm>>
      %dma_start3A_330 = tpu.memref_squeeze %dma_start3A_329 : memref<1x640xf32, #tpu.memory_space<hbm>> -> memref<640xf32, #tpu.memory_space<hbm>>
      %dma_start3A_331 = tpu.memref_slice %arg18[%mul3A_326] : memref<10240xf32, #tpu.memory_space<vmem_shared>> -> memref<640xf32, #tpu.memory_space<vmem_shared>>
      tpu.enqueue_dma source(%dma_start3A_331 : memref<640xf32, #tpu.memory_space<vmem_shared>>) target(%dma_start3A_330 : memref<640xf32, #tpu.memory_space<hbm>>) target_semaphore(%run_scoped3A : memref<!tpu.dma_semaphore, #tpu.memory_space<semaphore_mem>>)
      %dma_wait3A_332 = tpu.memref_slice %arg8[%arg0, %mul3A_328] : memref<2x10240xf32, #tpu.memory_space<hbm>> -> memref<1x640xf32, #tpu.memory_space<hbm>>
      %dma_wait3A_333 = tpu.memref_squeeze %dma_wait3A_332 : memref<1x640xf32, #tpu.memory_space<hbm>> -> memref<640xf32, #tpu.memory_space<hbm>>
      %dma_wait3A_334 = tpu.memref_slice %arg18[%mul3A_326] : memref<10240xf32, #tpu.memory_space<vmem_shared>> -> memref<640xf32, #tpu.memory_space<vmem_shared>>
      tpu.wait_dma2 semaphore(%run_scoped3A : memref<!tpu.dma_semaphore, #tpu.memory_space<semaphore_mem>>) src(%dma_wait3A_334 : memref<640xf32, #tpu.memory_space<vmem_shared>>) dst(%dma_wait3A_333 : memref<640xf32, #tpu.memory_space<hbm>>)
      tpu.yield
    }) : () -> ()
    return
  }
}

module attributes {stable_mosaic.version = 14 : i64} {
  func.func @_pack_body(%arg0: i32, %arg1: memref<2x320000xi32, #tpu.memory_space<vmem>>, %arg2: memref<2500x128xi32, #tpu.memory_space<vmem>>) attributes {dimension_semantics = [#tpu.dimension_semantics<arbitrary>], iteration_bounds = array<i64: 1>, scalar_prefetch = 0 : i64, scratch_operands = 0 : i64, tpu.core_type = #tpu.core_type<tc>, window_params = [{pipeline_mode = #tpu.pipeline_mode<synchronous>, transform_indices = @transform_0, window_bounds = array<i64: 2, 320000>}, {pipeline_mode = #tpu.pipeline_mode<synchronous>, transform_indices = @transform_1, window_bounds = array<i64: 2500, 128>}]} {
    %get3A = arith.constant 0 : index
    %get3A_0 = arith.constant 0 : index
    %get3A_1 = vector.load %arg1[%get3A, %get3A_0] : memref<2x320000xi32, #tpu.memory_space<vmem>>, vector<1x320000xi32>
    %get3A_2 = arith.constant 1 : index
    %get3A_3 = arith.constant 0 : index
    %get3A_4 = vector.load %arg1[%get3A_2, %get3A_3] : memref<2x320000xi32, #tpu.memory_space<vmem>>, vector<1x320000xi32>
    %shift_left3A = arith.constant 16 : i32
    %shift_left3A_5 = vector.broadcast %shift_left3A : i32 to vector<1x320000xi32>
    %shift_left3A_6 = arith.shli %get3A_4, %shift_left3A_5 : vector<1x320000xi32>
    %or3A = arith.ori %get3A_1, %shift_left3A_6 : vector<1x320000xi32>
    %reshape3A = vector.shape_cast %or3A : vector<1x320000xi32> to vector<2500x128xi32>
    %swap3A = arith.constant 0 : index
    %swap3A_7 = arith.constant 0 : index
    %swap3A_8 = vector.load %arg2[%swap3A, %swap3A_7] : memref<2500x128xi32, #tpu.memory_space<vmem>>, vector<2500x128xi32>
    tpu.vector_store %arg2[%swap3A, %swap3A_7], %reshape3A {strides = array<i32>} : memref<2500x128xi32, #tpu.memory_space<vmem>>, vector<2500x128xi32>,
    return
  }
  func.func @transform_0(%arg0: i32) -> (i32, i32) {
    %c0_i32 = arith.constant 0 : i32
    %c0_i32_0 = arith.constant 0 : i32
    %c0_i32_1 = arith.constant 0 : i32
    return %c0_i32, %c0_i32_0 : i32, i32
  }
  func.func @transform_1(%arg0: i32) -> (i32, i32) {
    %c0_i32 = arith.constant 0 : i32
    %c0_i32_0 = arith.constant 0 : i32
    %c0_i32_1 = arith.constant 0 : i32
    return %c0_i32, %c0_i32_0 : i32, i32
  }
}

module attributes {stable_mosaic.version = 14 : i64} {
  func.func @_tc_lin_body(%arg0: i32, %arg1: memref<1000x128xf32, #tpu.memory_space<vmem>>, %arg2: memref<128x128xf32, #tpu.memory_space<vmem>>, %arg3: memref<1x128xf32, #tpu.memory_space<vmem>>, %arg4: memref<1000x128xf32, #tpu.memory_space<vmem>>) attributes {dimension_semantics = [#tpu.dimension_semantics<arbitrary>], iteration_bounds = array<i64: 10>, scalar_prefetch = 0 : i64, scratch_operands = 0 : i64, tpu.core_type = #tpu.core_type<tc>, window_params = [{transform_indices = @transform_0, window_bounds = array<i64: 1000, 128>}, {pipeline_mode = #tpu.pipeline_mode<synchronous>, transform_indices = @transform_1, window_bounds = array<i64: 128, 128>}, {pipeline_mode = #tpu.pipeline_mode<synchronous>, transform_indices = @transform_2, window_bounds = array<i64: 1, 128>}, {transform_indices = @transform_3, window_bounds = array<i64: 1000, 128>}]} {
    %get3A = arith.constant 0 : index
    %get3A_0 = arith.constant 0 : index
    %get3A_1 = vector.load %arg1[%get3A, %get3A_0] : memref<1000x128xf32, #tpu.memory_space<vmem>>, vector<1000x128xf32>
    %get3A_2 = arith.constant 0 : index
    %get3A_3 = arith.constant 0 : index
    %get3A_4 = vector.load %arg2[%get3A_2, %get3A_3] : memref<128x128xf32, #tpu.memory_space<vmem>>, vector<128x128xf32>
    %dot_general3A = arith.constant dense<0.000000e+00> : vector<1000x128xf32>
    %dot_general3A_5 = tpu.matmul %get3A_1, %get3A_4, %dot_general3A {dimension_numbers = #tpu.dot_dimension_numbers<[1], [0], [0], [1], [0, 0, 1, 1], [], []>, transpose_lhs_hint = false} : vector<1000x128xf32>, vector<128x128xf32>, vector<1000x128xf32> -> vector<1000x128xf32>
    %get3A_6 = arith.constant 0 : index
    %get3A_7 = arith.constant 0 : index
    %get3A_8 = vector.load %arg3[%get3A_6, %get3A_7] : memref<1x128xf32, #tpu.memory_space<vmem>>, vector<1x128xf32>
    %add3A = vector.broadcast %get3A_8 : vector<1x128xf32> to vector<1000x128xf32>
    %add3A_9 = arith.addf %dot_general3A_5, %add3A : vector<1000x128xf32>
    %swap3A = arith.constant 0 : index
    %swap3A_10 = arith.constant 0 : index
    %swap3A_11 = vector.load %arg4[%swap3A, %swap3A_10] : memref<1000x128xf32, #tpu.memory_space<vmem>>, vector<1000x128xf32>
    tpu.vector_store %arg4[%swap3A, %swap3A_10], %add3A_9 {strides = array<i32>} : memref<1000x128xf32, #tpu.memory_space<vmem>>, vector<1000x128xf32>,
    return
  }
  func.func @transform_0(%arg0: i32) -> (i32, i32) {
    %c0_i32 = arith.constant 0 : i32
    %c0_i32_0 = arith.constant 0 : i32
    return %arg0, %c0_i32 : i32, i32
  }
  func.func @transform_1(%arg0: i32) -> (i32, i32) {
    %c0_i32 = arith.constant 0 : i32
    %c0_i32_0 = arith.constant 0 : i32
    %c0_i32_1 = arith.constant 0 : i32
    return %c0_i32, %c0_i32_0 : i32, i32
  }
  func.func @transform_2(%arg0: i32) -> (i32, i32) {
    %c0_i32 = arith.constant 0 : i32
    %c0_i32_0 = arith.constant 0 : i32
    %c0_i32_1 = arith.constant 0 : i32
    return %c0_i32, %c0_i32_0 : i32, i32
  }
  func.func @transform_3(%arg0: i32) -> (i32, i32) {
    %c0_i32 = arith.constant 0 : i32
    %c0_i32_0 = arith.constant 0 : i32
    return %arg0, %c0_i32 : i32, i32
  }
}

module attributes {stable_mosaic.version = 14 : i64} {
  func.func @_tc_comb1_body(%arg0: i32, %arg1: memref<1000x128xf32, #tpu.memory_space<vmem>>, %arg2: memref<1x1000x128xf32, #tpu.memory_space<vmem>>, %arg3: memref<1x1000x128xf32, #tpu.memory_space<vmem>>, %arg4: memref<1000x1xf32, #tpu.memory_space<vmem>>, %arg5: memref<128x128xf32, #tpu.memory_space<vmem>>, %arg6: memref<1000x128xf32, #tpu.memory_space<vmem>>) attributes {dimension_semantics = [#tpu.dimension_semantics<arbitrary>], iteration_bounds = array<i64: 10>, scalar_prefetch = 0 : i64, scratch_operands = 0 : i64, tpu.core_type = #tpu.core_type<tc>, window_params = [{transform_indices = @transform_0, window_bounds = array<i64: 1000, 128>}, {transform_indices = @transform_1, window_bounds = array<i64: 1, 1000, 128>}, {transform_indices = @transform_2, window_bounds = array<i64: 1, 1000, 128>}, {transform_indices = @transform_3, window_bounds = array<i64: 1000, 1>}, {pipeline_mode = #tpu.pipeline_mode<synchronous>, transform_indices = @transform_4, window_bounds = array<i64: 128, 128>}, {transform_indices = @transform_5, window_bounds = array<i64: 1000, 128>}]} {
    %get3A = arith.constant 0 : index
    %get3A_0 = arith.constant 0 : index
    %get3A_1 = arith.constant 0 : index
    %get3A_2 = vector.load %arg2[%get3A, %get3A_0, %get3A_1] : memref<1x1000x128xf32, #tpu.memory_space<vmem>>, vector<1x1000x128xf32>
    %get3A_3 = vector.shape_cast %get3A_2 : vector<1x1000x128xf32> to vector<1000x128xf32>
    %get3A_4 = arith.constant 0 : index
    %get3A_5 = arith.constant 0 : index
    %get3A_6 = arith.constant 0 : index
    %get3A_7 = vector.load %arg3[%get3A_4, %get3A_5, %get3A_6] : memref<1x1000x128xf32, #tpu.memory_space<vmem>>, vector<1x1000x128xf32>
    %get3A_8 = vector.shape_cast %get3A_7 : vector<1x1000x128xf32> to vector<1000x128xf32>
    %add3A = arith.addf %get3A_3, %get3A_8 : vector<1000x128xf32>
    %get3A_9 = arith.constant 0 : index
    %get3A_10 = arith.constant 0 : index
    %get3A_11 = vector.load %arg4[%get3A_9, %get3A_10] : memref<1000x1xf32, #tpu.memory_space<vmem>>, vector<1000x1xf32>
    %div3A = vector.broadcast %get3A_11 : vector<1000x1xf32> to vector<1000x128xf32>
    %div3A_12 = arith.divf %add3A, %div3A : vector<1000x128xf32>
    %get3A_13 = arith.constant 0 : index
    %get3A_14 = arith.constant 0 : index
    %get3A_15 = vector.load %arg1[%get3A_13, %get3A_14] : memref<1000x128xf32, #tpu.memory_space<vmem>>, vector<1000x128xf32>
    %get3A_16 = arith.constant 0 : index
    %get3A_17 = arith.constant 0 : index
    %get3A_18 = vector.load %arg5[%get3A_16, %get3A_17] : memref<128x128xf32, #tpu.memory_space<vmem>>, vector<128x128xf32>
    %dot_general3A = arith.constant dense<0.000000e+00> : vector<1000x128xf32>
    %dot_general3A_19 = tpu.matmul %div3A_12, %get3A_18, %dot_general3A {dimension_numbers = #tpu.dot_dimension_numbers<[1], [0], [0], [1], [0, 0, 1, 1], [], []>, transpose_lhs_hint = false} : vector<1000x128xf32>, vector<128x128xf32>, vector<1000x128xf32> -> vector<1000x128xf32>
    %add3A_20 = arith.addf %get3A_15, %dot_general3A_19 : vector<1000x128xf32>
    %max3A = arith.constant 0.000000e+00 : f32
    %max3A_21 = vector.broadcast %max3A : f32 to vector<1000x128xf32>
    %max3A_22 = arith.maximumf %add3A_20, %max3A_21 : vector<1000x128xf32>
    %swap3A = arith.constant 0 : index
    %swap3A_23 = arith.constant 0 : index
    %swap3A_24 = vector.load %arg6[%swap3A, %swap3A_23] : memref<1000x128xf32, #tpu.memory_space<vmem>>, vector<1000x128xf32>
    tpu.vector_store %arg6[%swap3A, %swap3A_23], %max3A_22 {strides = array<i32>} : memref<1000x128xf32, #tpu.memory_space<vmem>>, vector<1000x128xf32>,
    return
  }
  func.func @transform_0(%arg0: i32) -> (i32, i32) {
    %c0_i32 = arith.constant 0 : i32
    %c0_i32_0 = arith.constant 0 : i32
    return %arg0, %c0_i32 : i32, i32
  }
  func.func @transform_1(%arg0: i32) -> (i32, i32, i32) {
    %c0_i32 = arith.constant 0 : i32
    %c0_i32_0 = arith.constant 0 : i32
    %c0_i32_1 = arith.constant 0 : i32
    return %c0_i32, %arg0, %c0_i32_0 : i32, i32, i32
  }
  func.func @transform_2(%arg0: i32) -> (i32, i32, i32) {
    %c1_i32 = arith.constant 1 : i32
    %c0_i32 = arith.constant 0 : i32
    %c0_i32_0 = arith.constant 0 : i32
    return %c1_i32, %arg0, %c0_i32 : i32, i32, i32
  }
  func.func @transform_3(%arg0: i32) -> (i32, i32) {
    %c0_i32 = arith.constant 0 : i32
    %c0_i32_0 = arith.constant 0 : i32
    return %arg0, %c0_i32 : i32, i32
  }
  func.func @transform_4(%arg0: i32) -> (i32, i32) {
    %c0_i32 = arith.constant 0 : i32
    %c0_i32_0 = arith.constant 0 : i32
    %c0_i32_1 = arith.constant 0 : i32
    return %c0_i32, %c0_i32_0 : i32, i32
  }
  func.func @transform_5(%arg0: i32) -> (i32, i32) {
    %c0_i32 = arith.constant 0 : i32
    %c0_i32_0 = arith.constant 0 : i32
    return %arg0, %c0_i32 : i32, i32
  }
}

module attributes {stable_mosaic.version = 14 : i64} {
  func.func @_tc_comb2_body(%arg0: i32, %arg1: memref<1000x128xf32, #tpu.memory_space<vmem>>, %arg2: memref<1x1000x128xf32, #tpu.memory_space<vmem>>, %arg3: memref<1x1000x128xf32, #tpu.memory_space<vmem>>, %arg4: memref<1000x1xf32, #tpu.memory_space<vmem>>, %arg5: memref<128x128xf32, #tpu.memory_space<vmem>>, %arg6: memref<1000x128xf32, #tpu.memory_space<vmem>>) attributes {dimension_semantics = [#tpu.dimension_semantics<arbitrary>], iteration_bounds = array<i64: 10>, scalar_prefetch = 0 : i64, scratch_operands = 0 : i64, tpu.core_type = #tpu.core_type<tc>, window_params = [{transform_indices = @transform_0, window_bounds = array<i64: 1000, 128>}, {transform_indices = @transform_1, window_bounds = array<i64: 1, 1000, 128>}, {transform_indices = @transform_2, window_bounds = array<i64: 1, 1000, 128>}, {transform_indices = @transform_3, window_bounds = array<i64: 1000, 1>}, {pipeline_mode = #tpu.pipeline_mode<synchronous>, transform_indices = @transform_4, window_bounds = array<i64: 128, 128>}, {transform_indices = @transform_5, window_bounds = array<i64: 1000, 128>}]} {
    %get3A = arith.constant 0 : index
    %get3A_0 = arith.constant 0 : index
    %get3A_1 = arith.constant 0 : index
    %get3A_2 = vector.load %arg2[%get3A, %get3A_0, %get3A_1] : memref<1x1000x128xf32, #tpu.memory_space<vmem>>, vector<1x1000x128xf32>
    %get3A_3 = vector.shape_cast %get3A_2 : vector<1x1000x128xf32> to vector<1000x128xf32>
    %get3A_4 = arith.constant 0 : index
    %get3A_5 = arith.constant 0 : index
    %get3A_6 = arith.constant 0 : index
    %get3A_7 = vector.load %arg3[%get3A_4, %get3A_5, %get3A_6] : memref<1x1000x128xf32, #tpu.memory_space<vmem>>, vector<1x1000x128xf32>
    %get3A_8 = vector.shape_cast %get3A_7 : vector<1x1000x128xf32> to vector<1000x128xf32>
    %add3A = arith.addf %get3A_3, %get3A_8 : vector<1000x128xf32>
    %get3A_9 = arith.constant 0 : index
    %get3A_10 = arith.constant 0 : index
    %get3A_11 = vector.load %arg4[%get3A_9, %get3A_10] : memref<1000x1xf32, #tpu.memory_space<vmem>>, vector<1000x1xf32>
    %div3A = vector.broadcast %get3A_11 : vector<1000x1xf32> to vector<1000x128xf32>
    %div3A_12 = arith.divf %add3A, %div3A : vector<1000x128xf32>
    %get3A_13 = arith.constant 0 : index
    %get3A_14 = arith.constant 0 : index
    %get3A_15 = vector.load %arg1[%get3A_13, %get3A_14] : memref<1000x128xf32, #tpu.memory_space<vmem>>, vector<1000x128xf32>
    %get3A_16 = arith.constant 0 : index
    %get3A_17 = arith.constant 0 : index
    %get3A_18 = vector.load %arg5[%get3A_16, %get3A_17] : memref<128x128xf32, #tpu.memory_space<vmem>>, vector<128x128xf32>
    %dot_general3A = arith.constant dense<0.000000e+00> : vector<1000x128xf32>
    %dot_general3A_19 = tpu.matmul %div3A_12, %get3A_18, %dot_general3A {dimension_numbers = #tpu.dot_dimension_numbers<[1], [0], [0], [1], [0, 0, 1, 1], [], []>, transpose_lhs_hint = false} : vector<1000x128xf32>, vector<128x128xf32>, vector<1000x128xf32> -> vector<1000x128xf32>
    %add3A_20 = arith.addf %get3A_15, %dot_general3A_19 : vector<1000x128xf32>
    %swap3A = arith.constant 0 : index
    %swap3A_21 = arith.constant 0 : index
    %swap3A_22 = vector.load %arg6[%swap3A, %swap3A_21] : memref<1000x128xf32, #tpu.memory_space<vmem>>, vector<1000x128xf32>
    tpu.vector_store %arg6[%swap3A, %swap3A_21], %add3A_20 {strides = array<i32>} : memref<1000x128xf32, #tpu.memory_space<vmem>>, vector<1000x128xf32>,
    return
  }
  func.func @transform_0(%arg0: i32) -> (i32, i32) {
    %c0_i32 = arith.constant 0 : i32
    %c0_i32_0 = arith.constant 0 : i32
    return %arg0, %c0_i32 : i32, i32
  }
  func.func @transform_1(%arg0: i32) -> (i32, i32, i32) {
    %c0_i32 = arith.constant 0 : i32
    %c0_i32_0 = arith.constant 0 : i32
    %c0_i32_1 = arith.constant 0 : i32
    return %c0_i32, %arg0, %c0_i32_0 : i32, i32, i32
  }
  func.func @transform_2(%arg0: i32) -> (i32, i32, i32) {
    %c1_i32 = arith.constant 1 : i32
    %c0_i32 = arith.constant 0 : i32
    %c0_i32_0 = arith.constant 0 : i32
    return %c1_i32, %arg0, %c0_i32 : i32, i32, i32
  }
  func.func @transform_3(%arg0: i32) -> (i32, i32) {
    %c0_i32 = arith.constant 0 : i32
    %c0_i32_0 = arith.constant 0 : i32
    return %arg0, %c0_i32 : i32, i32
  }
  func.func @transform_4(%arg0: i32) -> (i32, i32) {
    %c0_i32 = arith.constant 0 : i32
    %c0_i32_0 = arith.constant 0 : i32
    %c0_i32_1 = arith.constant 0 : i32
    return %c0_i32, %c0_i32_0 : i32, i32
  }
  func.func @transform_5(%arg0: i32) -> (i32, i32) {
    %c0_i32 = arith.constant 0 : i32
    %c0_i32_0 = arith.constant 0 : i32
    return %arg0, %c0_i32 : i32, i32
  }
}

</mosaic_0001>

<sc_bundles>
// kernel: sc_agg.3.cloned.1.call-start
scs
__scs_entry_jumppad:
0x0: {  	(pc) =	sbr.rel $0x88, $3  }
0x1: {  	(tag) =	ssettag $0x0;
	lr =	simm.s32 $0x1  }
0x2: {  	[smem:$0x3F97] =	sst lr;
	_ =	strace $0xD0000000  }
0x3: {  	_ = 	snop  }
0x4: {  	_ = 	snop  }
0x5: {  	_ = 	snop  }
0x6: {  	_ = 	snop  }
0x7: {  	_ = 	snop  }
__scs_overlays_trampoline_lowered:
0x8: {  	[smem:$0x3FA6] =	sst s0  }
0x9: {  	[smem:$0x3FA7] =	sst s1  }
0xa: {  	[smem:$0x3FA8] =	sst s2  }
0xb: {  	[smem:$0x3FA9] =	sst s3  }
0xc: {  	[smem:$0x3FAA] =	sst s4  }
0xd: {  	[smem:$0x3FAB] =	sst s5  }
0xe: {  	[smem:$0x3FAC] =	sst s6  }
0xf: {  	[smem:$0x3FAD] =	sst s7  }
0x10: {  	[smem:$0x3FAE] =	sst s8  }
0x11: {  	[smem:$0x3FAF] =	sst s9;
	s0 =	simm.s32 @!p0 $0x0  }
0x12: {  	s1 =	sld [smem:$0x3F95];
	s0 =	simm.s32 @p0 $0x1  }
0x13: {  	[smem:$0x3FB0] =	sst s0;
	s0 =	simm.s32 @!p1 $0x0  }
0x14: {  	s2 =	sld [smem:$0x3F94];
	s0 =	simm.s32 @p1 $0x1  }
0x15: {  	[smem:$0x3FB1] =	sst s0;
	s0 =	simm.s32 @!p2 $0x0  }
0x16: {  	s3 =	sld [smem:$0x3FDB];
	s0 =	simm.s32 @p2 $0x1  }
0x17: {  	s4 =	simm.s32 $0x1BF5;
	[smem:$0x3FB3] =	sst s0  }
0x18: {  	s0 =	sld [smem:$0x3F96];
	_ =	swait.ge [sflag:s4], $0x0  }
0x19: {  	s7 =	sld [smem:$0x3F97]  }
0x1a: {  	s8 =	sadd.s32 $0xFFFFE003, lr  }
0x1b: {  	s9 =	sadd.s32 $0xFFFFFEF7, lr;
	s5 =	simm.s32 $0xFFFFFFFF;
	p2 =	slt.u32 s8, $0xFFFFF086  }
0x1c: {  	p1 =	slt.u32 s9, $0xF7A;
	s5 =	simm.s32 @!p2 $0x0  }
0x1d: {  	s5 =	simm.s32 @p1 $0x1;
	p0 =	seq.s32 s7, s2  }
0x1e: {  	s7 =	smul.u32 @!p0 $0xF7A, s2;
	p2 =	seq.s32 @!p0 s5, $0x0  }
0x1f: {  	s9 =	smul.u32 $0xF7A, s1;
	s8 =	simm.s32 @!p0 $0x1BF5;
	p2 =	por !p2, p0  }
0x20: {  	[sflag:s8] =	ssyncset.s32 @!p0 $0xFFFFF086;
	s6 =	sadd.s32 @!p0 s3, s7;
	s7 =	simm.s32 @!p0 $0x108  }
0x21: {  	s3 =	sadd.s32 s3, s9;
	s6 =	sadd.s32 @!p0 $0x88, s6;
	s7 =	simm.s32 @p2 $0x1082  }
0x22: {  	[simem:s7], [sflag:s8] =	dma.local @!p0 [hbm:s6], $0xF7A  }
0x23: {  	s9 =	sor.u32 $0xD0000000, s2;
	s6 =	simm.s32 $0x108;
	_ =	swait.ge @!p0 [sflag:s8], $0x0  }
0x24: {  	s3 =	sadd.s32 $0x88, s3;
	s6 =	simm.s32 @!p1 $0x1082;
	[sflag:s4] =	ssyncset.s32 $0xFFFFF086  }
0x25: {  	[simem:s6], [sflag:s4] =	dma.local [hbm:s3], $0xF7A  }
0x26: {  	[smem:$0x3F97] =	sst s1;
	(tag) =	ssettag s2;
	_ =	strace s9  }
0x27: {  	s1 =	sld [smem:$0x3FA7]  }
0x28: {  	s2 =	sld [smem:$0x3FA8]  }
0x29: {  	s4 =	sld [smem:$0x3FAA]  }
0x2a: {  	p0 =	seq.s32 s5, $0x0;
	s5 =	sld [smem:$0x3FAB]  }
0x2b: {  	s6 =	sld [smem:$0x3FAC]  }
0x2c: {  	s7 =	sld [smem:$0x3FAD]  }
0x2d: {  	s3 =	simm.s32 $0x108;
	s8 =	sld [smem:$0x3FAE]  }
0x2e: {  	s3 =	simm.s32 @!p0 $0x1082;
	s9 =	sld [smem:$0x3FAF]  }
0x2f: {  	lr =	sadd.s32 s0, s3;
	s0 =	sld [smem:$0x3FA6]  }
0x30: {  	s3 =	sld [smem:$0x3FA9]  }
0x31: {  	[smem:$0x3FB2] =	sst s10  }
0x32: {  	s10 =	sld [smem:$0x3FB0];
	_ =	sdelay $0x3  }
0x33: {  	p0 =	seq.s32 s10, $0x1;
	s10 =	sld [smem:$0x3FB2];
	_ =	sdelay $0x3  }
0x34: {  	[smem:$0x3FB2] =	sst s10  }
0x35: {  	s10 =	sld [smem:$0x3FB1];
	_ =	sdelay $0x3  }
0x36: {  	p1 =	seq.s32 s10, $0x1;
	s10 =	sld [smem:$0x3FB2];
	_ =	sdelay $0x3  }
0x37: {  	[smem:$0x3FB2] =	sst s10  }
0x38: {  	s10 =	sld [smem:$0x3FB3]  }
0x39: {  	_ = 	snop;
	(pc) =	sbr.ind lr, $3  }
0x3a: {  	_ = 	snop  }
0x3b: {  	_ = 	snop  }
0x3c: {  	p2 =	seq.s32 s10, $0x1;
	s10 =	sld [smem:$0x3FB2]  }
0x3d: {  	_ =	shalt  }
0x3e: {  	_ =	shalt  }
0x3f: {  	_ =	shalt  }
0x40: {  	_ =	shalt  }
0x41: {  	_ =	shalt  }
0x42: {  	_ =	shalt  }
0x43: {  	_ =	shalt  }
0x44: {  	_ =	shalt  }
0x45: {  	_ =	shalt  }
0x46: {  	_ =	shalt  }
0x47: {  	_ =	shalt  }
0x48: {  	_ =	shalt  }
0x49: {  	_ =	shalt  }
0x4a: {  	_ =	shalt  }
0x4b: {  	_ =	shalt  }
0x4c: {  	_ =	shalt  }
0x4d: {  	_ =	shalt  }
0x4e: {  	_ =	shalt  }
0x4f: {  	_ =	shalt  }
0x50: {  	_ =	shalt  }
0x51: {  	_ =	shalt  }
0x52: {  	_ =	shalt  }
0x53: {  	_ =	shalt  }
0x54: {  	_ =	shalt  }
0x55: {  	_ =	shalt  }
0x56: {  	_ =	shalt  }
0x57: {  	_ =	shalt  }
0x58: {  	_ =	shalt  }
0x59: {  	_ =	shalt  }
0x5a: {  	_ =	shalt  }
0x5b: {  	_ =	shalt  }
0x5c: {  	_ =	shalt  }
0x5d: {  	_ =	shalt  }
0x5e: {  	_ =	shalt  }
0x5f: {  	_ =	shalt  }
0x60: {  	_ =	shalt  }
0x61: {  	_ =	shalt  }
0x62: {  	_ =	shalt  }
0x63: {  	_ =	shalt  }
0x64: {  	_ =	shalt  }
0x65: {  	_ =	shalt  }
0x66: {  	_ =	shalt  }
0x67: {  	_ =	shalt  }
0x68: {  	_ =	shalt  }
0x69: {  	_ =	shalt  }
0x6a: {  	_ =	shalt  }
0x6b: {  	_ =	shalt  }
0x6c: {  	_ =	shalt  }
0x6d: {  	_ =	shalt  }
0x6e: {  	_ =	shalt  }
0x6f: {  	_ =	shalt  }
0x70: {  	_ =	shalt  }
0x71: {  	_ =	shalt  }
0x72: {  	_ =	shalt  }
0x73: {  	_ =	shalt  }
0x74: {  	_ =	shalt  }
0x75: {  	_ =	shalt  }
0x76: {  	_ =	shalt  }
0x77: {  	_ =	shalt  }
0x78: {  	_ =	shalt  }
0x79: {  	_ =	shalt  }
0x7a: {  	_ =	shalt  }
0x7b: {  	_ =	shalt  }
0x7c: {  	_ =	shalt  }
0x7d: {  	_ =	shalt  }
0x7e: {  	_ =	shalt  }
0x7f: {  	_ =	shalt  }
0x80: {  	_ =	shalt  }
0x81: {  	_ =	shalt  }
0x82: {  	_ =	shalt  }
0x83: {  	_ =	shalt  }
0x84: {  	_ =	shalt  }
0x85: {  	_ =	shalt  }
0x86: {  	_ =	shalt  }
0x87: {  	_ =	shalt  }
.Lfunc_end0:
.L_simem_size_0:
called_computation.1_lowered:
.L_overlay_start_0:
0x88: {  	s2 =	sld [smem:$0x3FD9]  }
0x89: {  	s3 =	sld [smem:$0x3FFE];
	_ =	sdelay $0x1  }
0x8a: {  	s1 =	srdreg.scid  }
0x8b: {  	s0 =	sand.u32 $0x1, s1  }
0x8c: {  	s17 =	sshll.u32 s0, $0xA;
	s2 =	sadd.s32 s3, s2  }
0x8d: {  	s2 =	sadd.s32 s2, s17  }
0x8e: {  	[smem:$0x3FBE] =	sst s2  }
0x8f: {  	_ = 	snop  }
0x90: {  	s2 =	sld [smem:$0x3FD0];
	(tm) =	ssettm $0x1  }
0x91: {  	s18 =	sld [smem:$0x3FFB];
	_ =	sdelay $0x3  }
0x92: {  	_ =	strace s18  }
0x93: {  	s3 =	sld [smem:$0x3FFC];
	_ =	sdelay $0x3  }
0x94: {  	_ =	strace s3  }
0x95: {  	s3 =	sld [smem:$0x3FFD];
	_ =	sdelay $0x3  }
0x96: {  	_ =	strace s3  }
0x97: {  	_ =	strace $0x8FFFFFFF  }
0x98: {  	s19 =	sld [smem:$0x3FDB];
	_ =	sdelay $0x1  }
0x99: {  	s4 =	simm.s32 $_scs_section_size  }
0x9a: {  	s5 =	simm.s32 $_size__tile_overlayer_lowered;
	s6 =	simm.s32 $_tile_overlayer_lowered  }
0x9b: {  	s22 =	simm.s32 $0x1BFF;
	s21 =	sshll.u32 s6, $0x1;
	s3 =	sadd.s32 s4, s19  }
0x9c: {  	s7 =	simm.s32 $0x0;
	s20 =	sshll.u32 s5, $0x1;
	s5 =	sadd.s32 s21, s3  }
0x9d: {  	[timem:s7], [sflag:s22] =	dma.local [hbm:s5], s20  }
0x9e: {  	_ =	swait.ge [sflag:s22], s20  }
0x9f: {  	s4 =	ssub.s32 $0x0, s20;
	[sflag:s22] =	ssyncset.done $0x0  }
0xa0: {  	[sflag:s22] =	ssyncadd.s32 s4;
	_ =	sdelay $0x1  }
0xa1: {  	s23 =	simm.s32 $0x1B8B  }
0xa2: {  	_ =	swait.ge [sflag:s23], $0x1  }
0xa3: {  	[sflag:s23] =	ssyncset.done $0x0  }
0xa4: {  	s25 =	simm.s32 $0x1B8E;
	s24 =	sld [smem:$0x3FFE];
	[sflag:s23] =	ssyncadd.s32 $0xFFFFFFFF  }
0xa5: {  	s26 =	simm.s32 $execute0_lowered;
	[smem:$0x3FD2] =	sst s25  }
0xa6: {  	s5 =	sshll.u32 s26, $0x1;
	_ =	strace $0x80000049;
	[dreg:$0x1] =	wrdreg $0xFFFFFFFF  }
0xa7: {  	s28 =	simm.s32 $_size_execute0_lowered;
	s3 =	sadd.s32 s3, s5;
	[dreg:$0x0] =	wrdreg $0x0  }
0xa8: {  	s5 =	sshll.u32 s28, $0x1;
	[dreg:$0x2] =	wrdreg s3  }
0xa9: {  	[dreg:$0x3] =	wrdreg s5  }
0xaa: {  	[dreg:$0x4] =	wrdreg $0xC0  }
0xab: {  	_ =	task [dreg:s7], $0x5FFFF  }
0xac: {  	[dreg:$0x1] =	wrdreg $0xFFFFFFFF  }
0xad: {  	[dreg:$0x0] =	wrdreg $0x60  }
0xae: {  	[dreg:$0x2] =	wrdreg s2  }
0xaf: {  	[dreg:$0x3] =	wrdreg s24  }
0xb0: {  	[dreg:$0x4] =	wrdreg $0xAA000  }
0xb1: {  	[dreg:$0x5] =	wrdreg $0x9  }
0xb2: {  	_ =	task.clear_ibuf [dreg:s7], $0x6FFFF;
	_ =	strace $0x90000049  }
0xb3: {  	s29 =	simm.s32 $0x9;
	_ =	strace $0x8000004B  }
0xb4: {  	_ =	swait.ge [sflag:s29], $0x1  }
0xb5: {  	[sflag:s29] =	ssyncadd.s32 $0xFFFFFFFF  }
0xb6: {  	_ =	strace $0x9000004B  }
0xb7: {  	_ =	sfence  }
0xb8: {  	s30 =	sld [smem:$0x0];
	_ =	sdelay $0x2  }
0xb9: {  	s31 =	sshll.u32 s1, $0xD;
	s1 =	sshrl.u32 s1, $0x2  }
0xba: {  	s3 =	sand.u32 $0x4000, s31;
	s1 =	sadd.s32 s1, s30  }
0xbb: {  	s0 =	sor.u32 s3, s0;
	s1 =	sshll.u32 s1, $0x11  }
0xbc: {  	s0 =	sor.u32 s1, s0  }
0xbd: {  	s0 =	sadd.s32 $0x8F2B, s0  }
0xbe: {  	[sflag:s0] =	ssyncadd.remote.s32 $0x1  }
0xbf: {  	_ =	sfence.sel $0xFFFF  }
0xc0: {  	[dreg:$0x0] =	wrdreg $0xFFFFFFFF;
	(pc) =	sbr.abs _section_cstart, $3  }
0xc1: {  	[dreg:$0x1] =	wrdreg $0xFFFFFFFF  }
0xc2: {  	_ =	task.clear_ibuf [dreg:s7], $0x2FFFF;
	_ =	strace $0x9FFFFFFF  }
0xc3: {  	(tm) =	ssettm $0x7FFFFFFF  }
tec
execute0_lowered:
.L_overlay_start_1:
0x0: {  	(tag) =	ssettag $0x1  }
0x1: {  	s1 =	rddreg [dreg:$0x0]  }
0x2: {  	s6 =	rddreg [dreg:$0x1]  }
0x3: {  	s0 =	srdreg.scid;
	s3 =	rddreg [dreg:$0x2]  }
0x4: {  	s4 =	simm.s32 $0x0;
	s12 =	simm.s32 $0x2A00;
	s13 =	simm.s32 $0x2900  }
0x5: {  	s14 =	simm.s32 $0x6A00;
	s17 =	simm.s32 $0x1;
	s18 =	simm.s32 $0x2880  }
0x6: {  	s19 =	simm.s32 $0x2;
	s20 =	simm.s32 $0x2980;
	s5 =	sand.u32 $0x1, s0  }
0x7: {  	s21 =	simm.s32 $0x0;
	s0 =	stileid.u32;
	s8 =	smul.u32 $0x140000, s5  }
0x8: {  	[smem:$0x7FF] =	sst s4;
	s2 =	sshll.u32 s5, $0x4;
	s9 =	smul.u32 $0x14000, s0  }
0x9: {  	s31 =	ssub.s32 $0x2, s5;
	s10 =	smul.u32 $0x50000, s0;
	s5 =	sadd.s32 $0xCC00, s6  }
0xa: {  	s15 =	sshll.u32 s0, $0x6;
	s2 =	sor.u32 s0, s2;
	s11 =	sshrl.u32 s31, $0x1  }
0xb: {  	s15 =	sor.u32 $0x1C03, s15;
	s7 =	smul.u32 $0x500, s2;
	s2 =	rddreg [dreg:$0x3]  }
0xc: {  	_ =	strace $0x8000004A;
	s8 =	sadd.s32 s9, s8;
	s9 =	ssub.s32 s31, s11  }
0xd: {  	s10 =	sshrl.u32 s10, $0x2;
	s11 =	simm.s32 $0x2800;
	s8 =	sshrl.u32 s8, $0x3  }
0xe: {  	s16 =	sadd.s32 s10, s3;
	s10 =	simm.s32 $0x80;
	s7 =	sadd.s32 s7, s6  }
0xf: {  	s8 =	sadd.s32 s8, s6;
	s16 =	sshrl.u32 s16, $0x3;
	s6 =	sadd.s32 $0x2C00, s7  }
0x10: {  	s7 =	sadd.s32 $0xF400, s8;
	s8 =	smax.u32 s9, $0x1;
	s9 =	simm.s32 $0x3  }
.LBB2_1:
0x11: {  	[tilespmem:s4], [sflag:$0x3] =	stream.linear.gather [hbm4b:s6+s4], $0x2800, $0x38;
	[tilespmem:$0x1EA00] =	vst v63  }
0x12: {  	_ =	swait.ge [sflag:s9], $0x2800  }
0x13: {  	[sflag:s9] =	ssyncset.done $0x0  }
0x14: {  	[sflag:s9] =	ssyncadd.s32 $0xFFFFD800  }
0x15: {  	v0 =	vld [tilespmem:$0x0];
	_ =	sdelay $0x1  }
0x16: {  	v1 =	vld [tilespmem:$0x10];
	_ =	sdelay $0x1  }
0x17: {  	v2 =	vld [tilespmem:$0x20]  }
0x18: {  	v3 =	vand.u32 $0xFFFF, v0  }
0x19: {  	v63 =	vld [tilespmem:$0x30];
	v0 =	vshra.s32 v0, $0x10;
	[tilespmem:$0x2800] =	vst v3  }
0x1a: {  	v6 =	vand.u32 $0xFFFF, v1;
	[tilespmem:$0x2880] =	vst v0  }
0x1b: {  	v8 =	vld [tilespmem:$0x40];
	v7 =	vshra.s32 v1, $0x10;
	[tilespmem:$0x2810] =	vst v6  }
0x1c: {  	v9 =	vand.u32 $0xFFFF, v2;
	[tilespmem:$0x2890] =	vst v7  }
0x1d: {  	v11 =	vld [tilespmem:$0x50];
	v10 =	vshra.s32 v2, $0x10;
	[tilespmem:$0x2820] =	vst v9  }
0x1e: {  	v12 =	vand.u32 $0xFFFF, v63;
	[tilespmem:$0x28A0] =	vst v10  }
0x1f: {  	v14 =	vld [tilespmem:$0x60];
	v13 =	vshra.s32 v63, $0x10;
	[tilespmem:$0x2830] =	vst v12  }
0x20: {  	v15 =	vand.u32 $0xFFFF, v8;
	[tilespmem:$0x28B0] =	vst v13  }
0x21: {  	v17 =	vld [tilespmem:$0x70];
	v16 =	vshra.s32 v8, $0x10;
	[tilespmem:$0x2840] =	vst v15  }
0x22: {  	v18 =	vand.u32 $0xFFFF, v11;
	[tilespmem:$0x28C0] =	vst v16  }
0x23: {  	v20 =	vld [tilespmem:$0x80];
	v19 =	vshra.s32 v11, $0x10;
	[tilespmem:$0x2850] =	vst v18  }
0x24: {  	v21 =	vand.u32 $0xFFFF, v14;
	[tilespmem:$0x28D0] =	vst v19  }
0x25: {  	v23 =	vld [tilespmem:$0x90];
	v22 =	vshra.s32 v14, $0x10;
	[tilespmem:$0x2860] =	vst v21  }
0x26: {  	v24 =	vand.u32 $0xFFFF, v17;
	[tilespmem:$0x28E0] =	vst v22  }
0x27: {  	v26 =	vld [tilespmem:$0xA0];
	v25 =	vshra.s32 v17, $0x10;
	[tilespmem:$0x2870] =	vst v24  }
0x28: {  	v27 =	vand.u32 $0xFFFF, v20;
	[tilespmem:$0x28F0] =	vst v25  }
0x29: {  	v29 =	vld [tilespmem:$0xB0];
	v28 =	vshra.s32 v20, $0x10;
	[tilespmem:$0x2900] =	vst v27  }
0x2a: {  	v30 =	vand.u32 $0xFFFF, v23;
	[tilespmem:$0x2980] =	vst v28  }
0x2b: {  	v32 =	vld [tilespmem:$0xC0];
	v31 =	vshra.s32 v23, $0x10;
	[tilespmem:$0x2910] =	vst v30  }
0x2c: {  	v33 =	vand.u32 $0xFFFF, v26;
	[tilespmem:$0x2990] =	vst v31  }
0x2d: {  	v35 =	vld [tilespmem:$0xD0];
	v34 =	vshra.s32 v26, $0x10;
	[tilespmem:$0x2920] =	vst v33  }
0x2e: {  	v36 =	vand.u32 $0xFFFF, v29;
	[tilespmem:$0x29A0] =	vst v34  }
0x2f: {  	v38 =	vld [tilespmem:$0xE0];
	v37 =	vshra.s32 v29, $0x10;
	[tilespmem:$0x2930] =	vst v36  }
0x30: {  	v39 =	vand.u32 $0xFFFF, v32;
	[tilespmem:$0x29B0] =	vst v37  }
0x31: {  	v41 =	vld [tilespmem:$0xF0];
	v40 =	vshra.s32 v32, $0x10;
	[tilespmem:$0x2940] =	vst v39  }
0x32: {  	v42 =	vand.u32 $0xFFFF, v35;
	[tilespmem:$0x29C0] =	vst v40  }
0x33: {  	v43 =	vshra.s32 v35, $0x10;
	[tilespmem:$0x2950] =	vst v42  }
0x34: {  	v44 =	vand.u32 $0xFFFF, v38;
	[tilespmem:$0x29D0] =	vst v43  }
0x35: {  	v45 =	vshra.s32 v38, $0x10;
	[tilespmem:$0x2960] =	vst v44  }
0x36: {  	v46 =	vand.u32 $0xFFFF, v41;
	[tilespmem:$0x29E0] =	vst v45  }
0x37: {  	v47 =	vshra.s32 v41, $0x10;
	[tilespmem:$0x2970] =	vst v46  }
0x38: {  	[tilespmem:$0x29F0] =	vst v47  }
0x39: {  	[tilespmem:s12], [sflag:$0x1] =	stream.indirect.gather [hbm4b:s1+s10], $0x80, s11, s10, $0xb8;
	[tilespmem:$0x1EA00] =	vst v63  }
0x3a: {  	_ = 	snop  }
0x3b: {  	[tilespmem:s14], [sflag:$0x2] =	stream.indirect.gather [hbm4b:s1+s10], $0x80, s13, s10, $0xb8;
	[tilespmem:$0x1EA00] =	vst v63  }
0x3c: {  	[spmem:s16], [sflag:s15] =	dma.local [hbm:s5], $0x2800  }
0x3d: {  	_ =	swait.ge [sflag:s9], $0x2800  }
0x3e: {  	[sflag:s9] =	ssyncset.done $0x0  }
0x3f: {  	[sflag:s9] =	ssyncadd.s32 $0xFFFFD800  }
0x40: {  	[bflag:$0x0] =	sbarrier.arrive $0xFFFF  }
0x41: {  	_ =	swait.ge [sflag:s17], $0x4000  }
0x42: {  	[sflag:s17] =	ssyncset.done $0x0  }
0x43: {  	[sflag:s17] =	ssyncadd.s32 $0xFFFFC000  }
0x44: {  	[spmem:s3] =	stream.indirect.scatter.add.f32 [tilespmem:s12], [sflag:$0x3], $0x80, s18, s10, $0xb8;
	[tilespmem:$0x1EA00] =	vst v63  }
0x45: {  	_ =	swait.ge [sflag:s9], $0x4000  }
0x46: {  	[sflag:s9] =	ssyncset.done $0x0  }
0x47: {  	s22 =	simm.s32 $0x1F0;
	[sflag:s9] =	ssyncadd.s32 $0xFFFFC000  }
0x48: {  	v48 =	vld [tilespmem:s22+$0xFFFFFF10];
	_ =	sdelay $0x4  }
0x49: {  	v49 =	vand.u32 $0xFFFF, v48  }
0x4a: {  	v0 =	vshra.s32 v48, $0x10;
	[tilespmem:$0x2800] =	vst v49  }
0x4b: {  	[tilespmem:$0x2880] =	vst v0  }
0x4c: {  	v0 =	vld [tilespmem:s22+$0xFFFFFF20];
	_ =	sdelay $0x4  }
0x4d: {  	v50 =	vand.u32 $0xFFFF, v0  }
0x4e: {  	v0 =	vshra.s32 v0, $0x10;
	[tilespmem:$0x2810] =	vst v50  }
0x4f: {  	[tilespmem:$0x2890] =	vst v0  }
0x50: {  	v0 =	vld [tilespmem:s22+$0xFFFFFF30];
	_ =	sdelay $0x4  }
0x51: {  	v51 =	vand.u32 $0xFFFF, v0  }
0x52: {  	v0 =	vshra.s32 v0, $0x10;
	[tilespmem:$0x2820] =	vst v51  }
0x53: {  	[tilespmem:$0x28A0] =	vst v0  }
0x54: {  	v0 =	vld [tilespmem:s22+$0xFFFFFF40];
	_ =	sdelay $0x4  }
0x55: {  	v52 =	vand.u32 $0xFFFF, v0  }
0x56: {  	v0 =	vshra.s32 v0, $0x10;
	[tilespmem:$0x2830] =	vst v52  }
0x57: {  	[tilespmem:$0x28B0] =	vst v0  }
0x58: {  	v0 =	vld [tilespmem:s22+$0xFFFFFF50];
	_ =	sdelay $0x4  }
0x59: {  	v53 =	vand.u32 $0xFFFF, v0  }
0x5a: {  	v0 =	vshra.s32 v0, $0x10;
	[tilespmem:$0x2840] =	vst v53  }
0x5b: {  	[tilespmem:$0x28C0] =	vst v0  }
0x5c: {  	v0 =	vld [tilespmem:s22+$0xFFFFFF60];
	_ =	sdelay $0x4  }
0x5d: {  	v54 =	vand.u32 $0xFFFF, v0  }
0x5e: {  	v0 =	vshra.s32 v0, $0x10;
	[tilespmem:$0x2850] =	vst v54  }
0x5f: {  	[tilespmem:$0x28D0] =	vst v0  }
0x60: {  	v0 =	vld [tilespmem:s22+$0xFFFFFF70];
	_ =	sdelay $0x4  }
0x61: {  	v55 =	vand.u32 $0xFFFF, v0  }
0x62: {  	v0 =	vshra.s32 v0, $0x10;
	[tilespmem:$0x2860] =	vst v55  }
0x63: {  	[tilespmem:$0x28E0] =	vst v0  }
0x64: {  	v0 =	vld [tilespmem:s22+$0xFFFFFF80];
	_ =	sdelay $0x4  }
0x65: {  	v56 =	vand.u32 $0xFFFF, v0  }
0x66: {  	v0 =	vshra.s32 v0, $0x10;
	[tilespmem:$0x2870] =	vst v56  }
0x67: {  	[tilespmem:$0x28F0] =	vst v0  }
0x68: {  	[tilespmem:s12], [sflag:$0x1] =	stream.indirect.gather [hbm4b:s1+s10], $0x80, s11, s10, $0xb8;
	[tilespmem:$0x1EA00] =	vst v63  }
0x69: {  	_ =	swait.ge [sflag:s19], $0x4000  }
0x6a: {  	[sflag:s19] =	ssyncset.done $0x0  }
0x6b: {  	[sflag:s19] =	ssyncadd.s32 $0xFFFFC000  }
0x6c: {  	[spmem:s3] =	stream.indirect.scatter.add.f32 [tilespmem:s14], [sflag:$0x3], $0x80, s20, s10, $0xb8;
	[tilespmem:$0x1EA00] =	vst v63  }
0x6d: {  	_ =	swait.ge [sflag:s9], $0x4000  }
0x6e: {  	[sflag:s9] =	ssyncset.done $0x0  }
0x6f: {  	[sflag:s9] =	ssyncadd.s32 $0xFFFFC000  }
0x70: {  	v57 =	vld [tilespmem:s22+$0xFFFFFF90];
	_ =	sdelay $0x4  }
0x71: {  	v58 =	vand.u32 $0xFFFF, v57  }
0x72: {  	v0 =	vshra.s32 v57, $0x10;
	[tilespmem:$0x2900] =	vst v58  }
0x73: {  	[tilespmem:$0x2980] =	vst v0  }
0x74: {  	v0 =	vld [tilespmem:s22+$0xFFFFFFA0];
	_ =	sdelay $0x4  }
0x75: {  	v59 =	vand.u32 $0xFFFF, v0  }
0x76: {  	v0 =	vshra.s32 v0, $0x10;
	[tilespmem:$0x2910] =	vst v59  }
0x77: {  	[tilespmem:$0x2990] =	vst v0  }
0x78: {  	v0 =	vld [tilespmem:s22+$0xFFFFFFB0];
	_ =	sdelay $0x4  }
0x79: {  	v60 =	vand.u32 $0xFFFF, v0  }
0x7a: {  	v0 =	vshra.s32 v0, $0x10;
	[tilespmem:$0x2920] =	vst v60  }
0x7b: {  	[tilespmem:$0x29A0] =	vst v0  }
0x7c: {  	v0 =	vld [tilespmem:s22+$0xFFFFFFC0];
	_ =	sdelay $0x4  }
0x7d: {  	v61 =	vand.u32 $0xFFFF, v0  }
0x7e: {  	v0 =	vshra.s32 v0, $0x10;
	[tilespmem:$0x2930] =	vst v61  }
0x7f: {  	[tilespmem:$0x29B0] =	vst v0  }
0x80: {  	v0 =	vld [tilespmem:s22+$0xFFFFFFD0];
	_ =	sdelay $0x4  }
0x81: {  	v62 =	vand.u32 $0xFFFF, v0  }
0x82: {  	v0 =	vshra.s32 v0, $0x10;
	[tilespmem:$0x2940] =	vst v62  }
0x83: {  	[tilespmem:$0x29C0] =	vst v0  }
0x84: {  	v0 =	vld [tilespmem:s22+$0xFFFFFFE0];
	_ =	sdelay $0x4  }
0x85: {  	v63 =	vand.u32 $0xFFFF, v0  }
0x86: {  	v0 =	vshra.s32 v0, $0x10;
	[tilespmem:$0x2950] =	vst v63  }
0x87: {  	s23 =	simm.s32 $0xBC0;
	[tilespmem:$0x29D0] =	vst v0  }
.LBB2_2:
0x88: {  	p0 =	sne.s32 s23, $0x9FC0;
	v0 =	vld [tilespmem:s22+$0xFFFFFFF0];
	s24 =	smov.u32 s23;
	s23 =	sadd.s32 $0x400, s23  }
0x89: {  	_ =	sdelay $0x3  }
0x8a: {  	v1 =	vand.u32 $0xFFFF, v0;
	v0 =	vshra.s32 v0, $0x10  }
0x8b: {  	[tilespmem:$0x2960] =	vst v1  }
0x8c: {  	[tilespmem:$0x29E0] =	vst v0  }
0x8d: {  	v0 =	vld [tilespmem:s22+$0x0];
	_ =	sdelay $0x4  }
0x8e: {  	v1 =	vand.u32 $0xFFFF, v0;
	v0 =	vshra.s32 v0, $0x10  }
0x8f: {  	[tilespmem:$0x2970] =	vst v1  }
0x90: {  	[tilespmem:$0x29F0] =	vst v0  }
0x91: {  	[tilespmem:s14], [sflag:$0x2] =	stream.indirect.gather [hbm4b:s1+s10], $0x80, s13, s10, $0xb8;
	[tilespmem:$0x1EA00] =	vst v63  }
0x92: {  	_ =	swait.ge [sflag:s17], $0x4000  }
0x93: {  	[sflag:s17] =	ssyncset.done $0x0  }
0x94: {  	[sflag:s17] =	ssyncadd.s32 $0xFFFFC000  }
0x95: {  	[spmem:s3] =	stream.indirect.scatter.add.f32 [tilespmem:s12], [sflag:$0x3], $0x80, s18, s10, $0xb8;
	[tilespmem:$0x1EA00] =	vst v63  }
0x96: {  	_ =	swait.ge [sflag:s9], $0x4000  }
0x97: {  	[sflag:s9] =	ssyncset.done $0x0  }
0x98: {  	s22 =	sshra.s32 s24, $0x2;
	[sflag:s9] =	ssyncadd.s32 $0xFFFFC000  }
0x99: {  	v0 =	vld [tilespmem:s22+$0xFFFFFF10];
	_ =	sdelay $0x4  }
0x9a: {  	v1 =	vand.u32 $0xFFFF, v0;
	v0 =	vshra.s32 v0, $0x10  }
0x9b: {  	[tilespmem:$0x2800] =	vst v1  }
0x9c: {  	[tilespmem:$0x2880] =	vst v0  }
0x9d: {  	v0 =	vld [tilespmem:s22+$0xFFFFFF20];
	_ =	sdelay $0x4  }
0x9e: {  	v1 =	vand.u32 $0xFFFF, v0;
	v0 =	vshra.s32 v0, $0x10  }
0x9f: {  	[tilespmem:$0x2810] =	vst v1  }
0xa0: {  	[tilespmem:$0x2890] =	vst v0  }
0xa1: {  	v0 =	vld [tilespmem:s22+$0xFFFFFF30];
	_ =	sdelay $0x4  }
0xa2: {  	v1 =	vand.u32 $0xFFFF, v0;
	v0 =	vshra.s32 v0, $0x10  }
0xa3: {  	[tilespmem:$0x2820] =	vst v1  }
0xa4: {  	[tilespmem:$0x28A0] =	vst v0  }
0xa5: {  	v0 =	vld [tilespmem:s22+$0xFFFFFF40];
	_ =	sdelay $0x4  }
0xa6: {  	v1 =	vand.u32 $0xFFFF, v0;
	v0 =	vshra.s32 v0, $0x10  }
0xa7: {  	[tilespmem:$0x2830] =	vst v1  }
0xa8: {  	[tilespmem:$0x28B0] =	vst v0  }
0xa9: {  	v0 =	vld [tilespmem:s22+$0xFFFFFF50];
	_ =	sdelay $0x4  }
0xaa: {  	v1 =	vand.u32 $0xFFFF, v0;
	v0 =	vshra.s32 v0, $0x10  }
0xab: {  	[tilespmem:$0x2840] =	vst v1  }
0xac: {  	[tilespmem:$0x28C0] =	vst v0  }
0xad: {  	v0 =	vld [tilespmem:s22+$0xFFFFFF60];
	_ =	sdelay $0x4  }
0xae: {  	v1 =	vand.u32 $0xFFFF, v0;
	v0 =	vshra.s32 v0, $0x10  }
0xaf: {  	[tilespmem:$0x2850] =	vst v1  }
0xb0: {  	[tilespmem:$0x28D0] =	vst v0  }
0xb1: {  	v0 =	vld [tilespmem:s22+$0xFFFFFF70];
	_ =	sdelay $0x4  }
0xb2: {  	v1 =	vand.u32 $0xFFFF, v0;
	v0 =	vshra.s32 v0, $0x10  }
0xb3: {  	[tilespmem:$0x2860] =	vst v1  }
0xb4: {  	[tilespmem:$0x28E0] =	vst v0  }
0xb5: {  	v0 =	vld [tilespmem:s22+$0xFFFFFF80];
	_ =	sdelay $0x4  }
0xb6: {  	v1 =	vand.u32 $0xFFFF, v0;
	v0 =	vshra.s32 v0, $0x10  }
0xb7: {  	[tilespmem:$0x2870] =	vst v1  }
0xb8: {  	[tilespmem:$0x28F0] =	vst v0  }
0xb9: {  	[tilespmem:s12], [sflag:$0x1] =	stream.indirect.gather [hbm4b:s1+s10], $0x80, s11, s10, $0xb8;
	[tilespmem:$0x1EA00] =	vst v63  }
0xba: {  	_ =	swait.ge [sflag:s19], $0x4000  }
0xbb: {  	[sflag:s19] =	ssyncset.done $0x0  }
0xbc: {  	[sflag:s19] =	ssyncadd.s32 $0xFFFFC000  }
0xbd: {  	[spmem:s3] =	stream.indirect.scatter.add.f32 [tilespmem:s14], [sflag:$0x3], $0x80, s20, s10, $0xb8;
	[tilespmem:$0x1EA00] =	vst v63  }
0xbe: {  	_ =	swait.ge [sflag:s9], $0x4000  }
0xbf: {  	[sflag:s9] =	ssyncset.done $0x0  }
0xc0: {  	[sflag:s9] =	ssyncadd.s32 $0xFFFFC000  }
0xc1: {  	v0 =	vld [tilespmem:s22+$0xFFFFFF90];
	_ =	sdelay $0x4  }
0xc2: {  	v1 =	vand.u32 $0xFFFF, v0;
	v0 =	vshra.s32 v0, $0x10  }
0xc3: {  	[tilespmem:$0x2900] =	vst v1  }
0xc4: {  	[tilespmem:$0x2980] =	vst v0  }
0xc5: {  	v0 =	vld [tilespmem:s22+$0xFFFFFFA0];
	_ =	sdelay $0x4  }
0xc6: {  	v1 =	vand.u32 $0xFFFF, v0;
	v0 =	vshra.s32 v0, $0x10  }
0xc7: {  	[tilespmem:$0x2910] =	vst v1  }
0xc8: {  	[tilespmem:$0x2990] =	vst v0  }
0xc9: {  	v0 =	vld [tilespmem:s22+$0xFFFFFFB0];
	_ =	sdelay $0x4  }
0xca: {  	v1 =	vand.u32 $0xFFFF, v0;
	v0 =	vshra.s32 v0, $0x10  }
0xcb: {  	[tilespmem:$0x2920] =	vst v1  }
0xcc: {  	[tilespmem:$0x29A0] =	vst v0  }
0xcd: {  	v0 =	vld [tilespmem:s22+$0xFFFFFFC0];
	_ =	sdelay $0x4  }
0xce: {  	v1 =	vand.u32 $0xFFFF, v0;
	v0 =	vshra.s32 v0, $0x10  }
0xcf: {  	[tilespmem:$0x2930] =	vst v1  }
0xd0: {  	[tilespmem:$0x29B0] =	vst v0  }
0xd1: {  	v0 =	vld [tilespmem:s22+$0xFFFFFFD0];
	_ =	sdelay $0x4  }
0xd2: {  	v1 =	vand.u32 $0xFFFF, v0;
	v0 =	vshra.s32 v0, $0x10  }
0xd3: {  	[tilespmem:$0x2940] =	vst v1  }
0xd4: {  	[tilespmem:$0x29C0] =	vst v0  }
0xd5: {  	v0 =	vld [tilespmem:s22+$0xFFFFFFE0];
	_ =	sdelay $0x2  }
.Ltmp0:
0xd6: {  	(pc) =	sbr.rel @p0 .LBB2_2-.Ltmp0, $4  }
0xd7: {  	_ = 	snop  }
0xd8: {  	v1 =	vand.u32 $0xFFFF, v0;
	v0 =	vshra.s32 v0, $0x10  }
0xd9: {  	[tilespmem:$0x2950] =	vst v1  }
0xda: {  	[tilespmem:$0x29D0] =	vst v0  }
0xdb: {  	v0 =	vld [tilespmem:s22+$0xFFFFFFF0];
	_ =	sdelay $0x4  }
0xdc: {  	v1 =	vand.u32 $0xFFFF, v0  }
0xdd: {  	v0 =	vshra.s32 v0, $0x10;
	[tilespmem:$0x2960] =	vst v1  }
0xde: {  	[tilespmem:$0x29E0] =	vst v0  }
0xdf: {  	v0 =	vld [tilespmem:s22+$0x0];
	_ =	sdelay $0x4  }
0xe0: {  	v63 =	vand.u32 $0xFFFF, v0  }
0xe1: {  	v0 =	vshra.s32 v0, $0x10;
	[tilespmem:$0x2970] =	vst v63  }
0xe2: {  	[tilespmem:$0x29F0] =	vst v0  }
0xe3: {  	[tilespmem:s14], [sflag:$0x2] =	stream.indirect.gather [hbm4b:s1+s10], $0x80, s13, s10, $0xb8;
	[tilespmem:$0x1EA00] =	vst v63  }
0xe4: {  	_ =	swait.ge [sflag:s17], $0x4000  }
0xe5: {  	[sflag:s17] =	ssyncset.done $0x0  }
0xe6: {  	[sflag:s17] =	ssyncadd.s32 $0xFFFFC000  }
0xe7: {  	[spmem:s3] =	stream.indirect.scatter.add.f32 [tilespmem:s12], [sflag:$0x3], $0x80, s18, s10, $0xb8;
	[tilespmem:$0x1EA00] =	vst v63  }
0xe8: {  	_ =	swait.ge [sflag:s9], $0x4000  }
0xe9: {  	[sflag:s9] =	ssyncset.done $0x0  }
0xea: {  	[sflag:s9] =	ssyncadd.s32 $0xFFFFC000  }
0xeb: {  	_ =	swait.ge [sflag:s19], $0x4000  }
0xec: {  	[sflag:s19] =	ssyncset.done $0x0  }
0xed: {  	[sflag:s19] =	ssyncadd.s32 $0xFFFFC000  }
0xee: {  	[spmem:s3] =	stream.indirect.scatter.add.f32 [tilespmem:s14], [sflag:$0x3], $0x80, s20, s10, $0xb8;
	[tilespmem:$0x1EA00] =	vst v63  }
0xef: {  	_ =	swait.ge [sflag:s9], $0x4000  }
0xf0: {  	s21 =	sadd.s32 $0x1, s21;
	[sflag:s9] =	ssyncset.done $0x0  }
0xf1: {  	p0 =	sne.s32 s21, s8;
	[sflag:s9] =	ssyncadd.s32 $0xFFFFC000  }
.Ltmp1:
0xf2: {  	[bflag:$0x0] =	sbarrier.arrive $0xFFFF;
	(pc) =	sbr.rel @p0 .LBB2_1-.Ltmp1, $4  }
0xf3: {  	[hbm:s7], [sflag:s15] =	dma.local [spmem:s16], $0x2800  }
0xf4: {  	_ =	swait.ge [sflag:s9], $0x2800  }
0xf5: {  	[sflag:s9] =	ssyncset.done $0x0  }
0xf6: {  	[sflag:s9] =	ssyncadd.s32 $0xFFFFD800  }
0xf7: {  	_ =	sfence.sel $0x180000  }
0xf8: {  	[bflag:$0x0] =	sbarrier.arrive $0xFFFF  }
0xf9: {  	p0 =	sne.s32 s0, $0x0;
	_ =	strace $0x9000004A  }
0xfa: {  	s0 =	sadd.s32 @!p0 $0x100000, s2;
	[bflag:$0x2] =	sbarrier.arrive $0xFFFF  }
0xfb: {  	[sflag:s0] =	ssyncadd.tile.s32 @!p0 $0x1;
	_ =	shalt  }
.Lfunc_end2:
_tile_overlayer_lowered:
.L_overlay_start_2:
0xfc: {  	(tag) =	ssettag $0x2  }
0xfd: {  	s0 =	rddreg [dreg:$0x0];
	s2 =	stileid.u32  }
0xfe: {  	s1 =	rddreg [dreg:$0x1];
	p0 =	sne.s32 s2, $0x0  }
0xff: {  	s3 =	rddreg [dreg:$0x2];
	[bflag:$0x3] =	sbarrier.arrive $0xFFFF;
	s2 =	simm.s32 @!p0 $0x1C03  }
0x100: {  	[timem:s3], [sflag:s2] =	dma.local @!p0 [hbm:s0], s1  }
0x101: {  	s0 =	simm.s32 @!p0 $0x3  }
0x102: {  	_ =	swait.ge @!p0 [sflag:s0], s1  }
0x103: {  	s1 =	ssub.s32 @!p0 $0x0, s1;
	[sflag:s0] =	ssyncset.done @!p0 $0x0  }
0x104: {  	[sflag:s0] =	ssyncadd.s32 @!p0 s1  }
0x105: {  	[bflag:$0x3] =	sbarrier.arrive $0xFFFF  }
0x106: {  	_ =	shalt  }

// kernel: sc_agg_deg.3.cloned.1.call-start
scs
__scs_entry_jumppad:
0x0: {  	(pc) =	sbr.rel $0x88, $3  }
0x1: {  	(tag) =	ssettag $0x0;
	lr =	simm.s32 $0x1  }
0x2: {  	[smem:$0x3F97] =	sst lr;
	_ =	strace $0xD0000000  }
0x3: {  	_ = 	snop  }
0x4: {  	_ = 	snop  }
0x5: {  	_ = 	snop  }
0x6: {  	_ = 	snop  }
0x7: {  	_ = 	snop  }
__scs_overlays_trampoline_lowered:
0x8: {  	[smem:$0x3FA6] =	sst s0  }
0x9: {  	[smem:$0x3FA7] =	sst s1  }
0xa: {  	[smem:$0x3FA8] =	sst s2  }
0xb: {  	[smem:$0x3FA9] =	sst s3  }
0xc: {  	[smem:$0x3FAA] =	sst s4  }
0xd: {  	[smem:$0x3FAB] =	sst s5  }
0xe: {  	[smem:$0x3FAC] =	sst s6  }
0xf: {  	[smem:$0x3FAD] =	sst s7  }
0x10: {  	[smem:$0x3FAE] =	sst s8  }
0x11: {  	[smem:$0x3FAF] =	sst s9;
	s0 =	simm.s32 @!p0 $0x0  }
0x12: {  	s1 =	sld [smem:$0x3F95];
	s0 =	simm.s32 @p0 $0x1  }
0x13: {  	[smem:$0x3FB0] =	sst s0;
	s0 =	simm.s32 @!p1 $0x0  }
0x14: {  	s2 =	sld [smem:$0x3F94];
	s0 =	simm.s32 @p1 $0x1  }
0x15: {  	[smem:$0x3FB1] =	sst s0;
	s0 =	simm.s32 @!p2 $0x0  }
0x16: {  	s3 =	sld [smem:$0x3FDB];
	s0 =	simm.s32 @p2 $0x1  }
0x17: {  	s4 =	simm.s32 $0x1BF5;
	[smem:$0x3FB3] =	sst s0  }
0x18: {  	s0 =	sld [smem:$0x3F96];
	_ =	swait.ge [sflag:s4], $0x0  }
0x19: {  	s7 =	sld [smem:$0x3F97]  }
0x1a: {  	s8 =	sadd.s32 $0xFFFFE003, lr  }
0x1b: {  	s9 =	sadd.s32 $0xFFFFFEF7, lr;
	s5 =	simm.s32 $0xFFFFFFFF;
	p2 =	slt.u32 s8, $0xFFFFF086  }
0x1c: {  	p1 =	slt.u32 s9, $0xF7A;
	s5 =	simm.s32 @!p2 $0x0  }
0x1d: {  	s5 =	simm.s32 @p1 $0x1;
	p0 =	seq.s32 s7, s2  }
0x1e: {  	s7 =	smul.u32 @!p0 $0xF7A, s2;
	p2 =	seq.s32 @!p0 s5, $0x0  }
0x1f: {  	s9 =	smul.u32 $0xF7A, s1;
	s8 =	simm.s32 @!p0 $0x1BF5;
	p2 =	por !p2, p0  }
0x20: {  	[sflag:s8] =	ssyncset.s32 @!p0 $0xFFFFF086;
	s6 =	sadd.s32 @!p0 s3, s7;
	s7 =	simm.s32 @!p0 $0x108  }
0x21: {  	s3 =	sadd.s32 s3, s9;
	s6 =	sadd.s32 @!p0 $0x88, s6;
	s7 =	simm.s32 @p2 $0x1082  }
0x22: {  	[simem:s7], [sflag:s8] =	dma.local @!p0 [hbm:s6], $0xF7A  }
0x23: {  	s9 =	sor.u32 $0xD0000000, s2;
	s6 =	simm.s32 $0x108;
	_ =	swait.ge @!p0 [sflag:s8], $0x0  }
0x24: {  	s3 =	sadd.s32 $0x88, s3;
	s6 =	simm.s32 @!p1 $0x1082;
	[sflag:s4] =	ssyncset.s32 $0xFFFFF086  }
0x25: {  	[simem:s6], [sflag:s4] =	dma.local [hbm:s3], $0xF7A  }
0x26: {  	[smem:$0x3F97] =	sst s1;
	(tag) =	ssettag s2;
	_ =	strace s9  }
0x27: {  	s1 =	sld [smem:$0x3FA7]  }
0x28: {  	s2 =	sld [smem:$0x3FA8]  }
0x29: {  	s4 =	sld [smem:$0x3FAA]  }
0x2a: {  	p0 =	seq.s32 s5, $0x0;
	s5 =	sld [smem:$0x3FAB]  }
0x2b: {  	s6 =	sld [smem:$0x3FAC]  }
0x2c: {  	s7 =	sld [smem:$0x3FAD]  }
0x2d: {  	s3 =	simm.s32 $0x108;
	s8 =	sld [smem:$0x3FAE]  }
0x2e: {  	s3 =	simm.s32 @!p0 $0x1082;
	s9 =	sld [smem:$0x3FAF]  }
0x2f: {  	lr =	sadd.s32 s0, s3;
	s0 =	sld [smem:$0x3FA6]  }
0x30: {  	s3 =	sld [smem:$0x3FA9]  }
0x31: {  	[smem:$0x3FB2] =	sst s10  }
0x32: {  	s10 =	sld [smem:$0x3FB0];
	_ =	sdelay $0x3  }
0x33: {  	p0 =	seq.s32 s10, $0x1;
	s10 =	sld [smem:$0x3FB2];
	_ =	sdelay $0x3  }
0x34: {  	[smem:$0x3FB2] =	sst s10  }
0x35: {  	s10 =	sld [smem:$0x3FB1];
	_ =	sdelay $0x3  }
0x36: {  	p1 =	seq.s32 s10, $0x1;
	s10 =	sld [smem:$0x3FB2];
	_ =	sdelay $0x3  }
0x37: {  	[smem:$0x3FB2] =	sst s10  }
0x38: {  	s10 =	sld [smem:$0x3FB3]  }
0x39: {  	_ = 	snop;
	(pc) =	sbr.ind lr, $3  }
0x3a: {  	_ = 	snop  }
0x3b: {  	_ = 	snop  }
0x3c: {  	p2 =	seq.s32 s10, $0x1;
	s10 =	sld [smem:$0x3FB2]  }
0x3d: {  	_ =	shalt  }
0x3e: {  	_ =	shalt  }
0x3f: {  	_ =	shalt  }
0x40: {  	_ =	shalt  }
0x41: {  	_ =	shalt  }
0x42: {  	_ =	shalt  }
0x43: {  	_ =	shalt  }
0x44: {  	_ =	shalt  }
0x45: {  	_ =	shalt  }
0x46: {  	_ =	shalt  }
0x47: {  	_ =	shalt  }
0x48: {  	_ =	shalt  }
0x49: {  	_ =	shalt  }
0x4a: {  	_ =	shalt  }
0x4b: {  	_ =	shalt  }
0x4c: {  	_ =	shalt  }
0x4d: {  	_ =	shalt  }
0x4e: {  	_ =	shalt  }
0x4f: {  	_ =	shalt  }
0x50: {  	_ =	shalt  }
0x51: {  	_ =	shalt  }
0x52: {  	_ =	shalt  }
0x53: {  	_ =	shalt  }
0x54: {  	_ =	shalt  }
0x55: {  	_ =	shalt  }
0x56: {  	_ =	shalt  }
0x57: {  	_ =	shalt  }
0x58: {  	_ =	shalt  }
0x59: {  	_ =	shalt  }
0x5a: {  	_ =	shalt  }
0x5b: {  	_ =	shalt  }
0x5c: {  	_ =	shalt  }
0x5d: {  	_ =	shalt  }
0x5e: {  	_ =	shalt  }
0x5f: {  	_ =	shalt  }
0x60: {  	_ =	shalt  }
0x61: {  	_ =	shalt  }
0x62: {  	_ =	shalt  }
0x63: {  	_ =	shalt  }
0x64: {  	_ =	shalt  }
0x65: {  	_ =	shalt  }
0x66: {  	_ =	shalt  }
0x67: {  	_ =	shalt  }
0x68: {  	_ =	shalt  }
0x69: {  	_ =	shalt  }
0x6a: {  	_ =	shalt  }
0x6b: {  	_ =	shalt  }
0x6c: {  	_ =	shalt  }
0x6d: {  	_ =	shalt  }
0x6e: {  	_ =	shalt  }
0x6f: {  	_ =	shalt  }
0x70: {  	_ =	shalt  }
0x71: {  	_ =	shalt  }
0x72: {  	_ =	shalt  }
0x73: {  	_ =	shalt  }
0x74: {  	_ =	shalt  }
0x75: {  	_ =	shalt  }
0x76: {  	_ =	shalt  }
0x77: {  	_ =	shalt  }
0x78: {  	_ =	shalt  }
0x79: {  	_ =	shalt  }
0x7a: {  	_ =	shalt  }
0x7b: {  	_ =	shalt  }
0x7c: {  	_ =	shalt  }
0x7d: {  	_ =	shalt  }
0x7e: {  	_ =	shalt  }
0x7f: {  	_ =	shalt  }
0x80: {  	_ =	shalt  }
0x81: {  	_ =	shalt  }
0x82: {  	_ =	shalt  }
0x83: {  	_ =	shalt  }
0x84: {  	_ =	shalt  }
0x85: {  	_ =	shalt  }
0x86: {  	_ =	shalt  }
0x87: {  	_ =	shalt  }
.Lfunc_end0:
.L_simem_size_0:
called_computation_lowered:
.L_overlay_start_0:
0x88: {  	s2 =	sld [smem:$0x3FD9]  }
0x89: {  	s3 =	sld [smem:$0x3FFE];
	_ =	sdelay $0x1  }
0x8a: {  	s1 =	srdreg.scid  }
0x8b: {  	s0 =	sand.u32 $0x1, s1  }
0x8c: {  	s17 =	sshll.u32 s0, $0xA;
	s2 =	sadd.s32 s3, s2  }
0x8d: {  	s2 =	sadd.s32 s2, s17  }
0x8e: {  	[smem:$0x3FBE] =	sst s2  }
0x8f: {  	_ = 	snop  }
0x90: {  	s2 =	sld [smem:$0x3FC9]  }
0x91: {  	s18 =	sld [smem:$0x3FD0];
	(tm) =	ssettm $0x1  }
0x92: {  	s4 =	sld [smem:$0x3FFB];
	_ =	sdelay $0x3  }
0x93: {  	_ =	strace s4  }
0x94: {  	s4 =	sld [smem:$0x3FFC];
	_ =	sdelay $0x3  }
0x95: {  	_ =	strace s4  }
0x96: {  	s4 =	sld [smem:$0x3FFD];
	_ =	sdelay $0x3  }
0x97: {  	_ =	strace s4  }
0x98: {  	_ =	strace $0x8FFFFFFF  }
0x99: {  	s19 =	sld [smem:$0x3FDB];
	_ =	sdelay $0x1  }
0x9a: {  	s5 =	simm.s32 $_scs_section_size  }
0x9b: {  	s6 =	simm.s32 $_size__tile_overlayer_lowered;
	s7 =	simm.s32 $_tile_overlayer_lowered  }
0x9c: {  	s22 =	simm.s32 $0x1BFF;
	s21 =	sshll.u32 s7, $0x1;
	s4 =	sadd.s32 s5, s19  }
0x9d: {  	s8 =	simm.s32 $0x0;
	s20 =	sshll.u32 s6, $0x1;
	s6 =	sadd.s32 s21, s4  }
0x9e: {  	[timem:s8], [sflag:s22] =	dma.local [hbm:s6], s20  }
0x9f: {  	_ =	swait.ge [sflag:s22], s20  }
0xa0: {  	s5 =	ssub.s32 $0x0, s20;
	[sflag:s22] =	ssyncset.done $0x0  }
0xa1: {  	[sflag:s22] =	ssyncadd.s32 s5;
	_ =	sdelay $0x1  }
0xa2: {  	s23 =	simm.s32 $0x1B8B  }
0xa3: {  	_ =	swait.ge [sflag:s23], $0x1  }
0xa4: {  	[sflag:s23] =	ssyncset.done $0x0  }
0xa5: {  	s25 =	simm.s32 $0x1B8E;
	s24 =	sld [smem:$0x3FFE];
	[sflag:s23] =	ssyncadd.s32 $0xFFFFFFFF  }
0xa6: {  	s26 =	simm.s32 $execute0_lowered;
	[smem:$0x3FD2] =	sst s25  }
0xa7: {  	s6 =	sshll.u32 s26, $0x1;
	_ =	strace $0x80000046;
	[dreg:$0x1] =	wrdreg $0xFFFFFFFF  }
0xa8: {  	s28 =	simm.s32 $_size_execute0_lowered;
	s4 =	sadd.s32 s4, s6;
	[dreg:$0x0] =	wrdreg $0x0  }
0xa9: {  	s6 =	sshll.u32 s28, $0x1;
	[dreg:$0x2] =	wrdreg s4  }
0xaa: {  	[dreg:$0x3] =	wrdreg s6  }
0xab: {  	[dreg:$0x4] =	wrdreg $0xC0  }
0xac: {  	_ =	task [dreg:s8], $0x5FFFF  }
0xad: {  	[dreg:$0x1] =	wrdreg $0xFFFFFFFF  }
0xae: {  	[dreg:$0x0] =	wrdreg $0x60  }
0xaf: {  	[dreg:$0x2] =	wrdreg s2  }
0xb0: {  	[dreg:$0x3] =	wrdreg s24  }
0xb1: {  	[dreg:$0x4] =	wrdreg s18  }
0xb2: {  	[dreg:$0x5] =	wrdreg $0xAA800  }
0xb3: {  	[dreg:$0x6] =	wrdreg $0x1EA800  }
0xb4: {  	[dreg:$0x7] =	wrdreg $0x9  }
0xb5: {  	_ =	task.clear_ibuf [dreg:s8], $0x8FFFF;
	_ =	strace $0x90000046  }
0xb6: {  	s29 =	simm.s32 $0x9;
	_ =	strace $0x80000048  }
0xb7: {  	_ =	swait.ge [sflag:s29], $0x1  }
0xb8: {  	[sflag:s29] =	ssyncadd.s32 $0xFFFFFFFF  }
0xb9: {  	_ =	strace $0x90000048  }
0xba: {  	_ =	sfence  }
0xbb: {  	s30 =	sld [smem:$0x0];
	_ =	sdelay $0x2  }
0xbc: {  	s31 =	sshll.u32 s1, $0xD;
	s1 =	sshrl.u32 s1, $0x2  }
0xbd: {  	s3 =	sand.u32 $0x4000, s31;
	s1 =	sadd.s32 s1, s30  }
0xbe: {  	s0 =	sor.u32 s3, s0;
	s1 =	sshll.u32 s1, $0x11  }
0xbf: {  	s0 =	sor.u32 s1, s0  }
0xc0: {  	s0 =	sadd.s32 $0x8F2B, s0  }
0xc1: {  	[sflag:s0] =	ssyncadd.remote.s32 $0x1  }
0xc2: {  	_ =	sfence.sel $0xFFFF  }
0xc3: {  	[dreg:$0x0] =	wrdreg $0xFFFFFFFF;
	(pc) =	sbr.abs _section_cstart, $3  }
0xc4: {  	[dreg:$0x1] =	wrdreg $0xFFFFFFFF  }
0xc5: {  	_ =	task.clear_ibuf [dreg:s8], $0x2FFFF;
	_ =	strace $0x9FFFFFFF  }
0xc6: {  	(tm) =	ssettm $0x7FFFFFFF  }
0xc7: {  	_ =	shalt  }
tec
execute0_lowered:
.L_overlay_start_1:
0x0: {  	(tag) =	ssettag $0x1  }
0x1: {  	s0 =	rddreg [dreg:$0x0]  }
0x2: {  	s2 =	rddreg [dreg:$0x1]  }
0x3: {  	s11 =	rddreg [dreg:$0x2]  }
0x4: {  	s1 =	srdreg.scid;
	s3 =	rddreg [dreg:$0x3]  }
0x5: {  	s22 =	stileid.u32;
	s4 =	rddreg [dreg:$0x4]  }
0x6: {  	s17 =	simm.s32 $0x2900;
	s18 =	simm.s32 $0x6A00;
	s12 =	smul.u32 $0x14000, s22  }
0x7: {  	s28 =	simm.s32 $0x20;
	s29 =	simm.s32 $0x10;
	s23 =	smul.u32 $0x50000, s22  }
0x8: {  	s30 =	simm.s32 $0x0;
	s10 =	sand.u32 $0x1, s1;
	s15 =	smul.u32 $0xA00, s22  }
0x9: {  	s7 =	sadd.s32 $0xF400, s2;
	s8 =	sadd.s32 $0xF600, s2;
	s16 =	smul.u32 $0x500, s22  }
0xa: {  	s31 =	sshll.u32 s22, $0x6;
	s5 =	sshll.u32 s10, $0x4;
	s9 =	smul.u32 $0x140000, s10  }
0xb: {  	s14 =	ssub.s32 $0x2, s10;
	s10 =	sshll.u32 s10, $0x7;
	s19 =	sor.u32 $0x1C03, s31  }
0xc: {  	s6 =	sor.u32 s22, s5;
	s5 =	simm.s32 $0x0;
	s24 =	sshrl.u32 s14, $0x1  }
0xd: {  	s25 =	sshrl.u32 s15, $0x2;
	s10 =	sor.u32 s10, s16;
	s15 =	simm.s32 $0x2800  }
0xe: {  	s16 =	simm.s32 $0x2A00;
	s22 =	simm.s32 $0xAA00;
	s6 =	smul.u32 $0x500, s6  }
0xf: {  	[smem:$0x7FF] =	sst s5;
	s9 =	sadd.s32 s12, s9;
	s14 =	ssub.s32 s14, s24  }
0x10: {  	s12 =	sshrl.u32 s23, $0x2;
	s21 =	sadd.s32 s25, s4;
	s26 =	sshrl.u32 s10, $0x3  }
0x11: {  	s23 =	simm.s32 $0x1;
	s24 =	simm.s32 $0x2880;
	s25 =	simm.s32 $0x2  }
0x12: {  	_ =	strace $0x80000047;
	s9 =	sshrl.u32 s9, $0x3;
	s20 =	sadd.s32 s12, s3  }
0x13: {  	s11 =	sadd.s32 s11, s26;
	s12 =	smax.u32 s14, $0x1;
	s14 =	simm.s32 $0x80  }
0x14: {  	s21 =	sshrl.u32 s21, $0x3;
	s26 =	simm.s32 $0x2980;
	s13 =	sadd.s32 s6, s2  }
0x15: {  	s6 =	sadd.s32 $0xCC00, s2;
	s2 =	sadd.s32 s9, s2;
	s20 =	sshrl.u32 s20, $0x3  }
0x16: {  	s9 =	sadd.s32 $0x2C00, s13;
	s10 =	sadd.s32 $0xF800, s2;
	s13 =	simm.s32 $0x3  }
.LBB2_1:
0x17: {  	[tilespmem:s5], [sflag:$0x3] =	stream.linear.gather [hbm4b:s9+s5], $0x2800, $0x38;
	[tilespmem:$0x1ED00] =	vst v63  }
0x18: {  	_ =	swait.ge [sflag:s13], $0x2800  }
0x19: {  	[sflag:s13] =	ssyncset.done $0x0  }
0x1a: {  	[sflag:s13] =	ssyncadd.s32 $0xFFFFD800  }
0x1b: {  	v0 =	vld [tilespmem:$0x0];
	_ =	sdelay $0x1  }
0x1c: {  	v1 =	vld [tilespmem:$0x10];
	_ =	sdelay $0x1  }
0x1d: {  	v2 =	vld [tilespmem:$0x20]  }
0x1e: {  	v3 =	vand.u32 $0xFFFF, v0  }
0x1f: {  	v63 =	vld [tilespmem:$0x30];
	v0 =	vshra.s32 v0, $0x10;
	[tilespmem:$0x2800] =	vst v3  }
0x20: {  	v6 =	vand.u32 $0xFFFF, v1;
	[tilespmem:$0x2880] =	vst v0  }
0x21: {  	v8 =	vld [tilespmem:$0x40];
	v7 =	vshra.s32 v1, $0x10;
	[tilespmem:$0x2810] =	vst v6  }
0x22: {  	v9 =	vand.u32 $0xFFFF, v2;
	[tilespmem:$0x2890] =	vst v7  }
0x23: {  	v11 =	vld [tilespmem:$0x50];
	v10 =	vshra.s32 v2, $0x10;
	[tilespmem:$0x2820] =	vst v9  }
0x24: {  	v12 =	vand.u32 $0xFFFF, v63;
	[tilespmem:$0x28A0] =	vst v10  }
0x25: {  	v14 =	vld [tilespmem:$0x60];
	v13 =	vshra.s32 v63, $0x10;
	[tilespmem:$0x2830] =	vst v12  }
0x26: {  	v15 =	vand.u32 $0xFFFF, v8;
	[tilespmem:$0x28B0] =	vst v13  }
0x27: {  	v17 =	vld [tilespmem:$0x70];
	v16 =	vshra.s32 v8, $0x10;
	[tilespmem:$0x2840] =	vst v15  }
0x28: {  	v18 =	vand.u32 $0xFFFF, v11;
	[tilespmem:$0x28C0] =	vst v16  }
0x29: {  	v20 =	vld [tilespmem:$0x80];
	v19 =	vshra.s32 v11, $0x10;
	[tilespmem:$0x2850] =	vst v18  }
0x2a: {  	v21 =	vand.u32 $0xFFFF, v14;
	[tilespmem:$0x28D0] =	vst v19  }
0x2b: {  	v23 =	vld [tilespmem:$0x90];
	v22 =	vshra.s32 v14, $0x10;
	[tilespmem:$0x2860] =	vst v21  }
0x2c: {  	v24 =	vand.u32 $0xFFFF, v17;
	[tilespmem:$0x28E0] =	vst v22  }
0x2d: {  	v26 =	vld [tilespmem:$0xA0];
	v25 =	vshra.s32 v17, $0x10;
	[tilespmem:$0x2870] =	vst v24  }
0x2e: {  	v27 =	vand.u32 $0xFFFF, v20;
	[tilespmem:$0x28F0] =	vst v25  }
0x2f: {  	v29 =	vld [tilespmem:$0xB0];
	v28 =	vshra.s32 v20, $0x10;
	[tilespmem:$0x2900] =	vst v27  }
0x30: {  	v30 =	vand.u32 $0xFFFF, v23;
	[tilespmem:$0x2980] =	vst v28  }
0x31: {  	v32 =	vld [tilespmem:$0xC0];
	v31 =	vshra.s32 v23, $0x10;
	[tilespmem:$0x2910] =	vst v30  }
0x32: {  	v33 =	vand.u32 $0xFFFF, v26;
	[tilespmem:$0x2990] =	vst v31  }
0x33: {  	v35 =	vld [tilespmem:$0xD0];
	v34 =	vshra.s32 v26, $0x10;
	[tilespmem:$0x2920] =	vst v33  }
0x34: {  	v36 =	vand.u32 $0xFFFF, v29;
	[tilespmem:$0x29A0] =	vst v34  }
0x35: {  	v38 =	vld [tilespmem:$0xE0];
	v37 =	vshra.s32 v29, $0x10;
	[tilespmem:$0x2930] =	vst v36  }
0x36: {  	v39 =	vand.u32 $0xFFFF, v32;
	[tilespmem:$0x29B0] =	vst v37  }
0x37: {  	v41 =	vld [tilespmem:$0xF0];
	v40 =	vshra.s32 v32, $0x10;
	[tilespmem:$0x2940] =	vst v39  }
0x38: {  	v42 =	vand.u32 $0xFFFF, v35;
	[tilespmem:$0x29C0] =	vst v40  }
0x39: {  	v43 =	vshra.s32 v35, $0x10;
	[tilespmem:$0x2950] =	vst v42  }
0x3a: {  	v44 =	vand.u32 $0xFFFF, v38;
	[tilespmem:$0x29D0] =	vst v43  }
0x3b: {  	v45 =	vshra.s32 v38, $0x10;
	[tilespmem:$0x2960] =	vst v44  }
0x3c: {  	v46 =	vand.u32 $0xFFFF, v41;
	[tilespmem:$0x29E0] =	vst v45  }
0x3d: {  	v47 =	vshra.s32 v41, $0x10;
	[tilespmem:$0x2970] =	vst v46  }
0x3e: {  	[tilespmem:$0x29F0] =	vst v47  }
0x3f: {  	[tilespmem:s16], [sflag:$0x1] =	stream.indirect.gather [hbm4b:s0+s14], $0x80, s15, s14, $0xb8;
	[tilespmem:$0x1ED00] =	vst v63  }
0x40: {  	_ = 	snop  }
0x41: {  	[tilespmem:s18], [sflag:$0x2] =	stream.indirect.gather [hbm4b:s0+s14], $0x80, s17, s14, $0xb8;
	[tilespmem:$0x1ED00] =	vst v63  }
0x42: {  	[spmem:s20], [sflag:s19] =	dma.local [hbm:s6], $0x2800  }
0x43: {  	_ =	swait.ge [sflag:s13], $0x2800  }
0x44: {  	[sflag:s13] =	ssyncset.done $0x0  }
0x45: {  	[sflag:s13] =	ssyncadd.s32 $0xFFFFD800  }
0x46: {  	[spmem:s21], [sflag:s19] =	dma.local [hbm:s7], $0x50  }
0x47: {  	_ =	swait.ge [sflag:s13], $0x50  }
0x48: {  	[sflag:s13] =	ssyncset.done $0x0  }
0x49: {  	[sflag:s13] =	ssyncadd.s32 $0xFFFFFFB0  }
0x4a: {  	[tilespmem:s22], [sflag:$0x3] =	stream.linear.gather [hbm4b:s8+s5], $0x80, $0x38;
	[tilespmem:$0x1ED00] =	vst v63  }
0x4b: {  	_ =	swait.ge [sflag:s13], $0x80  }
0x4c: {  	[sflag:s13] =	ssyncset.done $0x0  }
0x4d: {  	[sflag:s13] =	ssyncadd.s32 $0xFFFFFF80  }
0x4e: {  	[bflag:$0x0] =	sbarrier.arrive $0xFFFF  }
0x4f: {  	_ =	swait.ge [sflag:s23], $0x4000  }
0x50: {  	[sflag:s23] =	ssyncset.done $0x0  }
0x51: {  	[sflag:s23] =	ssyncadd.s32 $0xFFFFC000  }
0x52: {  	[spmem:s3] =	stream.indirect.scatter.add.f32 [tilespmem:s16], [sflag:$0x3], $0x80, s24, s14, $0xb8;
	[tilespmem:$0x1ED00] =	vst v63  }
0x53: {  	_ =	swait.ge [sflag:s13], $0x4000  }
0x54: {  	[sflag:s13] =	ssyncset.done $0x0  }
0x55: {  	[sflag:s13] =	ssyncadd.s32 $0xFFFFC000  }
0x56: {  	[spmem:s4] =	stream.indirect.scatter.add.f32 [tilespmem:s22], [sflag:$0x3], $0x1, s24, s14, $0xb8;
	[tilespmem:$0x1ED00] =	vst v63  }
0x57: {  	_ =	swait.ge [sflag:s13], $0x80  }
0x58: {  	[sflag:s13] =	ssyncset.done $0x0  }
0x59: {  	s31 =	simm.s32 $0x1F0;
	[sflag:s13] =	ssyncadd.s32 $0xFFFFFF80  }
0x5a: {  	v48 =	vld [tilespmem:s31+$0xFFFFFF10];
	_ =	sdelay $0x4  }
0x5b: {  	v49 =	vand.u32 $0xFFFF, v48  }
0x5c: {  	v0 =	vshra.s32 v48, $0x10;
	[tilespmem:$0x2800] =	vst v49  }
0x5d: {  	[tilespmem:$0x2880] =	vst v0  }
0x5e: {  	v0 =	vld [tilespmem:s31+$0xFFFFFF20];
	_ =	sdelay $0x4  }
0x5f: {  	v50 =	vand.u32 $0xFFFF, v0  }
0x60: {  	v0 =	vshra.s32 v0, $0x10;
	[tilespmem:$0x2810] =	vst v50  }
0x61: {  	[tilespmem:$0x2890] =	vst v0  }
0x62: {  	v0 =	vld [tilespmem:s31+$0xFFFFFF30];
	_ =	sdelay $0x4  }
0x63: {  	v51 =	vand.u32 $0xFFFF, v0  }
0x64: {  	v0 =	vshra.s32 v0, $0x10;
	[tilespmem:$0x2820] =	vst v51  }
0x65: {  	[tilespmem:$0x28A0] =	vst v0  }
0x66: {  	v0 =	vld [tilespmem:s31+$0xFFFFFF40];
	_ =	sdelay $0x4  }
0x67: {  	v52 =	vand.u32 $0xFFFF, v0  }
0x68: {  	v0 =	vshra.s32 v0, $0x10;
	[tilespmem:$0x2830] =	vst v52  }
0x69: {  	[tilespmem:$0x28B0] =	vst v0  }
0x6a: {  	v0 =	vld [tilespmem:s31+$0xFFFFFF50];
	_ =	sdelay $0x4  }
0x6b: {  	v53 =	vand.u32 $0xFFFF, v0  }
0x6c: {  	v0 =	vshra.s32 v0, $0x10;
	[tilespmem:$0x2840] =	vst v53  }
0x6d: {  	[tilespmem:$0x28C0] =	vst v0  }
0x6e: {  	v0 =	vld [tilespmem:s31+$0xFFFFFF60];
	_ =	sdelay $0x4  }
0x6f: {  	v54 =	vand.u32 $0xFFFF, v0  }
0x70: {  	v0 =	vshra.s32 v0, $0x10;
	[tilespmem:$0x2850] =	vst v54  }
0x71: {  	[tilespmem:$0x28D0] =	vst v0  }
0x72: {  	v0 =	vld [tilespmem:s31+$0xFFFFFF70];
	_ =	sdelay $0x4  }
0x73: {  	v55 =	vand.u32 $0xFFFF, v0  }
0x74: {  	v0 =	vshra.s32 v0, $0x10;
	[tilespmem:$0x2860] =	vst v55  }
0x75: {  	[tilespmem:$0x28E0] =	vst v0  }
0x76: {  	v0 =	vld [tilespmem:s31+$0xFFFFFF80];
	_ =	sdelay $0x4  }
0x77: {  	v56 =	vand.u32 $0xFFFF, v0  }
0x78: {  	v0 =	vshra.s32 v0, $0x10;
	[tilespmem:$0x2870] =	vst v56  }
0x79: {  	[tilespmem:$0x28F0] =	vst v0  }
0x7a: {  	[tilespmem:s16], [sflag:$0x1] =	stream.indirect.gather [hbm4b:s0+s14], $0x80, s15, s14, $0xb8;
	[tilespmem:$0x1ED00] =	vst v63  }
0x7b: {  	_ =	swait.ge [sflag:s25], $0x4000  }
0x7c: {  	[sflag:s25] =	ssyncset.done $0x0  }
0x7d: {  	[sflag:s25] =	ssyncadd.s32 $0xFFFFC000  }
0x7e: {  	[spmem:s3] =	stream.indirect.scatter.add.f32 [tilespmem:s18], [sflag:$0x3], $0x80, s26, s14, $0xb8;
	[tilespmem:$0x1ED00] =	vst v63  }
0x7f: {  	_ =	swait.ge [sflag:s13], $0x4000  }
0x80: {  	[sflag:s13] =	ssyncset.done $0x0  }
0x81: {  	[sflag:s13] =	ssyncadd.s32 $0xFFFFC000  }
0x82: {  	[spmem:s4] =	stream.indirect.scatter.add.f32 [tilespmem:s22], [sflag:$0x3], $0x1, s26, s14, $0xb8;
	[tilespmem:$0x1ED00] =	vst v63  }
0x83: {  	_ =	swait.ge [sflag:s13], $0x80  }
0x84: {  	[sflag:s13] =	ssyncset.done $0x0  }
0x85: {  	[sflag:s13] =	ssyncadd.s32 $0xFFFFFF80  }
0x86: {  	v57 =	vld [tilespmem:s31+$0xFFFFFF90];
	_ =	sdelay $0x4  }
0x87: {  	v58 =	vand.u32 $0xFFFF, v57  }
0x88: {  	v0 =	vshra.s32 v57, $0x10;
	[tilespmem:$0x2900] =	vst v58  }
0x89: {  	[tilespmem:$0x2980] =	vst v0  }
0x8a: {  	v0 =	vld [tilespmem:s31+$0xFFFFFFA0];
	_ =	sdelay $0x4  }
0x8b: {  	v59 =	vand.u32 $0xFFFF, v0  }
0x8c: {  	v0 =	vshra.s32 v0, $0x10;
	[tilespmem:$0x2910] =	vst v59  }
0x8d: {  	[tilespmem:$0x2990] =	vst v0  }
0x8e: {  	v0 =	vld [tilespmem:s31+$0xFFFFFFB0];
	_ =	sdelay $0x4  }
0x8f: {  	v60 =	vand.u32 $0xFFFF, v0  }
0x90: {  	v0 =	vshra.s32 v0, $0x10;
	[tilespmem:$0x2920] =	vst v60  }
0x91: {  	[tilespmem:$0x29A0] =	vst v0  }
0x92: {  	v0 =	vld [tilespmem:s31+$0xFFFFFFC0];
	_ =	sdelay $0x4  }
0x93: {  	v61 =	vand.u32 $0xFFFF, v0  }
0x94: {  	v0 =	vshra.s32 v0, $0x10;
	[tilespmem:$0x2930] =	vst v61  }
0x95: {  	[tilespmem:$0x29B0] =	vst v0  }
0x96: {  	v0 =	vld [tilespmem:s31+$0xFFFFFFD0];
	_ =	sdelay $0x4  }
0x97: {  	v62 =	vand.u32 $0xFFFF, v0  }
0x98: {  	v0 =	vshra.s32 v0, $0x10;
	[tilespmem:$0x2940] =	vst v62  }
0x99: {  	[tilespmem:$0x29C0] =	vst v0  }
0x9a: {  	v0 =	vld [tilespmem:s31+$0xFFFFFFE0];
	_ =	sdelay $0x4  }
0x9b: {  	v63 =	vand.u32 $0xFFFF, v0  }
0x9c: {  	v0 =	vshra.s32 v0, $0x10;
	[tilespmem:$0x2950] =	vst v63  }
0x9d: {  	s2 =	simm.s32 $0xBC0;
	[tilespmem:$0x29D0] =	vst v0  }
.LBB2_2:
0x9e: {  	p0 =	sne.s32 s2, $0x9FC0;
	v0 =	vld [tilespmem:s31+$0xFFFFFFF0];
	s1 =	smov.u32 s2;
	s2 =	sadd.s32 $0x400, s2  }
0x9f: {  	_ =	sdelay $0x3  }
0xa0: {  	v1 =	vand.u32 $0xFFFF, v0;
	v0 =	vshra.s32 v0, $0x10  }
0xa1: {  	[tilespmem:$0x2960] =	vst v1  }
0xa2: {  	[tilespmem:$0x29E0] =	vst v0  }
0xa3: {  	v0 =	vld [tilespmem:s31+$0x0];
	_ =	sdelay $0x4  }
0xa4: {  	v1 =	vand.u32 $0xFFFF, v0;
	v0 =	vshra.s32 v0, $0x10  }
0xa5: {  	[tilespmem:$0x2970] =	vst v1  }
0xa6: {  	[tilespmem:$0x29F0] =	vst v0  }
0xa7: {  	[tilespmem:s18], [sflag:$0x2] =	stream.indirect.gather [hbm4b:s0+s14], $0x80, s17, s14, $0xb8;
	[tilespmem:$0x1ED00] =	vst v63  }
0xa8: {  	_ =	swait.ge [sflag:s23], $0x4000  }
0xa9: {  	[sflag:s23] =	ssyncset.done $0x0  }
0xaa: {  	[sflag:s23] =	ssyncadd.s32 $0xFFFFC000  }
0xab: {  	[spmem:s3] =	stream.indirect.scatter.add.f32 [tilespmem:s16], [sflag:$0x3], $0x80, s24, s14, $0xb8;
	[tilespmem:$0x1ED00] =	vst v63  }
0xac: {  	_ =	swait.ge [sflag:s13], $0x4000  }
0xad: {  	[sflag:s13] =	ssyncset.done $0x0  }
0xae: {  	[sflag:s13] =	ssyncadd.s32 $0xFFFFC000  }
0xaf: {  	[spmem:s4] =	stream.indirect.scatter.add.f32 [tilespmem:s22], [sflag:$0x3], $0x1, s24, s14, $0xb8;
	[tilespmem:$0x1ED00] =	vst v63  }
0xb0: {  	_ =	swait.ge [sflag:s13], $0x80  }
0xb1: {  	[sflag:s13] =	ssyncset.done $0x0  }
0xb2: {  	s31 =	sshra.s32 s1, $0x2;
	[sflag:s13] =	ssyncadd.s32 $0xFFFFFF80  }
0xb3: {  	v0 =	vld [tilespmem:s31+$0xFFFFFF10];
	_ =	sdelay $0x4  }
0xb4: {  	v1 =	vand.u32 $0xFFFF, v0;
	v0 =	vshra.s32 v0, $0x10  }
0xb5: {  	[tilespmem:$0x2800] =	vst v1  }
0xb6: {  	[tilespmem:$0x2880] =	vst v0  }
0xb7: {  	v0 =	vld [tilespmem:s31+$0xFFFFFF20];
	_ =	sdelay $0x4  }
0xb8: {  	v1 =	vand.u32 $0xFFFF, v0;
	v0 =	vshra.s32 v0, $0x10  }
0xb9: {  	[tilespmem:$0x2810] =	vst v1  }
0xba: {  	[tilespmem:$0x2890] =	vst v0  }
0xbb: {  	v0 =	vld [tilespmem:s31+$0xFFFFFF30];
	_ =	sdelay $0x4  }
0xbc: {  	v1 =	vand.u32 $0xFFFF, v0;
	v0 =	vshra.s32 v0, $0x10  }
0xbd: {  	[tilespmem:$0x2820] =	vst v1  }
0xbe: {  	[tilespmem:$0x28A0] =	vst v0  }
0xbf: {  	v0 =	vld [tilespmem:s31+$0xFFFFFF40];
	_ =	sdelay $0x4  }
0xc0: {  	v1 =	vand.u32 $0xFFFF, v0;
	v0 =	vshra.s32 v0, $0x10  }
0xc1: {  	[tilespmem:$0x2830] =	vst v1  }
0xc2: {  	[tilespmem:$0x28B0] =	vst v0  }
0xc3: {  	v0 =	vld [tilespmem:s31+$0xFFFFFF50];
	_ =	sdelay $0x4  }
0xc4: {  	v1 =	vand.u32 $0xFFFF, v0;
	v0 =	vshra.s32 v0, $0x10  }
0xc5: {  	[tilespmem:$0x2840] =	vst v1  }
0xc6: {  	[tilespmem:$0x28C0] =	vst v0  }
0xc7: {  	v0 =	vld [tilespmem:s31+$0xFFFFFF60];
	_ =	sdelay $0x4  }
0xc8: {  	v1 =	vand.u32 $0xFFFF, v0;
	v0 =	vshra.s32 v0, $0x10  }
0xc9: {  	[tilespmem:$0x2850] =	vst v1  }
0xca: {  	[tilespmem:$0x28D0] =	vst v0  }
0xcb: {  	v0 =	vld [tilespmem:s31+$0xFFFFFF70];
	_ =	sdelay $0x4  }
0xcc: {  	v1 =	vand.u32 $0xFFFF, v0;
	v0 =	vshra.s32 v0, $0x10  }
0xcd: {  	[tilespmem:$0x2860] =	vst v1  }
0xce: {  	[tilespmem:$0x28E0] =	vst v0  }
0xcf: {  	v0 =	vld [tilespmem:s31+$0xFFFFFF80];
	_ =	sdelay $0x4  }
0xd0: {  	v1 =	vand.u32 $0xFFFF, v0;
	v0 =	vshra.s32 v0, $0x10  }
0xd1: {  	[tilespmem:$0x2870] =	vst v1  }
0xd2: {  	[tilespmem:$0x28F0] =	vst v0  }
0xd3: {  	[tilespmem:s16], [sflag:$0x1] =	stream.indirect.gather [hbm4b:s0+s14], $0x80, s15, s14, $0xb8;
	[tilespmem:$0x1ED00] =	vst v63  }
0xd4: {  	_ =	swait.ge [sflag:s25], $0x4000  }
0xd5: {  	[sflag:s25] =	ssyncset.done $0x0  }
0xd6: {  	[sflag:s25] =	ssyncadd.s32 $0xFFFFC000  }
0xd7: {  	[spmem:s3] =	stream.indirect.scatter.add.f32 [tilespmem:s18], [sflag:$0x3], $0x80, s26, s14, $0xb8;
	[tilespmem:$0x1ED00] =	vst v63  }
0xd8: {  	_ =	swait.ge [sflag:s13], $0x4000  }
0xd9: {  	[sflag:s13] =	ssyncset.done $0x0  }
0xda: {  	[sflag:s13] =	ssyncadd.s32 $0xFFFFC000  }
0xdb: {  	[spmem:s4] =	stream.indirect.scatter.add.f32 [tilespmem:s22], [sflag:$0x3], $0x1, s26, s14, $0xb8;
	[tilespmem:$0x1ED00] =	vst v63  }
0xdc: {  	_ =	swait.ge [sflag:s13], $0x80  }
0xdd: {  	[sflag:s13] =	ssyncset.done $0x0  }
0xde: {  	[sflag:s13] =	ssyncadd.s32 $0xFFFFFF80  }
0xdf: {  	v0 =	vld [tilespmem:s31+$0xFFFFFF90];
	_ =	sdelay $0x4  }
0xe0: {  	v1 =	vand.u32 $0xFFFF, v0;
	v0 =	vshra.s32 v0, $0x10  }
0xe1: {  	[tilespmem:$0x2900] =	vst v1  }
0xe2: {  	[tilespmem:$0x2980] =	vst v0  }
0xe3: {  	v0 =	vld [tilespmem:s31+$0xFFFFFFA0];
	_ =	sdelay $0x4  }
0xe4: {  	v1 =	vand.u32 $0xFFFF, v0;
	v0 =	vshra.s32 v0, $0x10  }
0xe5: {  	[tilespmem:$0x2910] =	vst v1  }
0xe6: {  	[tilespmem:$0x2990] =	vst v0  }
0xe7: {  	v0 =	vld [tilespmem:s31+$0xFFFFFFB0];
	_ =	sdelay $0x4  }
0xe8: {  	v1 =	vand.u32 $0xFFFF, v0;
	v0 =	vshra.s32 v0, $0x10  }
0xe9: {  	[tilespmem:$0x2920] =	vst v1  }
0xea: {  	[tilespmem:$0x29A0] =	vst v0  }
0xeb: {  	v0 =	vld [tilespmem:s31+$0xFFFFFFC0];
	_ =	sdelay $0x4  }
0xec: {  	v1 =	vand.u32 $0xFFFF, v0;
	v0 =	vshra.s32 v0, $0x10  }
0xed: {  	[tilespmem:$0x2930] =	vst v1  }
0xee: {  	[tilespmem:$0x29B0] =	vst v0  }
0xef: {  	v0 =	vld [tilespmem:s31+$0xFFFFFFD0];
	_ =	sdelay $0x4  }
0xf0: {  	v1 =	vand.u32 $0xFFFF, v0;
	v0 =	vshra.s32 v0, $0x10  }
0xf1: {  	[tilespmem:$0x2940] =	vst v1  }
0xf2: {  	[tilespmem:$0x29C0] =	vst v0  }
0xf3: {  	v0 =	vld [tilespmem:s31+$0xFFFFFFE0];
	_ =	sdelay $0x2  }
.Ltmp0:
0xf4: {  	(pc) =	sbr.rel @p0 .LBB2_2-.Ltmp0, $4  }
0xf5: {  	_ = 	snop  }
0xf6: {  	v1 =	vand.u32 $0xFFFF, v0;
	v0 =	vshra.s32 v0, $0x10  }
0xf7: {  	[tilespmem:$0x2950] =	vst v1  }
0xf8: {  	[tilespmem:$0x29D0] =	vst v0  }
0xf9: {  	v0 =	vld [tilespmem:s31+$0xFFFFFFF0];
	_ =	sdelay $0x4  }
0xfa: {  	v1 =	vand.u32 $0xFFFF, v0  }
0xfb: {  	v0 =	vshra.s32 v0, $0x10;
	[tilespmem:$0x2960] =	vst v1  }
0xfc: {  	[tilespmem:$0x29E0] =	vst v0  }
0xfd: {  	v0 =	vld [tilespmem:s31+$0x0];
	_ =	sdelay $0x4  }
0xfe: {  	v63 =	vand.u32 $0xFFFF, v0  }
0xff: {  	v0 =	vshra.s32 v0, $0x10;
	[tilespmem:$0x2970] =	vst v63  }
0x100: {  	[tilespmem:$0x29F0] =	vst v0  }
0x101: {  	[tilespmem:s18], [sflag:$0x2] =	stream.indirect.gather [hbm4b:s0+s14], $0x80, s17, s14, $0xb8;
	[tilespmem:$0x1ED00] =	vst v63  }
0x102: {  	_ =	swait.ge [sflag:s23], $0x4000  }
0x103: {  	[sflag:s23] =	ssyncset.done $0x0  }
0x104: {  	[sflag:s23] =	ssyncadd.s32 $0xFFFFC000  }
0x105: {  	[spmem:s3] =	stream.indirect.scatter.add.f32 [tilespmem:s16], [sflag:$0x3], $0x80, s24, s14, $0xb8;
	[tilespmem:$0x1ED00] =	vst v63  }
0x106: {  	_ =	swait.ge [sflag:s13], $0x4000  }
0x107: {  	[sflag:s13] =	ssyncset.done $0x0  }
0x108: {  	[sflag:s13] =	ssyncadd.s32 $0xFFFFC000  }
0x109: {  	[spmem:s4] =	stream.indirect.scatter.add.f32 [tilespmem:s22], [sflag:$0x3], $0x1, s24, s14, $0xb8;
	[tilespmem:$0x1ED00] =	vst v63  }
0x10a: {  	_ =	swait.ge [sflag:s13], $0x80  }
0x10b: {  	[sflag:s13] =	ssyncset.done $0x0  }
0x10c: {  	[sflag:s13] =	ssyncadd.s32 $0xFFFFFF80  }
0x10d: {  	_ =	swait.ge [sflag:s25], $0x4000  }
0x10e: {  	[sflag:s25] =	ssyncset.done $0x0  }
0x10f: {  	[sflag:s25] =	ssyncadd.s32 $0xFFFFC000  }
0x110: {  	[spmem:s3] =	stream.indirect.scatter.add.f32 [tilespmem:s18], [sflag:$0x3], $0x80, s26, s14, $0xb8;
	[tilespmem:$0x1ED00] =	vst v63  }
0x111: {  	_ =	swait.ge [sflag:s13], $0x4000  }
0x112: {  	[sflag:s13] =	ssyncset.done $0x0  }
0x113: {  	[sflag:s13] =	ssyncadd.s32 $0xFFFFC000  }
0x114: {  	[spmem:s4] =	stream.indirect.scatter.add.f32 [tilespmem:s22], [sflag:$0x3], $0x1, s26, s14, $0xb8;
	[tilespmem:$0x1ED00] =	vst v63  }
0x115: {  	_ =	swait.ge [sflag:s13], $0x80  }
0x116: {  	[sflag:s13] =	ssyncset.done $0x0  }
0x117: {  	[sflag:s13] =	ssyncadd.s32 $0xFFFFFF80  }
0x118: {  	[bflag:$0x0] =	sbarrier.arrive $0xFFFF  }
0x119: {  	[hbm:s10], [sflag:s19] =	dma.local [spmem:s20], $0x2800  }
0x11a: {  	s30 =	sadd.s32 $0x1, s30;
	_ =	swait.ge [sflag:s13], $0x2800  }
0x11b: {  	p0 =	sne.s32 s30, s12;
	[sflag:s13] =	ssyncset.done $0x0  }
.Ltmp1:
0x11c: {  	[sflag:s13] =	ssyncadd.s32 $0xFFFFD800;
	(pc) =	sbr.rel @p0 .LBB2_1-.Ltmp1, $4  }
0x11d: {  	[hbm:s11@s28], [sflag:s19] =	dma.strided [spmem:s21@s29], $0x50, s23, $0x10   }
0x11e: {  	_ =	swait.ge [sflag:s13], $0x50  }
0x11f: {  	[sflag:s13] =	ssyncset.done $0x0  }
0x120: {  	[sflag:s13] =	ssyncadd.s32 $0xFFFFFFB0  }
0x121: {  	_ =	sfence.sel $0x180000  }
0x122: {  	[bflag:$0x0] =	sbarrier.arrive $0xFFFF  }
0x123: {  	_ =	strace $0x90000047  }
0x124: {  	s0 =	stileid.u32;
	[bflag:$0x2] =	sbarrier.arrive $0xFFFF  }
0x125: {  	p0 =	sne.s32 s0, $0x0;
	s0 =	rddreg [dreg:$0x5]  }
0x126: {  	s0 =	sadd.s32 @!p0 $0x100000, s0  }
0x127: {  	[sflag:s0] =	ssyncadd.tile.s32 @!p0 $0x1;
	_ =	shalt  }
.Lfunc_end2:
_tile_overlayer_lowered:
.L_overlay_start_2:
0x128: {  	(tag) =	ssettag $0x2  }
0x129: {  	s0 =	rddreg [dreg:$0x0];
	s2 =	stileid.u32  }
0x12a: {  	s1 =	rddreg [dreg:$0x1];
	p0 =	sne.s32 s2, $0x0  }
0x12b: {  	s3 =	rddreg [dreg:$0x2];
	[bflag:$0x3] =	sbarrier.arrive $0xFFFF;
	s2 =	simm.s32 @!p0 $0x1C03  }
0x12c: {  	[timem:s3], [sflag:s2] =	dma.local @!p0 [hbm:s0], s1  }
0x12d: {  	s0 =	simm.s32 @!p0 $0x3  }
0x12e: {  	_ =	swait.ge @!p0 [sflag:s0], s1  }
0x12f: {  	s1 =	ssub.s32 @!p0 $0x0, s1;
	[sflag:s0] =	ssyncset.done @!p0 $0x0  }
0x130: {  	[sflag:s0] =	ssyncadd.s32 @!p0 s1  }
0x131: {  	[bflag:$0x3] =	sbarrier.arrive $0xFFFF  }
0x132: {  	_ =	shalt  }

</sc_bundles>
